<compile_context>
chip_gen: v7x
topology: tpu7x:2x2x1
jax: 0.10.2.dev20260603
libtpu: 0.0.44.dev20260713+nightly
codegen_flags: <defaults>
</compile_context>

<pallas_src>
import functools

import jax
import jax.numpy as jnp
from jax import lax
from jax.experimental import pallas as pl
from jax.experimental.pallas import tpu as pltpu
from jax.experimental.pallas import tpu_sc as plsc

_B = 16384
_D = 64
_NC = 2
_NS = 16
_NW = _NC * _NS
_CHUNK = _B // _NW
_LAG = 3
_SLOTS = 4


def _als_body(uid_hbm, iid_hbm, ut_hbm, it_hbm, ub_hbm, ib_hbm, out_hbm,
              uid_v, iid_v, fidx_v, ubuf, ibuf, ub_v, ib_v, out_v,
              sem_ids, sem_b, sem_u0, sem_u1, sem_u2, sem_u3,
              sem_i0, sem_i1, sem_i2, sem_i3):
    wid = lax.axis_index("s") * _NC + lax.axis_index("c")
    base = wid * _CHUNK

    cp_uid = pltpu.async_copy(uid_hbm.at[pl.ds(base, _CHUNK)], uid_v, sem_ids)
    cp_iid = pltpu.async_copy(iid_hbm.at[pl.ds(base, _CHUNK)], iid_v, sem_ids)
    for c in range(_D // 16):
        fidx_v[pl.ds(c * 16, 16)] = lax.iota(jnp.int32, 16) + c * 16
    cp_uid.wait()
    cp_iid.wait()

    cp_ub = pltpu.async_copy(ub_hbm.at[uid_v], ub_v, sem_b)
    cp_ib = pltpu.async_copy(ib_hbm.at[iid_v], ib_v, sem_b)
    cp_ub.wait()
    cp_ib.wait()

    lanes = lax.iota(jnp.int32, 16)
    lanes16 = [lanes + 16 * c for c in range(_D // 16)]
    sems_u = (sem_u0, sem_u1, sem_u2, sem_u3)
    sems_i = (sem_i0, sem_i1, sem_i2, sem_i3)

    def fire(slot, ru, ri):
        ro = pl.multiple_of((ru >> 7) * 128, 128)
        so = pl.multiple_of((ri >> 7) * 128, 128)
        pltpu.async_copy(ut_hbm.at[fidx_v, pl.ds(ro, 128)],
                         ubuf.at[slot], sems_u[slot])
        pltpu.async_copy(it_hbm.at[fidx_v, pl.ds(so, 128)],
                         ibuf.at[slot], sems_i[slot])

    def drain(slot, ru, ri):
        ro = pl.multiple_of((ru >> 7) * 128, 128)
        so = pl.multiple_of((ri >> 7) * 128, 128)
        pltpu.make_async_copy(ut_hbm.at[fidx_v, pl.ds(ro, 128)],
                              ubuf.at[slot], sems_u[slot]).wait()
        pltpu.make_async_copy(it_hbm.at[fidx_v, pl.ds(so, 128)],
                              ibuf.at[slot], sems_i[slot]).wait()


    def group(g, carry):
        goff = pl.multiple_of(g * 16, 16)
        noff = pl.multiple_of(jnp.minimum(g + 1, _CHUNK // 16 - 1) * 16, 16)
        ucur = uid_v[pl.ds(goff, 16)]
        icur = iid_v[pl.ds(goff, 16)]
        unext = uid_v[pl.ds(noff, 16)]
        inext = iid_v[pl.ds(noff, 16)]
        tot = jnp.zeros((16,), jnp.float32)
        cps = {}

        def fire2(j):
            slot = j & (_SLOTS - 1)
            ro = pl.multiple_of((ucur[j] >> 7) * 128, 128)
            so = pl.multiple_of((icur[j] >> 7) * 128, 128)
            cu = pltpu.async_copy(ut_hbm.at[:, pl.ds(ro, 128)],
                                  ubuf.at[slot], sems_u[slot])
            ci = pltpu.async_copy(it_hbm.at[:, pl.ds(so, 128)],
                                  ibuf.at[slot], sems_i[slot])
            cps[j] = (cu, ci)

        for j in range(_LAG):
            fire2(j)
        for j in range(16):
            b = g * 16 + j
            if j + _LAG < 16:
                fire2(j + _LAG)
            cu, ci = cps.pop(j)
            cu.wait()
            ci.wait()
            slot16 = jnp.full((16,), j & (_SLOTS - 1), jnp.int32)
            cu16 = jnp.full((16,), ucur[j] & 127, jnp.int32)
            ci16 = jnp.full((16,), icur[j] & 127, jnp.int32)
            acc = jnp.zeros((16,), jnp.float32)
            for c in range(_D // 16):
                gu = plsc.load_gather(ubuf, [slot16, lanes16[c], cu16])
                gi = plsc.load_gather(ibuf, [slot16, lanes16[c], ci16])
                acc = acc + gu * gi
            tot = jnp.where(lanes == j, jnp.sum(acc), tot)
        out_v[pl.ds(goff, 16)] = (tot + ub_v[pl.ds(goff, 16)]
                                  + ib_v[pl.ds(goff, 16)])
        return carry

    lax.fori_loop(0, _CHUNK // 16, group, 0)

    pltpu.sync_copy(out_v, out_hbm.at[pl.ds(base, _CHUNK)])


_als = functools.partial(
    pl.kernel,
    out_type=jax.ShapeDtypeStruct((_B,), jnp.float32),
    mesh=plsc.VectorSubcoreMesh(core_axis_name="c", subcore_axis_name="s",
                                num_cores=_NC, num_subcores=_NS),
    compiler_params=pltpu.CompilerParams(needs_layout_passes=False,
                                         use_tc_tiling_on_sc=True),
    scratch_types=[
        pltpu.VMEM((_CHUNK,), jnp.int32),
        pltpu.VMEM((_CHUNK,), jnp.int32),
        pltpu.VMEM((_D,), jnp.int32),
        pltpu.VMEM((_SLOTS, _D, 128), jnp.float32),
        pltpu.VMEM((_SLOTS, _D, 128), jnp.float32),
        pltpu.VMEM((_CHUNK,), jnp.float32),
        pltpu.VMEM((_CHUNK,), jnp.float32),
        pltpu.VMEM((_CHUNK,), jnp.float32),
        pltpu.SemaphoreType.DMA,
        pltpu.SemaphoreType.DMA,
        pltpu.SemaphoreType.DMA,
        pltpu.SemaphoreType.DMA,
        pltpu.SemaphoreType.DMA,
        pltpu.SemaphoreType.DMA,
        pltpu.SemaphoreType.DMA,
        pltpu.SemaphoreType.DMA,
        pltpu.SemaphoreType.DMA,
        pltpu.SemaphoreType.DMA,
    ],
)(_als_body)


def kernel(user_id, item_id, u, i, u_bias, i_bias):
    return _als(user_id.astype(jnp.int32), item_id.astype(jnp.int32),
                u.T, i.T, u_bias, i_bias)

# --- scband reference (transcript-rebuilt; emitter-appended) ---
"""Pipeline reference for scband-als-with-bias-layer-53970559042287 (READ-ONLY COPY).

The authoritative reference and input builder live on the scoring server;
editing this copy changes nothing except your own understanding.
"""

import jax, jax.numpy as jnp
import numpy as np

USER_NUM = 1000000
ITEM_NUM = 1000000
LATENT_DIM = 64
BATCH = 16384

def setup_inputs(seed: int = 0) -> dict:
    key = jax.random.key(seed)
    k1, k2, k3, k4 = jax.random.split(key, 4)
    user_id = jax.random.randint(k1, (BATCH,), 0, USER_NUM, dtype=jnp.int64 if jax.config.jax_enable_x64 else jnp.int32)
    item_id = jax.random.randint(k2, (BATCH,), 0, ITEM_NUM, dtype=jnp.int64 if jax.config.jax_enable_x64 else jnp.int32)
    u = jax.random.normal(k3, (USER_NUM, LATENT_DIM), dtype=jnp.float32) * 0.05
    i = jax.random.normal(k4, (ITEM_NUM, LATENT_DIM), dtype=jnp.float32) * 0.05
    u_bias = jnp.zeros((USER_NUM,), dtype=jnp.float32)
    i_bias = jnp.zeros((ITEM_NUM,), dtype=jnp.float32)
    return {"user_id": user_id, "item_id": item_id, "u": u, "i": i, "u_bias": u_bias, "i_bias": i_bias}

def reference(user_id, item_id, u, i, u_bias, i_bias):
    latent_user = jnp.take(u, user_id, axis=0)
    latent_item = jnp.take(i, item_id, axis=0)
    user_bias = jnp.take(u_bias, user_id, axis=0)
    item_bias = jnp.take(i_bias, item_id, axis=0)
    outputs = jnp.sum(latent_user * latent_item, axis=-1)
    outputs = outputs + user_bias + item_bias
    return outputs

if __name__ == "__main__":
    import jax
    _d = setup_inputs()
    print(jax.jit(kernel)(*tuple(_d.values())))

</pallas_src>

<mosaic_0001>
#map = affine_map<(d0, d1) -> (0)>
#map1 = affine_map<(d0, d1) -> (0, 0)>
module attributes {stable_mosaic.version = 14 : i64} {
  func.func @_als_body(%arg0: i32, %arg1: i32, %arg2: memref<16384xi32, #tpu.memory_space<hbm>>, %arg3: memref<16384xi32, #tpu.memory_space<hbm>>, %arg4: memref<64x1000000xf32, #tpu.memory_space<hbm>>, %arg5: memref<64x1000000xf32, #tpu.memory_space<hbm>>, %arg6: memref<1000000xf32, #tpu.memory_space<hbm>>, %arg7: memref<1000000xf32, #tpu.memory_space<hbm>>, %arg8: memref<16384xf32, #tpu.memory_space<hbm>>, %arg9: memref<512xi32, #tpu.memory_space<vmem>>, %arg10: memref<512xi32, #tpu.memory_space<vmem>>, %arg11: memref<64xi32, #tpu.memory_space<vmem>>, %arg12: memref<4x64x128xf32, #tpu.memory_space<vmem>>, %arg13: memref<4x64x128xf32, #tpu.memory_space<vmem>>, %arg14: memref<512xf32, #tpu.memory_space<vmem>>, %arg15: memref<512xf32, #tpu.memory_space<vmem>>, %arg16: memref<512xf32, #tpu.memory_space<vmem>>, %arg17: memref<!tpu.dma_semaphore, #tpu.memory_space<semaphore_mem>>, %arg18: memref<!tpu.dma_semaphore, #tpu.memory_space<semaphore_mem>>, %arg19: memref<!tpu.dma_semaphore, #tpu.memory_space<semaphore_mem>>, %arg20: memref<!tpu.dma_semaphore, #tpu.memory_space<semaphore_mem>>, %arg21: memref<!tpu.dma_semaphore, #tpu.memory_space<semaphore_mem>>, %arg22: memref<!tpu.dma_semaphore, #tpu.memory_space<semaphore_mem>>, %arg23: memref<!tpu.dma_semaphore, #tpu.memory_space<semaphore_mem>>, %arg24: memref<!tpu.dma_semaphore, #tpu.memory_space<semaphore_mem>>, %arg25: memref<!tpu.dma_semaphore, #tpu.memory_space<semaphore_mem>>, %arg26: memref<!tpu.dma_semaphore, #tpu.memory_space<semaphore_mem>>) attributes {dimension_semantics = [#tpu.dimension_semantics<core_parallel>, #tpu.dimension_semantics<subcore_parallel>], iteration_bounds = array<i64: 2, 16>, scalar_prefetch = 0 : i64, scratch_operands = 18 : i64, tpu.core_type = #tpu.core_type<sc_vector_subcore>, window_params = [{transform_indices = #map}, {transform_indices = #map}, {transform_indices = #map1}, {transform_indices = #map1}, {transform_indices = #map}, {transform_indices = #map}, {transform_indices = #map}]} {
    %mul3A = arith.constant 2 : i32
    %mul3A_0 = arith.muli %arg1, %mul3A : i32
    %add3A = arith.addi %mul3A_0, %arg0 : i32
    %mul3A_1 = arith.constant 512 : i32
    %mul3A_2 = arith.muli %add3A, %mul3A_1 : i32
    %dma_start3A = tpu.memref_slice %arg2[%mul3A_2] : memref<16384xi32, #tpu.memory_space<hbm>> -> memref<512xi32, #tpu.memory_space<hbm>>
    %dma_start3A_3 = tpu.memref_slice %arg2[%mul3A_2] : memref<16384xi32, #tpu.memory_space<hbm>> -> memref<512xi32, #tpu.memory_space<hbm>>
    tpu.enqueue_dma source(%dma_start3A_3 : memref<512xi32, #tpu.memory_space<hbm>>) target(%arg9 : memref<512xi32, #tpu.memory_space<vmem>>) target_semaphore(%arg17 : memref<!tpu.dma_semaphore, #tpu.memory_space<semaphore_mem>>)
    %dma_start3A_4 = tpu.memref_slice %arg3[%mul3A_2] : memref<16384xi32, #tpu.memory_space<hbm>> -> memref<512xi32, #tpu.memory_space<hbm>>
    %dma_start3A_5 = tpu.memref_slice %arg3[%mul3A_2] : memref<16384xi32, #tpu.memory_space<hbm>> -> memref<512xi32, #tpu.memory_space<hbm>>
    tpu.enqueue_dma source(%dma_start3A_5 : memref<512xi32, #tpu.memory_space<hbm>>) target(%arg10 : memref<512xi32, #tpu.memory_space<vmem>>) target_semaphore(%arg17 : memref<!tpu.dma_semaphore, #tpu.memory_space<semaphore_mem>>)
    %iota3A = tpu.iota {dimensions = array<i32: 0>} : vector<16xi32>
    %add3A_6 = arith.constant 0 : i32
    %add3A_7 = vector.broadcast %add3A_6 : i32 to vector<16xi32>
    %add3A_8 = arith.addi %iota3A, %add3A_7 : vector<16xi32>
    %swap3A = arith.constant 0 : index
    %swap3A_9 = tpu.vector_load %arg11[%swap3A] {strides = array<i32>} : memref<64xi32, #tpu.memory_space<vmem>>, vector<16xi32>,
    tpu.vector_store %arg11[%swap3A], %add3A_8 {strides = array<i32>} : memref<64xi32, #tpu.memory_space<vmem>>, vector<16xi32>,
    %iota3A_10 = tpu.iota {dimensions = array<i32: 0>} : vector<16xi32>
    %add3A_11 = arith.constant 16 : i32
    %add3A_12 = vector.broadcast %add3A_11 : i32 to vector<16xi32>
    %add3A_13 = arith.addi %iota3A_10, %add3A_12 : vector<16xi32>
    %swap3A_14 = arith.constant 16 : index
    %swap3A_15 = tpu.vector_load %arg11[%swap3A_14] {strides = array<i32>} : memref<64xi32, #tpu.memory_space<vmem>>, vector<16xi32>,
    tpu.vector_store %arg11[%swap3A_14], %add3A_13 {strides = array<i32>} : memref<64xi32, #tpu.memory_space<vmem>>, vector<16xi32>,
    %iota3A_16 = tpu.iota {dimensions = array<i32: 0>} : vector<16xi32>
    %add3A_17 = arith.constant 32 : i32
    %add3A_18 = vector.broadcast %add3A_17 : i32 to vector<16xi32>
    %add3A_19 = arith.addi %iota3A_16, %add3A_18 : vector<16xi32>
    %swap3A_20 = arith.constant 32 : index
    %swap3A_21 = tpu.vector_load %arg11[%swap3A_20] {strides = array<i32>} : memref<64xi32, #tpu.memory_space<vmem>>, vector<16xi32>,
    tpu.vector_store %arg11[%swap3A_20], %add3A_19 {strides = array<i32>} : memref<64xi32, #tpu.memory_space<vmem>>, vector<16xi32>,
    %iota3A_22 = tpu.iota {dimensions = array<i32: 0>} : vector<16xi32>
    %add3A_23 = arith.constant 48 : i32
    %add3A_24 = vector.broadcast %add3A_23 : i32 to vector<16xi32>
    %add3A_25 = arith.addi %iota3A_22, %add3A_24 : vector<16xi32>
    %swap3A_26 = arith.constant 48 : index
    %swap3A_27 = tpu.vector_load %arg11[%swap3A_26] {strides = array<i32>} : memref<64xi32, #tpu.memory_space<vmem>>, vector<16xi32>,
    tpu.vector_store %arg11[%swap3A_26], %add3A_25 {strides = array<i32>} : memref<64xi32, #tpu.memory_space<vmem>>, vector<16xi32>,
    %dma_wait3A = tpu.memref_slice %arg2[%mul3A_2] : memref<16384xi32, #tpu.memory_space<hbm>> -> memref<512xi32, #tpu.memory_space<hbm>>
    %dma_wait3A_28 = tpu.memref_slice %arg2[%mul3A_2] : memref<16384xi32, #tpu.memory_space<hbm>> -> memref<512xi32, #tpu.memory_space<hbm>>
    tpu.wait_dma2 semaphore(%arg17 : memref<!tpu.dma_semaphore, #tpu.memory_space<semaphore_mem>>) src(%dma_wait3A_28 : memref<512xi32, #tpu.memory_space<hbm>>) dst(%arg9 : memref<512xi32, #tpu.memory_space<vmem>>)
    %dma_wait3A_29 = tpu.memref_slice %arg3[%mul3A_2] : memref<16384xi32, #tpu.memory_space<hbm>> -> memref<512xi32, #tpu.memory_space<hbm>>
    %dma_wait3A_30 = tpu.memref_slice %arg3[%mul3A_2] : memref<16384xi32, #tpu.memory_space<hbm>> -> memref<512xi32, #tpu.memory_space<hbm>>
    tpu.wait_dma2 semaphore(%arg17 : memref<!tpu.dma_semaphore, #tpu.memory_space<semaphore_mem>>) src(%dma_wait3A_30 : memref<512xi32, #tpu.memory_space<hbm>>) dst(%arg10 : memref<512xi32, #tpu.memory_space<vmem>>)
    %dma_start3A_31 = arith.constant 0 : i32
    %dma_start3A_32 = tpu.memref_slice %arg6[%dma_start3A_31] : memref<1000000xf32, #tpu.memory_space<hbm>> -> memref<1000000xf32, #tpu.memory_space<hbm>>
    tpu.enqueue_indirect_dma source(%dma_start3A_32 : memref<1000000xf32, #tpu.memory_space<hbm>>) target(%arg14 : memref<512xf32, #tpu.memory_space<vmem>>) offsets(%arg9 : memref<512xi32, #tpu.memory_space<vmem>>) semaphore(%arg18 : memref<!tpu.dma_semaphore, #tpu.memory_space<semaphore_mem>>)
    %dma_start3A_33 = arith.constant 0 : i32
    %dma_start3A_34 = tpu.memref_slice %arg7[%dma_start3A_33] : memref<1000000xf32, #tpu.memory_space<hbm>> -> memref<1000000xf32, #tpu.memory_space<hbm>>
    tpu.enqueue_indirect_dma source(%dma_start3A_34 : memref<1000000xf32, #tpu.memory_space<hbm>>) target(%arg15 : memref<512xf32, #tpu.memory_space<vmem>>) offsets(%arg10 : memref<512xi32, #tpu.memory_space<vmem>>) semaphore(%arg18 : memref<!tpu.dma_semaphore, #tpu.memory_space<semaphore_mem>>)
    %dma_wait3A_35 = arith.constant 0 : i32
    %dma_wait3A_36 = tpu.memref_slice %arg6[%dma_wait3A_35] : memref<1000000xf32, #tpu.memory_space<hbm>> -> memref<1000000xf32, #tpu.memory_space<hbm>>
    tpu.wait_indirect_dma semaphore(%arg18 : memref<!tpu.dma_semaphore, #tpu.memory_space<semaphore_mem>>) src(%dma_wait3A_36 : memref<1000000xf32, #tpu.memory_space<hbm>>) dst(%arg14 : memref<512xf32, #tpu.memory_space<vmem>>)
    %dma_wait3A_37 = arith.constant 0 : i32
    %dma_wait3A_38 = tpu.memref_slice %arg7[%dma_wait3A_37] : memref<1000000xf32, #tpu.memory_space<hbm>> -> memref<1000000xf32, #tpu.memory_space<hbm>>
    tpu.wait_indirect_dma semaphore(%arg18 : memref<!tpu.dma_semaphore, #tpu.memory_space<semaphore_mem>>) src(%dma_wait3A_38 : memref<1000000xf32, #tpu.memory_space<hbm>>) dst(%arg15 : memref<512xf32, #tpu.memory_space<vmem>>)
    %iota3A_39 = tpu.iota {dimensions = array<i32: 0>} : vector<16xi32>
    %add3A_40 = arith.constant 0 : i32
    %add3A_41 = vector.broadcast %add3A_40 : i32 to vector<16xi32>
    %add3A_42 = arith.addi %iota3A_39, %add3A_41 : vector<16xi32>
    %add3A_43 = arith.constant 16 : i32
    %add3A_44 = vector.broadcast %add3A_43 : i32 to vector<16xi32>
    %add3A_45 = arith.addi %iota3A_39, %add3A_44 : vector<16xi32>
    %add3A_46 = arith.constant 32 : i32
    %add3A_47 = vector.broadcast %add3A_46 : i32 to vector<16xi32>
    %add3A_48 = arith.addi %iota3A_39, %add3A_47 : vector<16xi32>
    %add3A_49 = arith.constant 48 : i32
    %add3A_50 = vector.broadcast %add3A_49 : i32 to vector<16xi32>
    %add3A_51 = arith.addi %iota3A_39, %add3A_50 : vector<16xi32>
    %scan3A = arith.constant 0 : i32
    %scan3A_52 = arith.constant 0 : i32
    %scan3A_53 = arith.constant 32 : i32
    %scan3A_54 = arith.addi %scan3A_52, %scan3A_53 : i32
    %scan3A_55 = arith.constant 1 : i32
    scf.for %scan3A_57 = %scan3A_52 to %scan3A_54 step %scan3A_55  : i32 {
      %mul3A_58 = arith.constant 16 : i32
      %mul3A_59 = arith.muli %scan3A_57, %mul3A_58 : i32
      %multiple_of3A = tpu.assume_multiple %mul3A_59, 16 : i32
      %add3A_60 = arith.constant 1 : i32
      %add3A_61 = arith.addi %scan3A_57, %add3A_60 : i32
      %min3A = arith.constant 31 : i32
      %min3A_62 = arith.minsi %add3A_61, %min3A : i32
      %mul3A_63 = arith.constant 16 : i32
      %mul3A_64 = arith.muli %min3A_62, %mul3A_63 : i32
      %multiple_of3A_65 = tpu.assume_multiple %mul3A_64, 16 : i32
      %get3A = arith.index_cast %multiple_of3A : i32 to index
      %get3A_66 = tpu.vector_load %arg9[%get3A] {strides = array<i32>} : memref<512xi32, #tpu.memory_space<vmem>>, vector<16xi32>,
      %get3A_67 = arith.index_cast %multiple_of3A : i32 to index
      %get3A_68 = tpu.vector_load %arg10[%get3A_67] {strides = array<i32>} : memref<512xi32, #tpu.memory_space<vmem>>, vector<16xi32>,
      %get3A_69 = arith.index_cast %multiple_of3A_65 : i32 to index
      %get3A_70 = tpu.vector_load %arg9[%get3A_69] {strides = array<i32>} : memref<512xi32, #tpu.memory_space<vmem>>, vector<16xi32>,
      %get3A_71 = arith.index_cast %multiple_of3A_65 : i32 to index
      %get3A_72 = tpu.vector_load %arg10[%get3A_71] {strides = array<i32>} : memref<512xi32, #tpu.memory_space<vmem>>, vector<16xi32>,
      %broadcast_in_dim3A = arith.constant 0.000000e+00 : f32
      %broadcast_in_dim3A_73 = vector.broadcast %broadcast_in_dim3A : f32 to vector<16xf32>
      %slice3A = vector.extract_strided_slice %get3A_66 {offsets = [0], sizes = [1], strides = [1]} : vector<16xi32> to vector<1xi32>
      %squeeze3A = vector.extract %slice3A[0] : i32 from vector<1xi32>
      %shift_right_arithmetic3A = arith.constant 7 : i32
      %shift_right_arithmetic3A_74 = arith.shrsi %squeeze3A, %shift_right_arithmetic3A : i32
      %mul3A_75 = arith.constant 128 : i32
      %mul3A_76 = arith.muli %shift_right_arithmetic3A_74, %mul3A_75 : i32
      %multiple_of3A_77 = tpu.assume_multiple %mul3A_76, 128 : i32
      %slice3A_78 = vector.extract_strided_slice %get3A_68 {offsets = [0], sizes = [1], strides = [1]} : vector<16xi32> to vector<1xi32>
      %squeeze3A_79 = vector.extract %slice3A_78[0] : i32 from vector<1xi32>
      %shift_right_arithmetic3A_80 = arith.constant 7 : i32
      %shift_right_arithmetic3A_81 = arith.shrsi %squeeze3A_79, %shift_right_arithmetic3A_80 : i32
      %mul3A_82 = arith.constant 128 : i32
      %mul3A_83 = arith.muli %shift_right_arithmetic3A_81, %mul3A_82 : i32
      %multiple_of3A_84 = tpu.assume_multiple %mul3A_83, 128 : i32
      %dma_start3A_85 = arith.constant 0 : i32
      %dma_start3A_86 = arith.constant 0 : i32
      %dma_start3A_87 = arith.constant 0 : i32
      %dma_start3A_88 = tpu.memref_slice %arg12[%dma_start3A_85, %dma_start3A_86, %dma_start3A_87] : memref<4x64x128xf32, #tpu.memory_space<vmem>> -> memref<1x64x128xf32, #tpu.memory_space<vmem>>
      %dma_start3A_89 = tpu.memref_squeeze %dma_start3A_88 : memref<1x64x128xf32, #tpu.memory_space<vmem>> -> memref<64x128xf32, #tpu.memory_space<vmem>>
      %dma_start3A_90 = arith.constant 0 : i32
      %dma_start3A_91 = tpu.memref_slice %arg4[%dma_start3A_90, %multiple_of3A_77] : memref<64x1000000xf32, #tpu.memory_space<hbm>> -> memref<64x128xf32, #tpu.memory_space<hbm>>
      %dma_start3A_92 = arith.constant 0 : i32
      %dma_start3A_93 = arith.constant 0 : i32
      %dma_start3A_94 = tpu.memref_slice %arg12[%dma_start3A_85, %dma_start3A_92, %dma_start3A_93] : memref<4x64x128xf32, #tpu.memory_space<vmem>> -> memref<1x64x128xf32, #tpu.memory_space<vmem>>
      %dma_start3A_95 = tpu.memref_squeeze %dma_start3A_94 : memref<1x64x128xf32, #tpu.memory_space<vmem>> -> memref<64x128xf32, #tpu.memory_space<vmem>>
      %dma_start3A_96 = arith.constant 0 : i32
      %dma_start3A_97 = tpu.memref_slice %arg4[%dma_start3A_96, %multiple_of3A_77] : memref<64x1000000xf32, #tpu.memory_space<hbm>> -> memref<64x128xf32, #tpu.memory_space<hbm>>
      tpu.enqueue_dma source(%dma_start3A_97 : memref<64x128xf32, #tpu.memory_space<hbm>>) target(%dma_start3A_95 : memref<64x128xf32, #tpu.memory_space<vmem>>) target_semaphore(%arg19 : memref<!tpu.dma_semaphore, #tpu.memory_space<semaphore_mem>>)
      %dma_start3A_98 = arith.constant 0 : i32
      %dma_start3A_99 = arith.constant 0 : i32
      %dma_start3A_100 = arith.constant 0 : i32
      %dma_start3A_101 = tpu.memref_slice %arg13[%dma_start3A_98, %dma_start3A_99, %dma_start3A_100] : memref<4x64x128xf32, #tpu.memory_space<vmem>> -> memref<1x64x128xf32, #tpu.memory_space<vmem>>
      %dma_start3A_102 = tpu.memref_squeeze %dma_start3A_101 : memref<1x64x128xf32, #tpu.memory_space<vmem>> -> memref<64x128xf32, #tpu.memory_space<vmem>>
      %dma_start3A_103 = arith.constant 0 : i32
      %dma_start3A_104 = tpu.memref_slice %arg5[%dma_start3A_103, %multiple_of3A_84] : memref<64x1000000xf32, #tpu.memory_space<hbm>> -> memref<64x128xf32, #tpu.memory_space<hbm>>
      %dma_start3A_105 = arith.constant 0 : i32
      %dma_start3A_106 = arith.constant 0 : i32
      %dma_start3A_107 = tpu.memref_slice %arg13[%dma_start3A_98, %dma_start3A_105, %dma_start3A_106] : memref<4x64x128xf32, #tpu.memory_space<vmem>> -> memref<1x64x128xf32, #tpu.memory_space<vmem>>
      %dma_start3A_108 = tpu.memref_squeeze %dma_start3A_107 : memref<1x64x128xf32, #tpu.memory_space<vmem>> -> memref<64x128xf32, #tpu.memory_space<vmem>>
      %dma_start3A_109 = arith.constant 0 : i32
      %dma_start3A_110 = tpu.memref_slice %arg5[%dma_start3A_109, %multiple_of3A_84] : memref<64x1000000xf32, #tpu.memory_space<hbm>> -> memref<64x128xf32, #tpu.memory_space<hbm>>
      tpu.enqueue_dma source(%dma_start3A_110 : memref<64x128xf32, #tpu.memory_space<hbm>>) target(%dma_start3A_108 : memref<64x128xf32, #tpu.memory_space<vmem>>) target_semaphore(%arg23 : memref<!tpu.dma_semaphore, #tpu.memory_space<semaphore_mem>>)
      %slice3A_111 = vector.extract_strided_slice %get3A_66 {offsets = [1], sizes = [1], strides = [1]} : vector<16xi32> to vector<1xi32>
      %squeeze3A_112 = vector.extract %slice3A_111[0] : i32 from vector<1xi32>
      %shift_right_arithmetic3A_113 = arith.constant 7 : i32
      %shift_right_arithmetic3A_114 = arith.shrsi %squeeze3A_112, %shift_right_arithmetic3A_113 : i32
      %mul3A_115 = arith.constant 128 : i32
      %mul3A_116 = arith.muli %shift_right_arithmetic3A_114, %mul3A_115 : i32
      %multiple_of3A_117 = tpu.assume_multiple %mul3A_116, 128 : i32
      %slice3A_118 = vector.extract_strided_slice %get3A_68 {offsets = [1], sizes = [1], strides = [1]} : vector<16xi32> to vector<1xi32>
      %squeeze3A_119 = vector.extract %slice3A_118[0] : i32 from vector<1xi32>
      %shift_right_arithmetic3A_120 = arith.constant 7 : i32
      %shift_right_arithmetic3A_121 = arith.shrsi %squeeze3A_119, %shift_right_arithmetic3A_120 : i32
      %mul3A_122 = arith.constant 128 : i32
      %mul3A_123 = arith.muli %shift_right_arithmetic3A_121, %mul3A_122 : i32
      %multiple_of3A_124 = tpu.assume_multiple %mul3A_123, 128 : i32
      %dma_start3A_125 = arith.constant 1 : i32
      %dma_start3A_126 = arith.constant 0 : i32
      %dma_start3A_127 = arith.constant 0 : i32
      %dma_start3A_128 = tpu.memref_slice %arg12[%dma_start3A_125, %dma_start3A_126, %dma_start3A_127] : memref<4x64x128xf32, #tpu.memory_space<vmem>> -> memref<1x64x128xf32, #tpu.memory_space<vmem>>
      %dma_start3A_129 = tpu.memref_squeeze %dma_start3A_128 : memref<1x64x128xf32, #tpu.memory_space<vmem>> -> memref<64x128xf32, #tpu.memory_space<vmem>>
      %dma_start3A_130 = arith.constant 0 : i32
      %dma_start3A_131 = tpu.memref_slice %arg4[%dma_start3A_130, %multiple_of3A_117] : memref<64x1000000xf32, #tpu.memory_space<hbm>> -> memref<64x128xf32, #tpu.memory_space<hbm>>
      %dma_start3A_132 = arith.constant 0 : i32
      %dma_start3A_133 = arith.constant 0 : i32
      %dma_start3A_134 = tpu.memref_slice %arg12[%dma_start3A_125, %dma_start3A_132, %dma_start3A_133] : memref<4x64x128xf32, #tpu.memory_space<vmem>> -> memref<1x64x128xf32, #tpu.memory_space<vmem>>
      %dma_start3A_135 = tpu.memref_squeeze %dma_start3A_134 : memref<1x64x128xf32, #tpu.memory_space<vmem>> -> memref<64x128xf32, #tpu.memory_space<vmem>>
      %dma_start3A_136 = arith.constant 0 : i32
      %dma_start3A_137 = tpu.memref_slice %arg4[%dma_start3A_136, %multiple_of3A_117] : memref<64x1000000xf32, #tpu.memory_space<hbm>> -> memref<64x128xf32, #tpu.memory_space<hbm>>
      tpu.enqueue_dma source(%dma_start3A_137 : memref<64x128xf32, #tpu.memory_space<hbm>>) target(%dma_start3A_135 : memref<64x128xf32, #tpu.memory_space<vmem>>) target_semaphore(%arg20 : memref<!tpu.dma_semaphore, #tpu.memory_space<semaphore_mem>>)
      %dma_start3A_138 = arith.constant 1 : i32
      %dma_start3A_139 = arith.constant 0 : i32
      %dma_start3A_140 = arith.constant 0 : i32
      %dma_start3A_141 = tpu.memref_slice %arg13[%dma_start3A_138, %dma_start3A_139, %dma_start3A_140] : memref<4x64x128xf32, #tpu.memory_space<vmem>> -> memref<1x64x128xf32, #tpu.memory_space<vmem>>
      %dma_start3A_142 = tpu.memref_squeeze %dma_start3A_141 : memref<1x64x128xf32, #tpu.memory_space<vmem>> -> memref<64x128xf32, #tpu.memory_space<vmem>>
      %dma_start3A_143 = arith.constant 0 : i32
      %dma_start3A_144 = tpu.memref_slice %arg5[%dma_start3A_143, %multiple_of3A_124] : memref<64x1000000xf32, #tpu.memory_space<hbm>> -> memref<64x128xf32, #tpu.memory_space<hbm>>
      %dma_start3A_145 = arith.constant 0 : i32
      %dma_start3A_146 = arith.constant 0 : i32
      %dma_start3A_147 = tpu.memref_slice %arg13[%dma_start3A_138, %dma_start3A_145, %dma_start3A_146] : memref<4x64x128xf32, #tpu.memory_space<vmem>> -> memref<1x64x128xf32, #tpu.memory_space<vmem>>
      %dma_start3A_148 = tpu.memref_squeeze %dma_start3A_147 : memref<1x64x128xf32, #tpu.memory_space<vmem>> -> memref<64x128xf32, #tpu.memory_space<vmem>>
      %dma_start3A_149 = arith.constant 0 : i32
      %dma_start3A_150 = tpu.memref_slice %arg5[%dma_start3A_149, %multiple_of3A_124] : memref<64x1000000xf32, #tpu.memory_space<hbm>> -> memref<64x128xf32, #tpu.memory_space<hbm>>
      tpu.enqueue_dma source(%dma_start3A_150 : memref<64x128xf32, #tpu.memory_space<hbm>>) target(%dma_start3A_148 : memref<64x128xf32, #tpu.memory_space<vmem>>) target_semaphore(%arg24 : memref<!tpu.dma_semaphore, #tpu.memory_space<semaphore_mem>>)
      %slice3A_151 = vector.extract_strided_slice %get3A_66 {offsets = [2], sizes = [1], strides = [1]} : vector<16xi32> to vector<1xi32>
      %squeeze3A_152 = vector.extract %slice3A_151[0] : i32 from vector<1xi32>
      %shift_right_arithmetic3A_153 = arith.constant 7 : i32
      %shift_right_arithmetic3A_154 = arith.shrsi %squeeze3A_152, %shift_right_arithmetic3A_153 : i32
      %mul3A_155 = arith.constant 128 : i32
      %mul3A_156 = arith.muli %shift_right_arithmetic3A_154, %mul3A_155 : i32
      %multiple_of3A_157 = tpu.assume_multiple %mul3A_156, 128 : i32
      %slice3A_158 = vector.extract_strided_slice %get3A_68 {offsets = [2], sizes = [1], strides = [1]} : vector<16xi32> to vector<1xi32>
      %squeeze3A_159 = vector.extract %slice3A_158[0] : i32 from vector<1xi32>
      %shift_right_arithmetic3A_160 = arith.constant 7 : i32
      %shift_right_arithmetic3A_161 = arith.shrsi %squeeze3A_159, %shift_right_arithmetic3A_160 : i32
      %mul3A_162 = arith.constant 128 : i32
      %mul3A_163 = arith.muli %shift_right_arithmetic3A_161, %mul3A_162 : i32
      %multiple_of3A_164 = tpu.assume_multiple %mul3A_163, 128 : i32
      %dma_start3A_165 = arith.constant 2 : i32
      %dma_start3A_166 = arith.constant 0 : i32
      %dma_start3A_167 = arith.constant 0 : i32
      %dma_start3A_168 = tpu.memref_slice %arg12[%dma_start3A_165, %dma_start3A_166, %dma_start3A_167] : memref<4x64x128xf32, #tpu.memory_space<vmem>> -> memref<1x64x128xf32, #tpu.memory_space<vmem>>
      %dma_start3A_169 = tpu.memref_squeeze %dma_start3A_168 : memref<1x64x128xf32, #tpu.memory_space<vmem>> -> memref<64x128xf32, #tpu.memory_space<vmem>>
      %dma_start3A_170 = arith.constant 0 : i32
      %dma_start3A_171 = tpu.memref_slice %arg4[%dma_start3A_170, %multiple_of3A_157] : memref<64x1000000xf32, #tpu.memory_space<hbm>> -> memref<64x128xf32, #tpu.memory_space<hbm>>
      %dma_start3A_172 = arith.constant 0 : i32
      %dma_start3A_173 = arith.constant 0 : i32
      %dma_start3A_174 = tpu.memref_slice %arg12[%dma_start3A_165, %dma_start3A_172, %dma_start3A_173] : memref<4x64x128xf32, #tpu.memory_space<vmem>> -> memref<1x64x128xf32, #tpu.memory_space<vmem>>
      %dma_start3A_175 = tpu.memref_squeeze %dma_start3A_174 : memref<1x64x128xf32, #tpu.memory_space<vmem>> -> memref<64x128xf32, #tpu.memory_space<vmem>>
      %dma_start3A_176 = arith.constant 0 : i32
      %dma_start3A_177 = tpu.memref_slice %arg4[%dma_start3A_176, %multiple_of3A_157] : memref<64x1000000xf32, #tpu.memory_space<hbm>> -> memref<64x128xf32, #tpu.memory_space<hbm>>
      tpu.enqueue_dma source(%dma_start3A_177 : memref<64x128xf32, #tpu.memory_space<hbm>>) target(%dma_start3A_175 : memref<64x128xf32, #tpu.memory_space<vmem>>) target_semaphore(%arg21 : memref<!tpu.dma_semaphore, #tpu.memory_space<semaphore_mem>>)
      %dma_start3A_178 = arith.constant 2 : i32
      %dma_start3A_179 = arith.constant 0 : i32
      %dma_start3A_180 = arith.constant 0 : i32
      %dma_start3A_181 = tpu.memref_slice %arg13[%dma_start3A_178, %dma_start3A_179, %dma_start3A_180] : memref<4x64x128xf32, #tpu.memory_space<vmem>> -> memref<1x64x128xf32, #tpu.memory_space<vmem>>
      %dma_start3A_182 = tpu.memref_squeeze %dma_start3A_181 : memref<1x64x128xf32, #tpu.memory_space<vmem>> -> memref<64x128xf32, #tpu.memory_space<vmem>>
      %dma_start3A_183 = arith.constant 0 : i32
      %dma_start3A_184 = tpu.memref_slice %arg5[%dma_start3A_183, %multiple_of3A_164] : memref<64x1000000xf32, #tpu.memory_space<hbm>> -> memref<64x128xf32, #tpu.memory_space<hbm>>
      %dma_start3A_185 = arith.constant 0 : i32
      %dma_start3A_186 = arith.constant 0 : i32
      %dma_start3A_187 = tpu.memref_slice %arg13[%dma_start3A_178, %dma_start3A_185, %dma_start3A_186] : memref<4x64x128xf32, #tpu.memory_space<vmem>> -> memref<1x64x128xf32, #tpu.memory_space<vmem>>
      %dma_start3A_188 = tpu.memref_squeeze %dma_start3A_187 : memref<1x64x128xf32, #tpu.memory_space<vmem>> -> memref<64x128xf32, #tpu.memory_space<vmem>>
      %dma_start3A_189 = arith.constant 0 : i32
      %dma_start3A_190 = tpu.memref_slice %arg5[%dma_start3A_189, %multiple_of3A_164] : memref<64x1000000xf32, #tpu.memory_space<hbm>> -> memref<64x128xf32, #tpu.memory_space<hbm>>
      tpu.enqueue_dma source(%dma_start3A_190 : memref<64x128xf32, #tpu.memory_space<hbm>>) target(%dma_start3A_188 : memref<64x128xf32, #tpu.memory_space<vmem>>) target_semaphore(%arg25 : memref<!tpu.dma_semaphore, #tpu.memory_space<semaphore_mem>>)
      %mul3A_191 = arith.constant 16 : i32
      %mul3A_192 = arith.muli %scan3A_57, %mul3A_191 : i32
      %add3A_193 = arith.constant 0 : i32
      %add3A_194 = arith.addi %mul3A_192, %add3A_193 : i32
      %slice3A_195 = vector.extract_strided_slice %get3A_66 {offsets = [3], sizes = [1], strides = [1]} : vector<16xi32> to vector<1xi32>
      %squeeze3A_196 = vector.extract %slice3A_195[0] : i32 from vector<1xi32>
      %shift_right_arithmetic3A_197 = arith.constant 7 : i32
      %shift_right_arithmetic3A_198 = arith.shrsi %squeeze3A_196, %shift_right_arithmetic3A_197 : i32
      %mul3A_199 = arith.constant 128 : i32
      %mul3A_200 = arith.muli %shift_right_arithmetic3A_198, %mul3A_199 : i32
      %multiple_of3A_201 = tpu.assume_multiple %mul3A_200, 128 : i32
      %slice3A_202 = vector.extract_strided_slice %get3A_68 {offsets = [3], sizes = [1], strides = [1]} : vector<16xi32> to vector<1xi32>
      %squeeze3A_203 = vector.extract %slice3A_202[0] : i32 from vector<1xi32>
      %shift_right_arithmetic3A_204 = arith.constant 7 : i32
      %shift_right_arithmetic3A_205 = arith.shrsi %squeeze3A_203, %shift_right_arithmetic3A_204 : i32
      %mul3A_206 = arith.constant 128 : i32
      %mul3A_207 = arith.muli %shift_right_arithmetic3A_205, %mul3A_206 : i32
      %multiple_of3A_208 = tpu.assume_multiple %mul3A_207, 128 : i32
      %dma_start3A_209 = arith.constant 3 : i32
      %dma_start3A_210 = arith.constant 0 : i32
      %dma_start3A_211 = arith.constant 0 : i32
      %dma_start3A_212 = tpu.memref_slice %arg12[%dma_start3A_209, %dma_start3A_210, %dma_start3A_211] : memref<4x64x128xf32, #tpu.memory_space<vmem>> -> memref<1x64x128xf32, #tpu.memory_space<vmem>>
      %dma_start3A_213 = tpu.memref_squeeze %dma_start3A_212 : memref<1x64x128xf32, #tpu.memory_space<vmem>> -> memref<64x128xf32, #tpu.memory_space<vmem>>
      %dma_start3A_214 = arith.constant 0 : i32
      %dma_start3A_215 = tpu.memref_slice %arg4[%dma_start3A_214, %multiple_of3A_201] : memref<64x1000000xf32, #tpu.memory_space<hbm>> -> memref<64x128xf32, #tpu.memory_space<hbm>>
      %dma_start3A_216 = arith.constant 0 : i32
      %dma_start3A_217 = arith.constant 0 : i32
      %dma_start3A_218 = tpu.memref_slice %arg12[%dma_start3A_209, %dma_start3A_216, %dma_start3A_217] : memref<4x64x128xf32, #tpu.memory_space<vmem>> -> memref<1x64x128xf32, #tpu.memory_space<vmem>>
      %dma_start3A_219 = tpu.memref_squeeze %dma_start3A_218 : memref<1x64x128xf32, #tpu.memory_space<vmem>> -> memref<64x128xf32, #tpu.memory_space<vmem>>
      %dma_start3A_220 = arith.constant 0 : i32
      %dma_start3A_221 = tpu.memref_slice %arg4[%dma_start3A_220, %multiple_of3A_201] : memref<64x1000000xf32, #tpu.memory_space<hbm>> -> memref<64x128xf32, #tpu.memory_space<hbm>>
      tpu.enqueue_dma source(%dma_start3A_221 : memref<64x128xf32, #tpu.memory_space<hbm>>) target(%dma_start3A_219 : memref<64x128xf32, #tpu.memory_space<vmem>>) target_semaphore(%arg22 : memref<!tpu.dma_semaphore, #tpu.memory_space<semaphore_mem>>)
      %dma_start3A_222 = arith.constant 3 : i32
      %dma_start3A_223 = arith.constant 0 : i32
      %dma_start3A_224 = arith.constant 0 : i32
      %dma_start3A_225 = tpu.memref_slice %arg13[%dma_start3A_222, %dma_start3A_223, %dma_start3A_224] : memref<4x64x128xf32, #tpu.memory_space<vmem>> -> memref<1x64x128xf32, #tpu.memory_space<vmem>>
      %dma_start3A_226 = tpu.memref_squeeze %dma_start3A_225 : memref<1x64x128xf32, #tpu.memory_space<vmem>> -> memref<64x128xf32, #tpu.memory_space<vmem>>
      %dma_start3A_227 = arith.constant 0 : i32
      %dma_start3A_228 = tpu.memref_slice %arg5[%dma_start3A_227, %multiple_of3A_208] : memref<64x1000000xf32, #tpu.memory_space<hbm>> -> memref<64x128xf32, #tpu.memory_space<hbm>>
      %dma_start3A_229 = arith.constant 0 : i32
      %dma_start3A_230 = arith.constant 0 : i32
      %dma_start3A_231 = tpu.memref_slice %arg13[%dma_start3A_222, %dma_start3A_229, %dma_start3A_230] : memref<4x64x128xf32, #tpu.memory_space<vmem>> -> memref<1x64x128xf32, #tpu.memory_space<vmem>>
      %dma_start3A_232 = tpu.memref_squeeze %dma_start3A_231 : memref<1x64x128xf32, #tpu.memory_space<vmem>> -> memref<64x128xf32, #tpu.memory_space<vmem>>
      %dma_start3A_233 = arith.constant 0 : i32
      %dma_start3A_234 = tpu.memref_slice %arg5[%dma_start3A_233, %multiple_of3A_208] : memref<64x1000000xf32, #tpu.memory_space<hbm>> -> memref<64x128xf32, #tpu.memory_space<hbm>>
      tpu.enqueue_dma source(%dma_start3A_234 : memref<64x128xf32, #tpu.memory_space<hbm>>) target(%dma_start3A_232 : memref<64x128xf32, #tpu.memory_space<vmem>>) target_semaphore(%arg26 : memref<!tpu.dma_semaphore, #tpu.memory_space<semaphore_mem>>)
      %dma_wait3A_235 = arith.constant 0 : i32
      %dma_wait3A_236 = arith.constant 0 : i32
      %dma_wait3A_237 = arith.constant 0 : i32
      %dma_wait3A_238 = tpu.memref_slice %arg12[%dma_wait3A_235, %dma_wait3A_236, %dma_wait3A_237] : memref<4x64x128xf32, #tpu.memory_space<vmem>> -> memref<1x64x128xf32, #tpu.memory_space<vmem>>
      %dma_wait3A_239 = tpu.memref_squeeze %dma_wait3A_238 : memref<1x64x128xf32, #tpu.memory_space<vmem>> -> memref<64x128xf32, #tpu.memory_space<vmem>>
      %dma_wait3A_240 = arith.constant 0 : i32
      %dma_wait3A_241 = tpu.memref_slice %arg4[%dma_wait3A_240, %multiple_of3A_77] : memref<64x1000000xf32, #tpu.memory_space<hbm>> -> memref<64x128xf32, #tpu.memory_space<hbm>>
      %dma_wait3A_242 = arith.constant 0 : i32
      %dma_wait3A_243 = arith.constant 0 : i32
      %dma_wait3A_244 = tpu.memref_slice %arg12[%dma_wait3A_235, %dma_wait3A_242, %dma_wait3A_243] : memref<4x64x128xf32, #tpu.memory_space<vmem>> -> memref<1x64x128xf32, #tpu.memory_space<vmem>>
      %dma_wait3A_245 = tpu.memref_squeeze %dma_wait3A_244 : memref<1x64x128xf32, #tpu.memory_space<vmem>> -> memref<64x128xf32, #tpu.memory_space<vmem>>
      %dma_wait3A_246 = arith.constant 0 : i32
      %dma_wait3A_247 = tpu.memref_slice %arg4[%dma_wait3A_246, %multiple_of3A_77] : memref<64x1000000xf32, #tpu.memory_space<hbm>> -> memref<64x128xf32, #tpu.memory_space<hbm>>
      tpu.wait_dma2 semaphore(%arg19 : memref<!tpu.dma_semaphore, #tpu.memory_space<semaphore_mem>>) src(%dma_wait3A_247 : memref<64x128xf32, #tpu.memory_space<hbm>>) dst(%dma_wait3A_245 : memref<64x128xf32, #tpu.memory_space<vmem>>)
      %dma_wait3A_248 = arith.constant 0 : i32
      %dma_wait3A_249 = arith.constant 0 : i32
      %dma_wait3A_250 = arith.constant 0 : i32
      %dma_wait3A_251 = tpu.memref_slice %arg13[%dma_wait3A_248, %dma_wait3A_249, %dma_wait3A_250] : memref<4x64x128xf32, #tpu.memory_space<vmem>> -> memref<1x64x128xf32, #tpu.memory_space<vmem>>
      %dma_wait3A_252 = tpu.memref_squeeze %dma_wait3A_251 : memref<1x64x128xf32, #tpu.memory_space<vmem>> -> memref<64x128xf32, #tpu.memory_space<vmem>>
      %dma_wait3A_253 = arith.constant 0 : i32
      %dma_wait3A_254 = tpu.memref_slice %arg5[%dma_wait3A_253, %multiple_of3A_84] : memref<64x1000000xf32, #tpu.memory_space<hbm>> -> memref<64x128xf32, #tpu.memory_space<hbm>>
      %dma_wait3A_255 = arith.constant 0 : i32
      %dma_wait3A_256 = arith.constant 0 : i32
      %dma_wait3A_257 = tpu.memref_slice %arg13[%dma_wait3A_248, %dma_wait3A_255, %dma_wait3A_256] : memref<4x64x128xf32, #tpu.memory_space<vmem>> -> memref<1x64x128xf32, #tpu.memory_space<vmem>>
      %dma_wait3A_258 = tpu.memref_squeeze %dma_wait3A_257 : memref<1x64x128xf32, #tpu.memory_space<vmem>> -> memref<64x128xf32, #tpu.memory_space<vmem>>
      %dma_wait3A_259 = arith.constant 0 : i32
      %dma_wait3A_260 = tpu.memref_slice %arg5[%dma_wait3A_259, %multiple_of3A_84] : memref<64x1000000xf32, #tpu.memory_space<hbm>> -> memref<64x128xf32, #tpu.memory_space<hbm>>
      tpu.wait_dma2 semaphore(%arg23 : memref<!tpu.dma_semaphore, #tpu.memory_space<semaphore_mem>>) src(%dma_wait3A_260 : memref<64x128xf32, #tpu.memory_space<hbm>>) dst(%dma_wait3A_258 : memref<64x128xf32, #tpu.memory_space<vmem>>)
      %broadcast_in_dim3A_261 = arith.constant 0 : i32
      %broadcast_in_dim3A_262 = vector.broadcast %broadcast_in_dim3A_261 : i32 to vector<16xi32>
      %slice3A_263 = vector.extract_strided_slice %get3A_66 {offsets = [0], sizes = [1], strides = [1]} : vector<16xi32> to vector<1xi32>
      %squeeze3A_264 = vector.extract %slice3A_263[0] : i32 from vector<1xi32>
      %and3A = arith.constant 127 : i32
      %and3A_265 = arith.andi %squeeze3A_264, %and3A : i32
      %broadcast_in_dim3A_266 = vector.broadcast %and3A_265 : i32 to vector<16xi32>
      %slice3A_267 = vector.extract_strided_slice %get3A_68 {offsets = [0], sizes = [1], strides = [1]} : vector<16xi32> to vector<1xi32>
      %squeeze3A_268 = vector.extract %slice3A_267[0] : i32 from vector<1xi32>
      %and3A_269 = arith.constant 127 : i32
      %and3A_270 = arith.andi %squeeze3A_268, %and3A_269 : i32
      %broadcast_in_dim3A_271 = vector.broadcast %and3A_270 : i32 to vector<16xi32>
      %broadcast_in_dim3A_272 = arith.constant 0.000000e+00 : f32
      %broadcast_in_dim3A_273 = vector.broadcast %broadcast_in_dim3A_272 : f32 to vector<16xf32>
      %gather3A = tpu.vector_load_idx %arg12[%broadcast_in_dim3A_262, %add3A_42, %broadcast_in_dim3A_266] : memref<4x64x128xf32, #tpu.memory_space<vmem>>[vector<16xi32>, vector<16xi32>, vector<16xi32>], vector<16xf32>,
      %gather3A_274 = tpu.vector_load_idx %arg13[%broadcast_in_dim3A_262, %add3A_42, %broadcast_in_dim3A_271] : memref<4x64x128xf32, #tpu.memory_space<vmem>>[vector<16xi32>, vector<16xi32>, vector<16xi32>], vector<16xf32>,
      %mul3A_275 = arith.mulf %gather3A, %gather3A_274 : vector<16xf32>
      %add3A_276 = arith.addf %broadcast_in_dim3A_273, %mul3A_275 : vector<16xf32>
      %gather3A_277 = tpu.vector_load_idx %arg12[%broadcast_in_dim3A_262, %add3A_45, %broadcast_in_dim3A_266] : memref<4x64x128xf32, #tpu.memory_space<vmem>>[vector<16xi32>, vector<16xi32>, vector<16xi32>], vector<16xf32>,
      %gather3A_278 = tpu.vector_load_idx %arg13[%broadcast_in_dim3A_262, %add3A_45, %broadcast_in_dim3A_271] : memref<4x64x128xf32, #tpu.memory_space<vmem>>[vector<16xi32>, vector<16xi32>, vector<16xi32>], vector<16xf32>,
      %mul3A_279 = arith.mulf %gather3A_277, %gather3A_278 : vector<16xf32>
      %add3A_280 = arith.addf %add3A_276, %mul3A_279 : vector<16xf32>
      %gather3A_281 = tpu.vector_load_idx %arg12[%broadcast_in_dim3A_262, %add3A_48, %broadcast_in_dim3A_266] : memref<4x64x128xf32, #tpu.memory_space<vmem>>[vector<16xi32>, vector<16xi32>, vector<16xi32>], vector<16xf32>,
      %gather3A_282 = tpu.vector_load_idx %arg13[%broadcast_in_dim3A_262, %add3A_48, %broadcast_in_dim3A_271] : memref<4x64x128xf32, #tpu.memory_space<vmem>>[vector<16xi32>, vector<16xi32>, vector<16xi32>], vector<16xf32>,
      %mul3A_283 = arith.mulf %gather3A_281, %gather3A_282 : vector<16xf32>
      %add3A_284 = arith.addf %add3A_280, %mul3A_283 : vector<16xf32>
      %gather3A_285 = tpu.vector_load_idx %arg12[%broadcast_in_dim3A_262, %add3A_51, %broadcast_in_dim3A_266] : memref<4x64x128xf32, #tpu.memory_space<vmem>>[vector<16xi32>, vector<16xi32>, vector<16xi32>], vector<16xf32>,
      %gather3A_286 = tpu.vector_load_idx %arg13[%broadcast_in_dim3A_262, %add3A_51, %broadcast_in_dim3A_271] : memref<4x64x128xf32, #tpu.memory_space<vmem>>[vector<16xi32>, vector<16xi32>, vector<16xi32>], vector<16xf32>,
      %mul3A_287 = arith.mulf %gather3A_285, %gather3A_286 : vector<16xf32>
      %add3A_288 = arith.addf %add3A_284, %mul3A_287 : vector<16xf32>
      %eq3A = arith.constant 0 : i32
      %eq3A_289 = vector.broadcast %eq3A : i32 to vector<16xi32>
      %eq3A_290 = arith.cmpi eq, %iota3A_39, %eq3A_289 : vector<16xi32>
      %reduce_sum3A = arith.constant true
      %reduce_sum3A_291 = vector.broadcast %reduce_sum3A : i1 to vector<16xi1>
      %reduce_sum3A_292 = tpu.scan <sum>, %add3A_288 masked %reduce_sum3A_291 : vector<16xf32>, vector<16xi1> -> vector<16xf32>
      %reduce_sum3A_293 = vector.extract %reduce_sum3A_292[15] : f32 from vector<16xf32>
      %broadcast_in_dim3A_294 = vector.broadcast %reduce_sum3A_293 : f32 to vector<16xf32>
      %select_n3A = arith.select %eq3A_290, %broadcast_in_dim3A_294, %broadcast_in_dim3A_73 : vector<16xi1>, vector<16xf32>
      %mul3A_295 = arith.constant 16 : i32
      %mul3A_296 = arith.muli %scan3A_57, %mul3A_295 : i32
      %add3A_297 = arith.constant 1 : i32
      %add3A_298 = arith.addi %mul3A_296, %add3A_297 : i32
      %slice3A_299 = vector.extract_strided_slice %get3A_66 {offsets = [4], sizes = [1], strides = [1]} : vector<16xi32> to vector<1xi32>
      %squeeze3A_300 = vector.extract %slice3A_299[0] : i32 from vector<1xi32>
      %shift_right_arithmetic3A_301 = arith.constant 7 : i32
      %shift_right_arithmetic3A_302 = arith.shrsi %squeeze3A_300, %shift_right_arithmetic3A_301 : i32
      %mul3A_303 = arith.constant 128 : i32
      %mul3A_304 = arith.muli %shift_right_arithmetic3A_302, %mul3A_303 : i32
      %multiple_of3A_305 = tpu.assume_multiple %mul3A_304, 128 : i32
      %slice3A_306 = vector.extract_strided_slice %get3A_68 {offsets = [4], sizes = [1], strides = [1]} : vector<16xi32> to vector<1xi32>
      %squeeze3A_307 = vector.extract %slice3A_306[0] : i32 from vector<1xi32>
      %shift_right_arithmetic3A_308 = arith.constant 7 : i32
      %shift_right_arithmetic3A_309 = arith.shrsi %squeeze3A_307, %shift_right_arithmetic3A_308 : i32
      %mul3A_310 = arith.constant 128 : i32
      %mul3A_311 = arith.muli %shift_right_arithmetic3A_309, %mul3A_310 : i32
      %multiple_of3A_312 = tpu.assume_multiple %mul3A_311, 128 : i32
      %dma_start3A_313 = arith.constant 0 : i32
      %dma_start3A_314 = arith.constant 0 : i32
      %dma_start3A_315 = arith.constant 0 : i32
      %dma_start3A_316 = tpu.memref_slice %arg12[%dma_start3A_313, %dma_start3A_314, %dma_start3A_315] : memref<4x64x128xf32, #tpu.memory_space<vmem>> -> memref<1x64x128xf32, #tpu.memory_space<vmem>>
      %dma_start3A_317 = tpu.memref_squeeze %dma_start3A_316 : memref<1x64x128xf32, #tpu.memory_space<vmem>> -> memref<64x128xf32, #tpu.memory_space<vmem>>
      %dma_start3A_318 = arith.constant 0 : i32
      %dma_start3A_319 = tpu.memref_slice %arg4[%dma_start3A_318, %multiple_of3A_305] : memref<64x1000000xf32, #tpu.memory_space<hbm>> -> memref<64x128xf32, #tpu.memory_space<hbm>>
      %dma_start3A_320 = arith.constant 0 : i32
      %dma_start3A_321 = arith.constant 0 : i32
      %dma_start3A_322 = tpu.memref_slice %arg12[%dma_start3A_313, %dma_start3A_320, %dma_start3A_321] : memref<4x64x128xf32, #tpu.memory_space<vmem>> -> memref<1x64x128xf32, #tpu.memory_space<vmem>>
      %dma_start3A_323 = tpu.memref_squeeze %dma_start3A_322 : memref<1x64x128xf32, #tpu.memory_space<vmem>> -> memref<64x128xf32, #tpu.memory_space<vmem>>
      %dma_start3A_324 = arith.constant 0 : i32
      %dma_start3A_325 = tpu.memref_slice %arg4[%dma_start3A_324, %multiple_of3A_305] : memref<64x1000000xf32, #tpu.memory_space<hbm>> -> memref<64x128xf32, #tpu.memory_space<hbm>>
      tpu.enqueue_dma source(%dma_start3A_325 : memref<64x128xf32, #tpu.memory_space<hbm>>) target(%dma_start3A_323 : memref<64x128xf32, #tpu.memory_space<vmem>>) target_semaphore(%arg19 : memref<!tpu.dma_semaphore, #tpu.memory_space<semaphore_mem>>)
      %dma_start3A_326 = arith.constant 0 : i32
      %dma_start3A_327 = arith.constant 0 : i32
      %dma_start3A_328 = arith.constant 0 : i32
      %dma_start3A_329 = tpu.memref_slice %arg13[%dma_start3A_326, %dma_start3A_327, %dma_start3A_328] : memref<4x64x128xf32, #tpu.memory_space<vmem>> -> memref<1x64x128xf32, #tpu.memory_space<vmem>>
      %dma_start3A_330 = tpu.memref_squeeze %dma_start3A_329 : memref<1x64x128xf32, #tpu.memory_space<vmem>> -> memref<64x128xf32, #tpu.memory_space<vmem>>
      %dma_start3A_331 = arith.constant 0 : i32
      %dma_start3A_332 = tpu.memref_slice %arg5[%dma_start3A_331, %multiple_of3A_312] : memref<64x1000000xf32, #tpu.memory_space<hbm>> -> memref<64x128xf32, #tpu.memory_space<hbm>>
      %dma_start3A_333 = arith.constant 0 : i32
      %dma_start3A_334 = arith.constant 0 : i32
      %dma_start3A_335 = tpu.memref_slice %arg13[%dma_start3A_326, %dma_start3A_333, %dma_start3A_334] : memref<4x64x128xf32, #tpu.memory_space<vmem>> -> memref<1x64x128xf32, #tpu.memory_space<vmem>>
      %dma_start3A_336 = tpu.memref_squeeze %dma_start3A_335 : memref<1x64x128xf32, #tpu.memory_space<vmem>> -> memref<64x128xf32, #tpu.memory_space<vmem>>
      %dma_start3A_337 = arith.constant 0 : i32
      %dma_start3A_338 = tpu.memref_slice %arg5[%dma_start3A_337, %multiple_of3A_312] : memref<64x1000000xf32, #tpu.memory_space<hbm>> -> memref<64x128xf32, #tpu.memory_space<hbm>>
      tpu.enqueue_dma source(%dma_start3A_338 : memref<64x128xf32, #tpu.memory_space<hbm>>) target(%dma_start3A_336 : memref<64x128xf32, #tpu.memory_space<vmem>>) target_semaphore(%arg23 : memref<!tpu.dma_semaphore, #tpu.memory_space<semaphore_mem>>)
      %dma_wait3A_339 = arith.constant 1 : i32
      %dma_wait3A_340 = arith.constant 0 : i32
      %dma_wait3A_341 = arith.constant 0 : i32
      %dma_wait3A_342 = tpu.memref_slice %arg12[%dma_wait3A_339, %dma_wait3A_340, %dma_wait3A_341] : memref<4x64x128xf32, #tpu.memory_space<vmem>> -> memref<1x64x128xf32, #tpu.memory_space<vmem>>
      %dma_wait3A_343 = tpu.memref_squeeze %dma_wait3A_342 : memref<1x64x128xf32, #tpu.memory_space<vmem>> -> memref<64x128xf32, #tpu.memory_space<vmem>>
      %dma_wait3A_344 = arith.constant 0 : i32
      %dma_wait3A_345 = tpu.memref_slice %arg4[%dma_wait3A_344, %multiple_of3A_117] : memref<64x1000000xf32, #tpu.memory_space<hbm>> -> memref<64x128xf32, #tpu.memory_space<hbm>>
      %dma_wait3A_346 = arith.constant 0 : i32
      %dma_wait3A_347 = arith.constant 0 : i32
      %dma_wait3A_348 = tpu.memref_slice %arg12[%dma_wait3A_339, %dma_wait3A_346, %dma_wait3A_347] : memref<4x64x128xf32, #tpu.memory_space<vmem>> -> memref<1x64x128xf32, #tpu.memory_space<vmem>>
      %dma_wait3A_349 = tpu.memref_squeeze %dma_wait3A_348 : memref<1x64x128xf32, #tpu.memory_space<vmem>> -> memref<64x128xf32, #tpu.memory_space<vmem>>
      %dma_wait3A_350 = arith.constant 0 : i32
      %dma_wait3A_351 = tpu.memref_slice %arg4[%dma_wait3A_350, %multiple_of3A_117] : memref<64x1000000xf32, #tpu.memory_space<hbm>> -> memref<64x128xf32, #tpu.memory_space<hbm>>
      tpu.wait_dma2 semaphore(%arg20 : memref<!tpu.dma_semaphore, #tpu.memory_space<semaphore_mem>>) src(%dma_wait3A_351 : memref<64x128xf32, #tpu.memory_space<hbm>>) dst(%dma_wait3A_349 : memref<64x128xf32, #tpu.memory_space<vmem>>)
      %dma_wait3A_352 = arith.constant 1 : i32
      %dma_wait3A_353 = arith.constant 0 : i32
      %dma_wait3A_354 = arith.constant 0 : i32
      %dma_wait3A_355 = tpu.memref_slice %arg13[%dma_wait3A_352, %dma_wait3A_353, %dma_wait3A_354] : memref<4x64x128xf32, #tpu.memory_space<vmem>> -> memref<1x64x128xf32, #tpu.memory_space<vmem>>
      %dma_wait3A_356 = tpu.memref_squeeze %dma_wait3A_355 : memref<1x64x128xf32, #tpu.memory_space<vmem>> -> memref<64x128xf32, #tpu.memory_space<vmem>>
      %dma_wait3A_357 = arith.constant 0 : i32
      %dma_wait3A_358 = tpu.memref_slice %arg5[%dma_wait3A_357, %multiple_of3A_124] : memref<64x1000000xf32, #tpu.memory_space<hbm>> -> memref<64x128xf32, #tpu.memory_space<hbm>>
      %dma_wait3A_359 = arith.constant 0 : i32
      %dma_wait3A_360 = arith.constant 0 : i32
      %dma_wait3A_361 = tpu.memref_slice %arg13[%dma_wait3A_352, %dma_wait3A_359, %dma_wait3A_360] : memref<4x64x128xf32, #tpu.memory_space<vmem>> -> memref<1x64x128xf32, #tpu.memory_space<vmem>>
      %dma_wait3A_362 = tpu.memref_squeeze %dma_wait3A_361 : memref<1x64x128xf32, #tpu.memory_space<vmem>> -> memref<64x128xf32, #tpu.memory_space<vmem>>
      %dma_wait3A_363 = arith.constant 0 : i32
      %dma_wait3A_364 = tpu.memref_slice %arg5[%dma_wait3A_363, %multiple_of3A_124] : memref<64x1000000xf32, #tpu.memory_space<hbm>> -> memref<64x128xf32, #tpu.memory_space<hbm>>
      tpu.wait_dma2 semaphore(%arg24 : memref<!tpu.dma_semaphore, #tpu.memory_space<semaphore_mem>>) src(%dma_wait3A_364 : memref<64x128xf32, #tpu.memory_space<hbm>>) dst(%dma_wait3A_362 : memref<64x128xf32, #tpu.memory_space<vmem>>)
      %broadcast_in_dim3A_365 = arith.constant 1 : i32
      %broadcast_in_dim3A_366 = vector.broadcast %broadcast_in_dim3A_365 : i32 to vector<16xi32>
      %slice3A_367 = vector.extract_strided_slice %get3A_66 {offsets = [1], sizes = [1], strides = [1]} : vector<16xi32> to vector<1xi32>
      %squeeze3A_368 = vector.extract %slice3A_367[0] : i32 from vector<1xi32>
      %and3A_369 = arith.constant 127 : i32
      %and3A_370 = arith.andi %squeeze3A_368, %and3A_369 : i32
      %broadcast_in_dim3A_371 = vector.broadcast %and3A_370 : i32 to vector<16xi32>
      %slice3A_372 = vector.extract_strided_slice %get3A_68 {offsets = [1], sizes = [1], strides = [1]} : vector<16xi32> to vector<1xi32>
      %squeeze3A_373 = vector.extract %slice3A_372[0] : i32 from vector<1xi32>
      %and3A_374 = arith.constant 127 : i32
      %and3A_375 = arith.andi %squeeze3A_373, %and3A_374 : i32
      %broadcast_in_dim3A_376 = vector.broadcast %and3A_375 : i32 to vector<16xi32>
      %broadcast_in_dim3A_377 = arith.constant 0.000000e+00 : f32
      %broadcast_in_dim3A_378 = vector.broadcast %broadcast_in_dim3A_377 : f32 to vector<16xf32>
      %gather3A_379 = tpu.vector_load_idx %arg12[%broadcast_in_dim3A_366, %add3A_42, %broadcast_in_dim3A_371] : memref<4x64x128xf32, #tpu.memory_space<vmem>>[vector<16xi32>, vector<16xi32>, vector<16xi32>], vector<16xf32>,
      %gather3A_380 = tpu.vector_load_idx %arg13[%broadcast_in_dim3A_366, %add3A_42, %broadcast_in_dim3A_376] : memref<4x64x128xf32, #tpu.memory_space<vmem>>[vector<16xi32>, vector<16xi32>, vector<16xi32>], vector<16xf32>,
      %mul3A_381 = arith.mulf %gather3A_379, %gather3A_380 : vector<16xf32>
      %add3A_382 = arith.addf %broadcast_in_dim3A_378, %mul3A_381 : vector<16xf32>
      %gather3A_383 = tpu.vector_load_idx %arg12[%broadcast_in_dim3A_366, %add3A_45, %broadcast_in_dim3A_371] : memref<4x64x128xf32, #tpu.memory_space<vmem>>[vector<16xi32>, vector<16xi32>, vector<16xi32>], vector<16xf32>,
      %gather3A_384 = tpu.vector_load_idx %arg13[%broadcast_in_dim3A_366, %add3A_45, %broadcast_in_dim3A_376] : memref<4x64x128xf32, #tpu.memory_space<vmem>>[vector<16xi32>, vector<16xi32>, vector<16xi32>], vector<16xf32>,
      %mul3A_385 = arith.mulf %gather3A_383, %gather3A_384 : vector<16xf32>
      %add3A_386 = arith.addf %add3A_382, %mul3A_385 : vector<16xf32>
      %gather3A_387 = tpu.vector_load_idx %arg12[%broadcast_in_dim3A_366, %add3A_48, %broadcast_in_dim3A_371] : memref<4x64x128xf32, #tpu.memory_space<vmem>>[vector<16xi32>, vector<16xi32>, vector<16xi32>], vector<16xf32>,
      %gather3A_388 = tpu.vector_load_idx %arg13[%broadcast_in_dim3A_366, %add3A_48, %broadcast_in_dim3A_376] : memref<4x64x128xf32, #tpu.memory_space<vmem>>[vector<16xi32>, vector<16xi32>, vector<16xi32>], vector<16xf32>,
      %mul3A_389 = arith.mulf %gather3A_387, %gather3A_388 : vector<16xf32>
      %add3A_390 = arith.addf %add3A_386, %mul3A_389 : vector<16xf32>
      %gather3A_391 = tpu.vector_load_idx %arg12[%broadcast_in_dim3A_366, %add3A_51, %broadcast_in_dim3A_371] : memref<4x64x128xf32, #tpu.memory_space<vmem>>[vector<16xi32>, vector<16xi32>, vector<16xi32>], vector<16xf32>,
      %gather3A_392 = tpu.vector_load_idx %arg13[%broadcast_in_dim3A_366, %add3A_51, %broadcast_in_dim3A_376] : memref<4x64x128xf32, #tpu.memory_space<vmem>>[vector<16xi32>, vector<16xi32>, vector<16xi32>], vector<16xf32>,
      %mul3A_393 = arith.mulf %gather3A_391, %gather3A_392 : vector<16xf32>
      %add3A_394 = arith.addf %add3A_390, %mul3A_393 : vector<16xf32>
      %eq3A_395 = arith.constant 1 : i32
      %eq3A_396 = vector.broadcast %eq3A_395 : i32 to vector<16xi32>
      %eq3A_397 = arith.cmpi eq, %iota3A_39, %eq3A_396 : vector<16xi32>
      %reduce_sum3A_398 = arith.constant true
      %reduce_sum3A_399 = vector.broadcast %reduce_sum3A_398 : i1 to vector<16xi1>
      %reduce_sum3A_400 = tpu.scan <sum>, %add3A_394 masked %reduce_sum3A_399 : vector<16xf32>, vector<16xi1> -> vector<16xf32>
      %reduce_sum3A_401 = vector.extract %reduce_sum3A_400[15] : f32 from vector<16xf32>
      %broadcast_in_dim3A_402 = vector.broadcast %reduce_sum3A_401 : f32 to vector<16xf32>
      %select_n3A_403 = arith.select %eq3A_397, %broadcast_in_dim3A_402, %select_n3A : vector<16xi1>, vector<16xf32>
      %mul3A_404 = arith.constant 16 : i32
      %mul3A_405 = arith.muli %scan3A_57, %mul3A_404 : i32
      %add3A_406 = arith.constant 2 : i32
      %add3A_407 = arith.addi %mul3A_405, %add3A_406 : i32
      %slice3A_408 = vector.extract_strided_slice %get3A_66 {offsets = [5], sizes = [1], strides = [1]} : vector<16xi32> to vector<1xi32>
      %squeeze3A_409 = vector.extract %slice3A_408[0] : i32 from vector<1xi32>
      %shift_right_arithmetic3A_410 = arith.constant 7 : i32
      %shift_right_arithmetic3A_411 = arith.shrsi %squeeze3A_409, %shift_right_arithmetic3A_410 : i32
      %mul3A_412 = arith.constant 128 : i32
      %mul3A_413 = arith.muli %shift_right_arithmetic3A_411, %mul3A_412 : i32
      %multiple_of3A_414 = tpu.assume_multiple %mul3A_413, 128 : i32
      %slice3A_415 = vector.extract_strided_slice %get3A_68 {offsets = [5], sizes = [1], strides = [1]} : vector<16xi32> to vector<1xi32>
      %squeeze3A_416 = vector.extract %slice3A_415[0] : i32 from vector<1xi32>
      %shift_right_arithmetic3A_417 = arith.constant 7 : i32
      %shift_right_arithmetic3A_418 = arith.shrsi %squeeze3A_416, %shift_right_arithmetic3A_417 : i32
      %mul3A_419 = arith.constant 128 : i32
      %mul3A_420 = arith.muli %shift_right_arithmetic3A_418, %mul3A_419 : i32
      %multiple_of3A_421 = tpu.assume_multiple %mul3A_420, 128 : i32
      %dma_start3A_422 = arith.constant 1 : i32
      %dma_start3A_423 = arith.constant 0 : i32
      %dma_start3A_424 = arith.constant 0 : i32
      %dma_start3A_425 = tpu.memref_slice %arg12[%dma_start3A_422, %dma_start3A_423, %dma_start3A_424] : memref<4x64x128xf32, #tpu.memory_space<vmem>> -> memref<1x64x128xf32, #tpu.memory_space<vmem>>
      %dma_start3A_426 = tpu.memref_squeeze %dma_start3A_425 : memref<1x64x128xf32, #tpu.memory_space<vmem>> -> memref<64x128xf32, #tpu.memory_space<vmem>>
      %dma_start3A_427 = arith.constant 0 : i32
      %dma_start3A_428 = tpu.memref_slice %arg4[%dma_start3A_427, %multiple_of3A_414] : memref<64x1000000xf32, #tpu.memory_space<hbm>> -> memref<64x128xf32, #tpu.memory_space<hbm>>
      %dma_start3A_429 = arith.constant 0 : i32
      %dma_start3A_430 = arith.constant 0 : i32
      %dma_start3A_431 = tpu.memref_slice %arg12[%dma_start3A_422, %dma_start3A_429, %dma_start3A_430] : memref<4x64x128xf32, #tpu.memory_space<vmem>> -> memref<1x64x128xf32, #tpu.memory_space<vmem>>
      %dma_start3A_432 = tpu.memref_squeeze %dma_start3A_431 : memref<1x64x128xf32, #tpu.memory_space<vmem>> -> memref<64x128xf32, #tpu.memory_space<vmem>>
      %dma_start3A_433 = arith.constant 0 : i32
      %dma_start3A_434 = tpu.memref_slice %arg4[%dma_start3A_433, %multiple_of3A_414] : memref<64x1000000xf32, #tpu.memory_space<hbm>> -> memref<64x128xf32, #tpu.memory_space<hbm>>
      tpu.enqueue_dma source(%dma_start3A_434 : memref<64x128xf32, #tpu.memory_space<hbm>>) target(%dma_start3A_432 : memref<64x128xf32, #tpu.memory_space<vmem>>) target_semaphore(%arg20 : memref<!tpu.dma_semaphore, #tpu.memory_space<semaphore_mem>>)
      %dma_start3A_435 = arith.constant 1 : i32
      %dma_start3A_436 = arith.constant 0 : i32
      %dma_start3A_437 = arith.constant 0 : i32
      %dma_start3A_438 = tpu.memref_slice %arg13[%dma_start3A_435, %dma_start3A_436, %dma_start3A_437] : memref<4x64x128xf32, #tpu.memory_space<vmem>> -> memref<1x64x128xf32, #tpu.memory_space<vmem>>
      %dma_start3A_439 = tpu.memref_squeeze %dma_start3A_438 : memref<1x64x128xf32, #tpu.memory_space<vmem>> -> memref<64x128xf32, #tpu.memory_space<vmem>>
      %dma_start3A_440 = arith.constant 0 : i32
      %dma_start3A_441 = tpu.memref_slice %arg5[%dma_start3A_440, %multiple_of3A_421] : memref<64x1000000xf32, #tpu.memory_space<hbm>> -> memref<64x128xf32, #tpu.memory_space<hbm>>
      %dma_start3A_442 = arith.constant 0 : i32
      %dma_start3A_443 = arith.constant 0 : i32
      %dma_start3A_444 = tpu.memref_slice %arg13[%dma_start3A_435, %dma_start3A_442, %dma_start3A_443] : memref<4x64x128xf32, #tpu.memory_space<vmem>> -> memref<1x64x128xf32, #tpu.memory_space<vmem>>
      %dma_start3A_445 = tpu.memref_squeeze %dma_start3A_444 : memref<1x64x128xf32, #tpu.memory_space<vmem>> -> memref<64x128xf32, #tpu.memory_space<vmem>>
      %dma_start3A_446 = arith.constant 0 : i32
      %dma_start3A_447 = tpu.memref_slice %arg5[%dma_start3A_446, %multiple_of3A_421] : memref<64x1000000xf32, #tpu.memory_space<hbm>> -> memref<64x128xf32, #tpu.memory_space<hbm>>
      tpu.enqueue_dma source(%dma_start3A_447 : memref<64x128xf32, #tpu.memory_space<hbm>>) target(%dma_start3A_445 : memref<64x128xf32, #tpu.memory_space<vmem>>) target_semaphore(%arg24 : memref<!tpu.dma_semaphore, #tpu.memory_space<semaphore_mem>>)
      %dma_wait3A_448 = arith.constant 2 : i32
      %dma_wait3A_449 = arith.constant 0 : i32
      %dma_wait3A_450 = arith.constant 0 : i32
      %dma_wait3A_451 = tpu.memref_slice %arg12[%dma_wait3A_448, %dma_wait3A_449, %dma_wait3A_450] : memref<4x64x128xf32, #tpu.memory_space<vmem>> -> memref<1x64x128xf32, #tpu.memory_space<vmem>>
      %dma_wait3A_452 = tpu.memref_squeeze %dma_wait3A_451 : memref<1x64x128xf32, #tpu.memory_space<vmem>> -> memref<64x128xf32, #tpu.memory_space<vmem>>
      %dma_wait3A_453 = arith.constant 0 : i32
      %dma_wait3A_454 = tpu.memref_slice %arg4[%dma_wait3A_453, %multiple_of3A_157] : memref<64x1000000xf32, #tpu.memory_space<hbm>> -> memref<64x128xf32, #tpu.memory_space<hbm>>
      %dma_wait3A_455 = arith.constant 0 : i32
      %dma_wait3A_456 = arith.constant 0 : i32
      %dma_wait3A_457 = tpu.memref_slice %arg12[%dma_wait3A_448, %dma_wait3A_455, %dma_wait3A_456] : memref<4x64x128xf32, #tpu.memory_space<vmem>> -> memref<1x64x128xf32, #tpu.memory_space<vmem>>
      %dma_wait3A_458 = tpu.memref_squeeze %dma_wait3A_457 : memref<1x64x128xf32, #tpu.memory_space<vmem>> -> memref<64x128xf32, #tpu.memory_space<vmem>>
      %dma_wait3A_459 = arith.constant 0 : i32
      %dma_wait3A_460 = tpu.memref_slice %arg4[%dma_wait3A_459, %multiple_of3A_157] : memref<64x1000000xf32, #tpu.memory_space<hbm>> -> memref<64x128xf32, #tpu.memory_space<hbm>>
      tpu.wait_dma2 semaphore(%arg21 : memref<!tpu.dma_semaphore, #tpu.memory_space<semaphore_mem>>) src(%dma_wait3A_460 : memref<64x128xf32, #tpu.memory_space<hbm>>) dst(%dma_wait3A_458 : memref<64x128xf32, #tpu.memory_space<vmem>>)
      %dma_wait3A_461 = arith.constant 2 : i32
      %dma_wait3A_462 = arith.constant 0 : i32
      %dma_wait3A_463 = arith.constant 0 : i32
      %dma_wait3A_464 = tpu.memref_slice %arg13[%dma_wait3A_461, %dma_wait3A_462, %dma_wait3A_463] : memref<4x64x128xf32, #tpu.memory_space<vmem>> -> memref<1x64x128xf32, #tpu.memory_space<vmem>>
      %dma_wait3A_465 = tpu.memref_squeeze %dma_wait3A_464 : memref<1x64x128xf32, #tpu.memory_space<vmem>> -> memref<64x128xf32, #tpu.memory_space<vmem>>
      %dma_wait3A_466 = arith.constant 0 : i32
      %dma_wait3A_467 = tpu.memref_slice %arg5[%dma_wait3A_466, %multiple_of3A_164] : memref<64x1000000xf32, #tpu.memory_space<hbm>> -> memref<64x128xf32, #tpu.memory_space<hbm>>
      %dma_wait3A_468 = arith.constant 0 : i32
      %dma_wait3A_469 = arith.constant 0 : i32
      %dma_wait3A_470 = tpu.memref_slice %arg13[%dma_wait3A_461, %dma_wait3A_468, %dma_wait3A_469] : memref<4x64x128xf32, #tpu.memory_space<vmem>> -> memref<1x64x128xf32, #tpu.memory_space<vmem>>
      %dma_wait3A_471 = tpu.memref_squeeze %dma_wait3A_470 : memref<1x64x128xf32, #tpu.memory_space<vmem>> -> memref<64x128xf32, #tpu.memory_space<vmem>>
      %dma_wait3A_472 = arith.constant 0 : i32
      %dma_wait3A_473 = tpu.memref_slice %arg5[%dma_wait3A_472, %multiple_of3A_164] : memref<64x1000000xf32, #tpu.memory_space<hbm>> -> memref<64x128xf32, #tpu.memory_space<hbm>>
      tpu.wait_dma2 semaphore(%arg25 : memref<!tpu.dma_semaphore, #tpu.memory_space<semaphore_mem>>) src(%dma_wait3A_473 : memref<64x128xf32, #tpu.memory_space<hbm>>) dst(%dma_wait3A_471 : memref<64x128xf32, #tpu.memory_space<vmem>>)
      %broadcast_in_dim3A_474 = arith.constant 2 : i32
      %broadcast_in_dim3A_475 = vector.broadcast %broadcast_in_dim3A_474 : i32 to vector<16xi32>
      %slice3A_476 = vector.extract_strided_slice %get3A_66 {offsets = [2], sizes = [1], strides = [1]} : vector<16xi32> to vector<1xi32>
      %squeeze3A_477 = vector.extract %slice3A_476[0] : i32 from vector<1xi32>
      %and3A_478 = arith.constant 127 : i32
      %and3A_479 = arith.andi %squeeze3A_477, %and3A_478 : i32
      %broadcast_in_dim3A_480 = vector.broadcast %and3A_479 : i32 to vector<16xi32>
      %slice3A_481 = vector.extract_strided_slice %get3A_68 {offsets = [2], sizes = [1], strides = [1]} : vector<16xi32> to vector<1xi32>
      %squeeze3A_482 = vector.extract %slice3A_481[0] : i32 from vector<1xi32>
      %and3A_483 = arith.constant 127 : i32
      %and3A_484 = arith.andi %squeeze3A_482, %and3A_483 : i32
      %broadcast_in_dim3A_485 = vector.broadcast %and3A_484 : i32 to vector<16xi32>
      %broadcast_in_dim3A_486 = arith.constant 0.000000e+00 : f32
      %broadcast_in_dim3A_487 = vector.broadcast %broadcast_in_dim3A_486 : f32 to vector<16xf32>
      %gather3A_488 = tpu.vector_load_idx %arg12[%broadcast_in_dim3A_475, %add3A_42, %broadcast_in_dim3A_480] : memref<4x64x128xf32, #tpu.memory_space<vmem>>[vector<16xi32>, vector<16xi32>, vector<16xi32>], vector<16xf32>,
      %gather3A_489 = tpu.vector_load_idx %arg13[%broadcast_in_dim3A_475, %add3A_42, %broadcast_in_dim3A_485] : memref<4x64x128xf32, #tpu.memory_space<vmem>>[vector<16xi32>, vector<16xi32>, vector<16xi32>], vector<16xf32>,
      %mul3A_490 = arith.mulf %gather3A_488, %gather3A_489 : vector<16xf32>
      %add3A_491 = arith.addf %broadcast_in_dim3A_487, %mul3A_490 : vector<16xf32>
      %gather3A_492 = tpu.vector_load_idx %arg12[%broadcast_in_dim3A_475, %add3A_45, %broadcast_in_dim3A_480] : memref<4x64x128xf32, #tpu.memory_space<vmem>>[vector<16xi32>, vector<16xi32>, vector<16xi32>], vector<16xf32>,
      %gather3A_493 = tpu.vector_load_idx %arg13[%broadcast_in_dim3A_475, %add3A_45, %broadcast_in_dim3A_485] : memref<4x64x128xf32, #tpu.memory_space<vmem>>[vector<16xi32>, vector<16xi32>, vector<16xi32>], vector<16xf32>,
      %mul3A_494 = arith.mulf %gather3A_492, %gather3A_493 : vector<16xf32>
      %add3A_495 = arith.addf %add3A_491, %mul3A_494 : vector<16xf32>
      %gather3A_496 = tpu.vector_load_idx %arg12[%broadcast_in_dim3A_475, %add3A_48, %broadcast_in_dim3A_480] : memref<4x64x128xf32, #tpu.memory_space<vmem>>[vector<16xi32>, vector<16xi32>, vector<16xi32>], vector<16xf32>,
      %gather3A_497 = tpu.vector_load_idx %arg13[%broadcast_in_dim3A_475, %add3A_48, %broadcast_in_dim3A_485] : memref<4x64x128xf32, #tpu.memory_space<vmem>>[vector<16xi32>, vector<16xi32>, vector<16xi32>], vector<16xf32>,
      %mul3A_498 = arith.mulf %gather3A_496, %gather3A_497 : vector<16xf32>
      %add3A_499 = arith.addf %add3A_495, %mul3A_498 : vector<16xf32>
      %gather3A_500 = tpu.vector_load_idx %arg12[%broadcast_in_dim3A_475, %add3A_51, %broadcast_in_dim3A_480] : memref<4x64x128xf32, #tpu.memory_space<vmem>>[vector<16xi32>, vector<16xi32>, vector<16xi32>], vector<16xf32>,
      %gather3A_501 = tpu.vector_load_idx %arg13[%broadcast_in_dim3A_475, %add3A_51, %broadcast_in_dim3A_485] : memref<4x64x128xf32, #tpu.memory_space<vmem>>[vector<16xi32>, vector<16xi32>, vector<16xi32>], vector<16xf32>,
      %mul3A_502 = arith.mulf %gather3A_500, %gather3A_501 : vector<16xf32>
      %add3A_503 = arith.addf %add3A_499, %mul3A_502 : vector<16xf32>
      %eq3A_504 = arith.constant 2 : i32
      %eq3A_505 = vector.broadcast %eq3A_504 : i32 to vector<16xi32>
      %eq3A_506 = arith.cmpi eq, %iota3A_39, %eq3A_505 : vector<16xi32>
      %reduce_sum3A_507 = arith.constant true
      %reduce_sum3A_508 = vector.broadcast %reduce_sum3A_507 : i1 to vector<16xi1>
      %reduce_sum3A_509 = tpu.scan <sum>, %add3A_503 masked %reduce_sum3A_508 : vector<16xf32>, vector<16xi1> -> vector<16xf32>
      %reduce_sum3A_510 = vector.extract %reduce_sum3A_509[15] : f32 from vector<16xf32>
      %broadcast_in_dim3A_511 = vector.broadcast %reduce_sum3A_510 : f32 to vector<16xf32>
      %select_n3A_512 = arith.select %eq3A_506, %broadcast_in_dim3A_511, %select_n3A_403 : vector<16xi1>, vector<16xf32>
      %mul3A_513 = arith.constant 16 : i32
      %mul3A_514 = arith.muli %scan3A_57, %mul3A_513 : i32
      %add3A_515 = arith.constant 3 : i32
      %add3A_516 = arith.addi %mul3A_514, %add3A_515 : i32
      %slice3A_517 = vector.extract_strided_slice %get3A_66 {offsets = [6], sizes = [1], strides = [1]} : vector<16xi32> to vector<1xi32>
      %squeeze3A_518 = vector.extract %slice3A_517[0] : i32 from vector<1xi32>
      %shift_right_arithmetic3A_519 = arith.constant 7 : i32
      %shift_right_arithmetic3A_520 = arith.shrsi %squeeze3A_518, %shift_right_arithmetic3A_519 : i32
      %mul3A_521 = arith.constant 128 : i32
      %mul3A_522 = arith.muli %shift_right_arithmetic3A_520, %mul3A_521 : i32
      %multiple_of3A_523 = tpu.assume_multiple %mul3A_522, 128 : i32
      %slice3A_524 = vector.extract_strided_slice %get3A_68 {offsets = [6], sizes = [1], strides = [1]} : vector<16xi32> to vector<1xi32>
      %squeeze3A_525 = vector.extract %slice3A_524[0] : i32 from vector<1xi32>
      %shift_right_arithmetic3A_526 = arith.constant 7 : i32
      %shift_right_arithmetic3A_527 = arith.shrsi %squeeze3A_525, %shift_right_arithmetic3A_526 : i32
      %mul3A_528 = arith.constant 128 : i32
      %mul3A_529 = arith.muli %shift_right_arithmetic3A_527, %mul3A_528 : i32
      %multiple_of3A_530 = tpu.assume_multiple %mul3A_529, 128 : i32
      %dma_start3A_531 = arith.constant 2 : i32
      %dma_start3A_532 = arith.constant 0 : i32
      %dma_start3A_533 = arith.constant 0 : i32
      %dma_start3A_534 = tpu.memref_slice %arg12[%dma_start3A_531, %dma_start3A_532, %dma_start3A_533] : memref<4x64x128xf32, #tpu.memory_space<vmem>> -> memref<1x64x128xf32, #tpu.memory_space<vmem>>
      %dma_start3A_535 = tpu.memref_squeeze %dma_start3A_534 : memref<1x64x128xf32, #tpu.memory_space<vmem>> -> memref<64x128xf32, #tpu.memory_space<vmem>>
      %dma_start3A_536 = arith.constant 0 : i32
      %dma_start3A_537 = tpu.memref_slice %arg4[%dma_start3A_536, %multiple_of3A_523] : memref<64x1000000xf32, #tpu.memory_space<hbm>> -> memref<64x128xf32, #tpu.memory_space<hbm>>
      %dma_start3A_538 = arith.constant 0 : i32
      %dma_start3A_539 = arith.constant 0 : i32
      %dma_start3A_540 = tpu.memref_slice %arg12[%dma_start3A_531, %dma_start3A_538, %dma_start3A_539] : memref<4x64x128xf32, #tpu.memory_space<vmem>> -> memref<1x64x128xf32, #tpu.memory_space<vmem>>
      %dma_start3A_541 = tpu.memref_squeeze %dma_start3A_540 : memref<1x64x128xf32, #tpu.memory_space<vmem>> -> memref<64x128xf32, #tpu.memory_space<vmem>>
      %dma_start3A_542 = arith.constant 0 : i32
      %dma_start3A_543 = tpu.memref_slice %arg4[%dma_start3A_542, %multiple_of3A_523] : memref<64x1000000xf32, #tpu.memory_space<hbm>> -> memref<64x128xf32, #tpu.memory_space<hbm>>
      tpu.enqueue_dma source(%dma_start3A_543 : memref<64x128xf32, #tpu.memory_space<hbm>>) target(%dma_start3A_541 : memref<64x128xf32, #tpu.memory_space<vmem>>) target_semaphore(%arg21 : memref<!tpu.dma_semaphore, #tpu.memory_space<semaphore_mem>>)
      %dma_start3A_544 = arith.constant 2 : i32
      %dma_start3A_545 = arith.constant 0 : i32
      %dma_start3A_546 = arith.constant 0 : i32
      %dma_start3A_547 = tpu.memref_slice %arg13[%dma_start3A_544, %dma_start3A_545, %dma_start3A_546] : memref<4x64x128xf32, #tpu.memory_space<vmem>> -> memref<1x64x128xf32, #tpu.memory_space<vmem>>
      %dma_start3A_548 = tpu.memref_squeeze %dma_start3A_547 : memref<1x64x128xf32, #tpu.memory_space<vmem>> -> memref<64x128xf32, #tpu.memory_space<vmem>>
      %dma_start3A_549 = arith.constant 0 : i32
      %dma_start3A_550 = tpu.memref_slice %arg5[%dma_start3A_549, %multiple_of3A_530] : memref<64x1000000xf32, #tpu.memory_space<hbm>> -> memref<64x128xf32, #tpu.memory_space<hbm>>
      %dma_start3A_551 = arith.constant 0 : i32
      %dma_start3A_552 = arith.constant 0 : i32
      %dma_start3A_553 = tpu.memref_slice %arg13[%dma_start3A_544, %dma_start3A_551, %dma_start3A_552] : memref<4x64x128xf32, #tpu.memory_space<vmem>> -> memref<1x64x128xf32, #tpu.memory_space<vmem>>
      %dma_start3A_554 = tpu.memref_squeeze %dma_start3A_553 : memref<1x64x128xf32, #tpu.memory_space<vmem>> -> memref<64x128xf32, #tpu.memory_space<vmem>>
      %dma_start3A_555 = arith.constant 0 : i32
      %dma_start3A_556 = tpu.memref_slice %arg5[%dma_start3A_555, %multiple_of3A_530] : memref<64x1000000xf32, #tpu.memory_space<hbm>> -> memref<64x128xf32, #tpu.memory_space<hbm>>
      tpu.enqueue_dma source(%dma_start3A_556 : memref<64x128xf32, #tpu.memory_space<hbm>>) target(%dma_start3A_554 : memref<64x128xf32, #tpu.memory_space<vmem>>) target_semaphore(%arg25 : memref<!tpu.dma_semaphore, #tpu.memory_space<semaphore_mem>>)
      %dma_wait3A_557 = arith.constant 3 : i32
      %dma_wait3A_558 = arith.constant 0 : i32
      %dma_wait3A_559 = arith.constant 0 : i32
      %dma_wait3A_560 = tpu.memref_slice %arg12[%dma_wait3A_557, %dma_wait3A_558, %dma_wait3A_559] : memref<4x64x128xf32, #tpu.memory_space<vmem>> -> memref<1x64x128xf32, #tpu.memory_space<vmem>>
      %dma_wait3A_561 = tpu.memref_squeeze %dma_wait3A_560 : memref<1x64x128xf32, #tpu.memory_space<vmem>> -> memref<64x128xf32, #tpu.memory_space<vmem>>
      %dma_wait3A_562 = arith.constant 0 : i32
      %dma_wait3A_563 = tpu.memref_slice %arg4[%dma_wait3A_562, %multiple_of3A_201] : memref<64x1000000xf32, #tpu.memory_space<hbm>> -> memref<64x128xf32, #tpu.memory_space<hbm>>
      %dma_wait3A_564 = arith.constant 0 : i32
      %dma_wait3A_565 = arith.constant 0 : i32
      %dma_wait3A_566 = tpu.memref_slice %arg12[%dma_wait3A_557, %dma_wait3A_564, %dma_wait3A_565] : memref<4x64x128xf32, #tpu.memory_space<vmem>> -> memref<1x64x128xf32, #tpu.memory_space<vmem>>
      %dma_wait3A_567 = tpu.memref_squeeze %dma_wait3A_566 : memref<1x64x128xf32, #tpu.memory_space<vmem>> -> memref<64x128xf32, #tpu.memory_space<vmem>>
      %dma_wait3A_568 = arith.constant 0 : i32
      %dma_wait3A_569 = tpu.memref_slice %arg4[%dma_wait3A_568, %multiple_of3A_201] : memref<64x1000000xf32, #tpu.memory_space<hbm>> -> memref<64x128xf32, #tpu.memory_space<hbm>>
      tpu.wait_dma2 semaphore(%arg22 : memref<!tpu.dma_semaphore, #tpu.memory_space<semaphore_mem>>) src(%dma_wait3A_569 : memref<64x128xf32, #tpu.memory_space<hbm>>) dst(%dma_wait3A_567 : memref<64x128xf32, #tpu.memory_space<vmem>>)
      %dma_wait3A_570 = arith.constant 3 : i32
      %dma_wait3A_571 = arith.constant 0 : i32
      %dma_wait3A_572 = arith.constant 0 : i32
      %dma_wait3A_573 = tpu.memref_slice %arg13[%dma_wait3A_570, %dma_wait3A_571, %dma_wait3A_572] : memref<4x64x128xf32, #tpu.memory_space<vmem>> -> memref<1x64x128xf32, #tpu.memory_space<vmem>>
      %dma_wait3A_574 = tpu.memref_squeeze %dma_wait3A_573 : memref<1x64x128xf32, #tpu.memory_space<vmem>> -> memref<64x128xf32, #tpu.memory_space<vmem>>
      %dma_wait3A_575 = arith.constant 0 : i32
      %dma_wait3A_576 = tpu.memref_slice %arg5[%dma_wait3A_575, %multiple_of3A_208] : memref<64x1000000xf32, #tpu.memory_space<hbm>> -> memref<64x128xf32, #tpu.memory_space<hbm>>
      %dma_wait3A_577 = arith.constant 0 : i32
      %dma_wait3A_578 = arith.constant 0 : i32
      %dma_wait3A_579 = tpu.memref_slice %arg13[%dma_wait3A_570, %dma_wait3A_577, %dma_wait3A_578] : memref<4x64x128xf32, #tpu.memory_space<vmem>> -> memref<1x64x128xf32, #tpu.memory_space<vmem>>
      %dma_wait3A_580 = tpu.memref_squeeze %dma_wait3A_579 : memref<1x64x128xf32, #tpu.memory_space<vmem>> -> memref<64x128xf32, #tpu.memory_space<vmem>>
      %dma_wait3A_581 = arith.constant 0 : i32
      %dma_wait3A_582 = tpu.memref_slice %arg5[%dma_wait3A_581, %multiple_of3A_208] : memref<64x1000000xf32, #tpu.memory_space<hbm>> -> memref<64x128xf32, #tpu.memory_space<hbm>>
      tpu.wait_dma2 semaphore(%arg26 : memref<!tpu.dma_semaphore, #tpu.memory_space<semaphore_mem>>) src(%dma_wait3A_582 : memref<64x128xf32, #tpu.memory_space<hbm>>) dst(%dma_wait3A_580 : memref<64x128xf32, #tpu.memory_space<vmem>>)
      %broadcast_in_dim3A_583 = arith.constant 3 : i32
      %broadcast_in_dim3A_584 = vector.broadcast %broadcast_in_dim3A_583 : i32 to vector<16xi32>
      %slice3A_585 = vector.extract_strided_slice %get3A_66 {offsets = [3], sizes = [1], strides = [1]} : vector<16xi32> to vector<1xi32>
      %squeeze3A_586 = vector.extract %slice3A_585[0] : i32 from vector<1xi32>
      %and3A_587 = arith.constant 127 : i32
      %and3A_588 = arith.andi %squeeze3A_586, %and3A_587 : i32
      %broadcast_in_dim3A_589 = vector.broadcast %and3A_588 : i32 to vector<16xi32>
      %slice3A_590 = vector.extract_strided_slice %get3A_68 {offsets = [3], sizes = [1], strides = [1]} : vector<16xi32> to vector<1xi32>
      %squeeze3A_591 = vector.extract %slice3A_590[0] : i32 from vector<1xi32>
      %and3A_592 = arith.constant 127 : i32
      %and3A_593 = arith.andi %squeeze3A_591, %and3A_592 : i32
      %broadcast_in_dim3A_594 = vector.broadcast %and3A_593 : i32 to vector<16xi32>
      %broadcast_in_dim3A_595 = arith.constant 0.000000e+00 : f32
      %broadcast_in_dim3A_596 = vector.broadcast %broadcast_in_dim3A_595 : f32 to vector<16xf32>
      %gather3A_597 = tpu.vector_load_idx %arg12[%broadcast_in_dim3A_584, %add3A_42, %broadcast_in_dim3A_589] : memref<4x64x128xf32, #tpu.memory_space<vmem>>[vector<16xi32>, vector<16xi32>, vector<16xi32>], vector<16xf32>,
      %gather3A_598 = tpu.vector_load_idx %arg13[%broadcast_in_dim3A_584, %add3A_42, %broadcast_in_dim3A_594] : memref<4x64x128xf32, #tpu.memory_space<vmem>>[vector<16xi32>, vector<16xi32>, vector<16xi32>], vector<16xf32>,
      %mul3A_599 = arith.mulf %gather3A_597, %gather3A_598 : vector<16xf32>
      %add3A_600 = arith.addf %broadcast_in_dim3A_596, %mul3A_599 : vector<16xf32>
      %gather3A_601 = tpu.vector_load_idx %arg12[%broadcast_in_dim3A_584, %add3A_45, %broadcast_in_dim3A_589] : memref<4x64x128xf32, #tpu.memory_space<vmem>>[vector<16xi32>, vector<16xi32>, vector<16xi32>], vector<16xf32>,
      %gather3A_602 = tpu.vector_load_idx %arg13[%broadcast_in_dim3A_584, %add3A_45, %broadcast_in_dim3A_594] : memref<4x64x128xf32, #tpu.memory_space<vmem>>[vector<16xi32>, vector<16xi32>, vector<16xi32>], vector<16xf32>,
      %mul3A_603 = arith.mulf %gather3A_601, %gather3A_602 : vector<16xf32>
      %add3A_604 = arith.addf %add3A_600, %mul3A_603 : vector<16xf32>
      %gather3A_605 = tpu.vector_load_idx %arg12[%broadcast_in_dim3A_584, %add3A_48, %broadcast_in_dim3A_589] : memref<4x64x128xf32, #tpu.memory_space<vmem>>[vector<16xi32>, vector<16xi32>, vector<16xi32>], vector<16xf32>,
      %gather3A_606 = tpu.vector_load_idx %arg13[%broadcast_in_dim3A_584, %add3A_48, %broadcast_in_dim3A_594] : memref<4x64x128xf32, #tpu.memory_space<vmem>>[vector<16xi32>, vector<16xi32>, vector<16xi32>], vector<16xf32>,
      %mul3A_607 = arith.mulf %gather3A_605, %gather3A_606 : vector<16xf32>
      %add3A_608 = arith.addf %add3A_604, %mul3A_607 : vector<16xf32>
      %gather3A_609 = tpu.vector_load_idx %arg12[%broadcast_in_dim3A_584, %add3A_51, %broadcast_in_dim3A_589] : memref<4x64x128xf32, #tpu.memory_space<vmem>>[vector<16xi32>, vector<16xi32>, vector<16xi32>], vector<16xf32>,
      %gather3A_610 = tpu.vector_load_idx %arg13[%broadcast_in_dim3A_584, %add3A_51, %broadcast_in_dim3A_594] : memref<4x64x128xf32, #tpu.memory_space<vmem>>[vector<16xi32>, vector<16xi32>, vector<16xi32>], vector<16xf32>,
      %mul3A_611 = arith.mulf %gather3A_609, %gather3A_610 : vector<16xf32>
      %add3A_612 = arith.addf %add3A_608, %mul3A_611 : vector<16xf32>
      %eq3A_613 = arith.constant 3 : i32
      %eq3A_614 = vector.broadcast %eq3A_613 : i32 to vector<16xi32>
      %eq3A_615 = arith.cmpi eq, %iota3A_39, %eq3A_614 : vector<16xi32>
      %reduce_sum3A_616 = arith.constant true
      %reduce_sum3A_617 = vector.broadcast %reduce_sum3A_616 : i1 to vector<16xi1>
      %reduce_sum3A_618 = tpu.scan <sum>, %add3A_612 masked %reduce_sum3A_617 : vector<16xf32>, vector<16xi1> -> vector<16xf32>
      %reduce_sum3A_619 = vector.extract %reduce_sum3A_618[15] : f32 from vector<16xf32>
      %broadcast_in_dim3A_620 = vector.broadcast %reduce_sum3A_619 : f32 to vector<16xf32>
      %select_n3A_621 = arith.select %eq3A_615, %broadcast_in_dim3A_620, %select_n3A_512 : vector<16xi1>, vector<16xf32>
      %mul3A_622 = arith.constant 16 : i32
      %mul3A_623 = arith.muli %scan3A_57, %mul3A_622 : i32
      %add3A_624 = arith.constant 4 : i32
      %add3A_625 = arith.addi %mul3A_623, %add3A_624 : i32
      %slice3A_626 = vector.extract_strided_slice %get3A_66 {offsets = [7], sizes = [1], strides = [1]} : vector<16xi32> to vector<1xi32>
      %squeeze3A_627 = vector.extract %slice3A_626[0] : i32 from vector<1xi32>
      %shift_right_arithmetic3A_628 = arith.constant 7 : i32
      %shift_right_arithmetic3A_629 = arith.shrsi %squeeze3A_627, %shift_right_arithmetic3A_628 : i32
      %mul3A_630 = arith.constant 128 : i32
      %mul3A_631 = arith.muli %shift_right_arithmetic3A_629, %mul3A_630 : i32
      %multiple_of3A_632 = tpu.assume_multiple %mul3A_631, 128 : i32
      %slice3A_633 = vector.extract_strided_slice %get3A_68 {offsets = [7], sizes = [1], strides = [1]} : vector<16xi32> to vector<1xi32>
      %squeeze3A_634 = vector.extract %slice3A_633[0] : i32 from vector<1xi32>
      %shift_right_arithmetic3A_635 = arith.constant 7 : i32
      %shift_right_arithmetic3A_636 = arith.shrsi %squeeze3A_634, %shift_right_arithmetic3A_635 : i32
      %mul3A_637 = arith.constant 128 : i32
      %mul3A_638 = arith.muli %shift_right_arithmetic3A_636, %mul3A_637 : i32
      %multiple_of3A_639 = tpu.assume_multiple %mul3A_638, 128 : i32
      %dma_start3A_640 = arith.constant 3 : i32
      %dma_start3A_641 = arith.constant 0 : i32
      %dma_start3A_642 = arith.constant 0 : i32
      %dma_start3A_643 = tpu.memref_slice %arg12[%dma_start3A_640, %dma_start3A_641, %dma_start3A_642] : memref<4x64x128xf32, #tpu.memory_space<vmem>> -> memref<1x64x128xf32, #tpu.memory_space<vmem>>
      %dma_start3A_644 = tpu.memref_squeeze %dma_start3A_643 : memref<1x64x128xf32, #tpu.memory_space<vmem>> -> memref<64x128xf32, #tpu.memory_space<vmem>>
      %dma_start3A_645 = arith.constant 0 : i32
      %dma_start3A_646 = tpu.memref_slice %arg4[%dma_start3A_645, %multiple_of3A_632] : memref<64x1000000xf32, #tpu.memory_space<hbm>> -> memref<64x128xf32, #tpu.memory_space<hbm>>
      %dma_start3A_647 = arith.constant 0 : i32
      %dma_start3A_648 = arith.constant 0 : i32
      %dma_start3A_649 = tpu.memref_slice %arg12[%dma_start3A_640, %dma_start3A_647, %dma_start3A_648] : memref<4x64x128xf32, #tpu.memory_space<vmem>> -> memref<1x64x128xf32, #tpu.memory_space<vmem>>
      %dma_start3A_650 = tpu.memref_squeeze %dma_start3A_649 : memref<1x64x128xf32, #tpu.memory_space<vmem>> -> memref<64x128xf32, #tpu.memory_space<vmem>>
      %dma_start3A_651 = arith.constant 0 : i32
      %dma_start3A_652 = tpu.memref_slice %arg4[%dma_start3A_651, %multiple_of3A_632] : memref<64x1000000xf32, #tpu.memory_space<hbm>> -> memref<64x128xf32, #tpu.memory_space<hbm>>
      tpu.enqueue_dma source(%dma_start3A_652 : memref<64x128xf32, #tpu.memory_space<hbm>>) target(%dma_start3A_650 : memref<64x128xf32, #tpu.memory_space<vmem>>) target_semaphore(%arg22 : memref<!tpu.dma_semaphore, #tpu.memory_space<semaphore_mem>>)
      %dma_start3A_653 = arith.constant 3 : i32
      %dma_start3A_654 = arith.constant 0 : i32
      %dma_start3A_655 = arith.constant 0 : i32
      %dma_start3A_656 = tpu.memref_slice %arg13[%dma_start3A_653, %dma_start3A_654, %dma_start3A_655] : memref<4x64x128xf32, #tpu.memory_space<vmem>> -> memref<1x64x128xf32, #tpu.memory_space<vmem>>
      %dma_start3A_657 = tpu.memref_squeeze %dma_start3A_656 : memref<1x64x128xf32, #tpu.memory_space<vmem>> -> memref<64x128xf32, #tpu.memory_space<vmem>>
      %dma_start3A_658 = arith.constant 0 : i32
      %dma_start3A_659 = tpu.memref_slice %arg5[%dma_start3A_658, %multiple_of3A_639] : memref<64x1000000xf32, #tpu.memory_space<hbm>> -> memref<64x128xf32, #tpu.memory_space<hbm>>
      %dma_start3A_660 = arith.constant 0 : i32
      %dma_start3A_661 = arith.constant 0 : i32
      %dma_start3A_662 = tpu.memref_slice %arg13[%dma_start3A_653, %dma_start3A_660, %dma_start3A_661] : memref<4x64x128xf32, #tpu.memory_space<vmem>> -> memref<1x64x128xf32, #tpu.memory_space<vmem>>
      %dma_start3A_663 = tpu.memref_squeeze %dma_start3A_662 : memref<1x64x128xf32, #tpu.memory_space<vmem>> -> memref<64x128xf32, #tpu.memory_space<vmem>>
      %dma_start3A_664 = arith.constant 0 : i32
      %dma_start3A_665 = tpu.memref_slice %arg5[%dma_start3A_664, %multiple_of3A_639] : memref<64x1000000xf32, #tpu.memory_space<hbm>> -> memref<64x128xf32, #tpu.memory_space<hbm>>
      tpu.enqueue_dma source(%dma_start3A_665 : memref<64x128xf32, #tpu.memory_space<hbm>>) target(%dma_start3A_663 : memref<64x128xf32, #tpu.memory_space<vmem>>) target_semaphore(%arg26 : memref<!tpu.dma_semaphore, #tpu.memory_space<semaphore_mem>>)
      %dma_wait3A_666 = arith.constant 0 : i32
      %dma_wait3A_667 = arith.constant 0 : i32
      %dma_wait3A_668 = arith.constant 0 : i32
      %dma_wait3A_669 = tpu.memref_slice %arg12[%dma_wait3A_666, %dma_wait3A_667, %dma_wait3A_668] : memref<4x64x128xf32, #tpu.memory_space<vmem>> -> memref<1x64x128xf32, #tpu.memory_space<vmem>>
      %dma_wait3A_670 = tpu.memref_squeeze %dma_wait3A_669 : memref<1x64x128xf32, #tpu.memory_space<vmem>> -> memref<64x128xf32, #tpu.memory_space<vmem>>
      %dma_wait3A_671 = arith.constant 0 : i32
      %dma_wait3A_672 = tpu.memref_slice %arg4[%dma_wait3A_671, %multiple_of3A_305] : memref<64x1000000xf32, #tpu.memory_space<hbm>> -> memref<64x128xf32, #tpu.memory_space<hbm>>
      %dma_wait3A_673 = arith.constant 0 : i32
      %dma_wait3A_674 = arith.constant 0 : i32
      %dma_wait3A_675 = tpu.memref_slice %arg12[%dma_wait3A_666, %dma_wait3A_673, %dma_wait3A_674] : memref<4x64x128xf32, #tpu.memory_space<vmem>> -> memref<1x64x128xf32, #tpu.memory_space<vmem>>
      %dma_wait3A_676 = tpu.memref_squeeze %dma_wait3A_675 : memref<1x64x128xf32, #tpu.memory_space<vmem>> -> memref<64x128xf32, #tpu.memory_space<vmem>>
      %dma_wait3A_677 = arith.constant 0 : i32
      %dma_wait3A_678 = tpu.memref_slice %arg4[%dma_wait3A_677, %multiple_of3A_305] : memref<64x1000000xf32, #tpu.memory_space<hbm>> -> memref<64x128xf32, #tpu.memory_space<hbm>>
      tpu.wait_dma2 semaphore(%arg19 : memref<!tpu.dma_semaphore, #tpu.memory_space<semaphore_mem>>) src(%dma_wait3A_678 : memref<64x128xf32, #tpu.memory_space<hbm>>) dst(%dma_wait3A_676 : memref<64x128xf32, #tpu.memory_space<vmem>>)
      %dma_wait3A_679 = arith.constant 0 : i32
      %dma_wait3A_680 = arith.constant 0 : i32
      %dma_wait3A_681 = arith.constant 0 : i32
      %dma_wait3A_682 = tpu.memref_slice %arg13[%dma_wait3A_679, %dma_wait3A_680, %dma_wait3A_681] : memref<4x64x128xf32, #tpu.memory_space<vmem>> -> memref<1x64x128xf32, #tpu.memory_space<vmem>>
      %dma_wait3A_683 = tpu.memref_squeeze %dma_wait3A_682 : memref<1x64x128xf32, #tpu.memory_space<vmem>> -> memref<64x128xf32, #tpu.memory_space<vmem>>
      %dma_wait3A_684 = arith.constant 0 : i32
      %dma_wait3A_685 = tpu.memref_slice %arg5[%dma_wait3A_684, %multiple_of3A_312] : memref<64x1000000xf32, #tpu.memory_space<hbm>> -> memref<64x128xf32, #tpu.memory_space<hbm>>
      %dma_wait3A_686 = arith.constant 0 : i32
      %dma_wait3A_687 = arith.constant 0 : i32
      %dma_wait3A_688 = tpu.memref_slice %arg13[%dma_wait3A_679, %dma_wait3A_686, %dma_wait3A_687] : memref<4x64x128xf32, #tpu.memory_space<vmem>> -> memref<1x64x128xf32, #tpu.memory_space<vmem>>
      %dma_wait3A_689 = tpu.memref_squeeze %dma_wait3A_688 : memref<1x64x128xf32, #tpu.memory_space<vmem>> -> memref<64x128xf32, #tpu.memory_space<vmem>>
      %dma_wait3A_690 = arith.constant 0 : i32
      %dma_wait3A_691 = tpu.memref_slice %arg5[%dma_wait3A_690, %multiple_of3A_312] : memref<64x1000000xf32, #tpu.memory_space<hbm>> -> memref<64x128xf32, #tpu.memory_space<hbm>>
      tpu.wait_dma2 semaphore(%arg23 : memref<!tpu.dma_semaphore, #tpu.memory_space<semaphore_mem>>) src(%dma_wait3A_691 : memref<64x128xf32, #tpu.memory_space<hbm>>) dst(%dma_wait3A_689 : memref<64x128xf32, #tpu.memory_space<vmem>>)
      %broadcast_in_dim3A_692 = arith.constant 0 : i32
      %broadcast_in_dim3A_693 = vector.broadcast %broadcast_in_dim3A_692 : i32 to vector<16xi32>
      %slice3A_694 = vector.extract_strided_slice %get3A_66 {offsets = [4], sizes = [1], strides = [1]} : vector<16xi32> to vector<1xi32>
      %squeeze3A_695 = vector.extract %slice3A_694[0] : i32 from vector<1xi32>
      %and3A_696 = arith.constant 127 : i32
      %and3A_697 = arith.andi %squeeze3A_695, %and3A_696 : i32
      %broadcast_in_dim3A_698 = vector.broadcast %and3A_697 : i32 to vector<16xi32>
      %slice3A_699 = vector.extract_strided_slice %get3A_68 {offsets = [4], sizes = [1], strides = [1]} : vector<16xi32> to vector<1xi32>
      %squeeze3A_700 = vector.extract %slice3A_699[0] : i32 from vector<1xi32>
      %and3A_701 = arith.constant 127 : i32
      %and3A_702 = arith.andi %squeeze3A_700, %and3A_701 : i32
      %broadcast_in_dim3A_703 = vector.broadcast %and3A_702 : i32 to vector<16xi32>
      %broadcast_in_dim3A_704 = arith.constant 0.000000e+00 : f32
      %broadcast_in_dim3A_705 = vector.broadcast %broadcast_in_dim3A_704 : f32 to vector<16xf32>
      %gather3A_706 = tpu.vector_load_idx %arg12[%broadcast_in_dim3A_693, %add3A_42, %broadcast_in_dim3A_698] : memref<4x64x128xf32, #tpu.memory_space<vmem>>[vector<16xi32>, vector<16xi32>, vector<16xi32>], vector<16xf32>,
      %gather3A_707 = tpu.vector_load_idx %arg13[%broadcast_in_dim3A_693, %add3A_42, %broadcast_in_dim3A_703] : memref<4x64x128xf32, #tpu.memory_space<vmem>>[vector<16xi32>, vector<16xi32>, vector<16xi32>], vector<16xf32>,
      %mul3A_708 = arith.mulf %gather3A_706, %gather3A_707 : vector<16xf32>
      %add3A_709 = arith.addf %broadcast_in_dim3A_705, %mul3A_708 : vector<16xf32>
      %gather3A_710 = tpu.vector_load_idx %arg12[%broadcast_in_dim3A_693, %add3A_45, %broadcast_in_dim3A_698] : memref<4x64x128xf32, #tpu.memory_space<vmem>>[vector<16xi32>, vector<16xi32>, vector<16xi32>], vector<16xf32>,
      %gather3A_711 = tpu.vector_load_idx %arg13[%broadcast_in_dim3A_693, %add3A_45, %broadcast_in_dim3A_703] : memref<4x64x128xf32, #tpu.memory_space<vmem>>[vector<16xi32>, vector<16xi32>, vector<16xi32>], vector<16xf32>,
      %mul3A_712 = arith.mulf %gather3A_710, %gather3A_711 : vector<16xf32>
      %add3A_713 = arith.addf %add3A_709, %mul3A_712 : vector<16xf32>
      %gather3A_714 = tpu.vector_load_idx %arg12[%broadcast_in_dim3A_693, %add3A_48, %broadcast_in_dim3A_698] : memref<4x64x128xf32, #tpu.memory_space<vmem>>[vector<16xi32>, vector<16xi32>, vector<16xi32>], vector<16xf32>,
      %gather3A_715 = tpu.vector_load_idx %arg13[%broadcast_in_dim3A_693, %add3A_48, %broadcast_in_dim3A_703] : memref<4x64x128xf32, #tpu.memory_space<vmem>>[vector<16xi32>, vector<16xi32>, vector<16xi32>], vector<16xf32>,
      %mul3A_716 = arith.mulf %gather3A_714, %gather3A_715 : vector<16xf32>
      %add3A_717 = arith.addf %add3A_713, %mul3A_716 : vector<16xf32>
      %gather3A_718 = tpu.vector_load_idx %arg12[%broadcast_in_dim3A_693, %add3A_51, %broadcast_in_dim3A_698] : memref<4x64x128xf32, #tpu.memory_space<vmem>>[vector<16xi32>, vector<16xi32>, vector<16xi32>], vector<16xf32>,
      %gather3A_719 = tpu.vector_load_idx %arg13[%broadcast_in_dim3A_693, %add3A_51, %broadcast_in_dim3A_703] : memref<4x64x128xf32, #tpu.memory_space<vmem>>[vector<16xi32>, vector<16xi32>, vector<16xi32>], vector<16xf32>,
      %mul3A_720 = arith.mulf %gather3A_718, %gather3A_719 : vector<16xf32>
      %add3A_721 = arith.addf %add3A_717, %mul3A_720 : vector<16xf32>
      %eq3A_722 = arith.constant 4 : i32
      %eq3A_723 = vector.broadcast %eq3A_722 : i32 to vector<16xi32>
      %eq3A_724 = arith.cmpi eq, %iota3A_39, %eq3A_723 : vector<16xi32>
      %reduce_sum3A_725 = arith.constant true
      %reduce_sum3A_726 = vector.broadcast %reduce_sum3A_725 : i1 to vector<16xi1>
      %reduce_sum3A_727 = tpu.scan <sum>, %add3A_721 masked %reduce_sum3A_726 : vector<16xf32>, vector<16xi1> -> vector<16xf32>
      %reduce_sum3A_728 = vector.extract %reduce_sum3A_727[15] : f32 from vector<16xf32>
      %broadcast_in_dim3A_729 = vector.broadcast %reduce_sum3A_728 : f32 to vector<16xf32>
      %select_n3A_730 = arith.select %eq3A_724, %broadcast_in_dim3A_729, %select_n3A_621 : vector<16xi1>, vector<16xf32>
      %mul3A_731 = arith.constant 16 : i32
      %mul3A_732 = arith.muli %scan3A_57, %mul3A_731 : i32
      %add3A_733 = arith.constant 5 : i32
      %add3A_734 = arith.addi %mul3A_732, %add3A_733 : i32
      %slice3A_735 = vector.extract_strided_slice %get3A_66 {offsets = [8], sizes = [1], strides = [1]} : vector<16xi32> to vector<1xi32>
      %squeeze3A_736 = vector.extract %slice3A_735[0] : i32 from vector<1xi32>
      %shift_right_arithmetic3A_737 = arith.constant 7 : i32
      %shift_right_arithmetic3A_738 = arith.shrsi %squeeze3A_736, %shift_right_arithmetic3A_737 : i32
      %mul3A_739 = arith.constant 128 : i32
      %mul3A_740 = arith.muli %shift_right_arithmetic3A_738, %mul3A_739 : i32
      %multiple_of3A_741 = tpu.assume_multiple %mul3A_740, 128 : i32
      %slice3A_742 = vector.extract_strided_slice %get3A_68 {offsets = [8], sizes = [1], strides = [1]} : vector<16xi32> to vector<1xi32>
      %squeeze3A_743 = vector.extract %slice3A_742[0] : i32 from vector<1xi32>
      %shift_right_arithmetic3A_744 = arith.constant 7 : i32
      %shift_right_arithmetic3A_745 = arith.shrsi %squeeze3A_743, %shift_right_arithmetic3A_744 : i32
      %mul3A_746 = arith.constant 128 : i32
      %mul3A_747 = arith.muli %shift_right_arithmetic3A_745, %mul3A_746 : i32
      %multiple_of3A_748 = tpu.assume_multiple %mul3A_747, 128 : i32
      %dma_start3A_749 = arith.constant 0 : i32
      %dma_start3A_750 = arith.constant 0 : i32
      %dma_start3A_751 = arith.constant 0 : i32
      %dma_start3A_752 = tpu.memref_slice %arg12[%dma_start3A_749, %dma_start3A_750, %dma_start3A_751] : memref<4x64x128xf32, #tpu.memory_space<vmem>> -> memref<1x64x128xf32, #tpu.memory_space<vmem>>
      %dma_start3A_753 = tpu.memref_squeeze %dma_start3A_752 : memref<1x64x128xf32, #tpu.memory_space<vmem>> -> memref<64x128xf32, #tpu.memory_space<vmem>>
      %dma_start3A_754 = arith.constant 0 : i32
      %dma_start3A_755 = tpu.memref_slice %arg4[%dma_start3A_754, %multiple_of3A_741] : memref<64x1000000xf32, #tpu.memory_space<hbm>> -> memref<64x128xf32, #tpu.memory_space<hbm>>
      %dma_start3A_756 = arith.constant 0 : i32
      %dma_start3A_757 = arith.constant 0 : i32
      %dma_start3A_758 = tpu.memref_slice %arg12[%dma_start3A_749, %dma_start3A_756, %dma_start3A_757] : memref<4x64x128xf32, #tpu.memory_space<vmem>> -> memref<1x64x128xf32, #tpu.memory_space<vmem>>
      %dma_start3A_759 = tpu.memref_squeeze %dma_start3A_758 : memref<1x64x128xf32, #tpu.memory_space<vmem>> -> memref<64x128xf32, #tpu.memory_space<vmem>>
      %dma_start3A_760 = arith.constant 0 : i32
      %dma_start3A_761 = tpu.memref_slice %arg4[%dma_start3A_760, %multiple_of3A_741] : memref<64x1000000xf32, #tpu.memory_space<hbm>> -> memref<64x128xf32, #tpu.memory_space<hbm>>
      tpu.enqueue_dma source(%dma_start3A_761 : memref<64x128xf32, #tpu.memory_space<hbm>>) target(%dma_start3A_759 : memref<64x128xf32, #tpu.memory_space<vmem>>) target_semaphore(%arg19 : memref<!tpu.dma_semaphore, #tpu.memory_space<semaphore_mem>>)
      %dma_start3A_762 = arith.constant 0 : i32
      %dma_start3A_763 = arith.constant 0 : i32
      %dma_start3A_764 = arith.constant 0 : i32
      %dma_start3A_765 = tpu.memref_slice %arg13[%dma_start3A_762, %dma_start3A_763, %dma_start3A_764] : memref<4x64x128xf32, #tpu.memory_space<vmem>> -> memref<1x64x128xf32, #tpu.memory_space<vmem>>
      %dma_start3A_766 = tpu.memref_squeeze %dma_start3A_765 : memref<1x64x128xf32, #tpu.memory_space<vmem>> -> memref<64x128xf32, #tpu.memory_space<vmem>>
      %dma_start3A_767 = arith.constant 0 : i32
      %dma_start3A_768 = tpu.memref_slice %arg5[%dma_start3A_767, %multiple_of3A_748] : memref<64x1000000xf32, #tpu.memory_space<hbm>> -> memref<64x128xf32, #tpu.memory_space<hbm>>
      %dma_start3A_769 = arith.constant 0 : i32
      %dma_start3A_770 = arith.constant 0 : i32
      %dma_start3A_771 = tpu.memref_slice %arg13[%dma_start3A_762, %dma_start3A_769, %dma_start3A_770] : memref<4x64x128xf32, #tpu.memory_space<vmem>> -> memref<1x64x128xf32, #tpu.memory_space<vmem>>
      %dma_start3A_772 = tpu.memref_squeeze %dma_start3A_771 : memref<1x64x128xf32, #tpu.memory_space<vmem>> -> memref<64x128xf32, #tpu.memory_space<vmem>>
      %dma_start3A_773 = arith.constant 0 : i32
      %dma_start3A_774 = tpu.memref_slice %arg5[%dma_start3A_773, %multiple_of3A_748] : memref<64x1000000xf32, #tpu.memory_space<hbm>> -> memref<64x128xf32, #tpu.memory_space<hbm>>
      tpu.enqueue_dma source(%dma_start3A_774 : memref<64x128xf32, #tpu.memory_space<hbm>>) target(%dma_start3A_772 : memref<64x128xf32, #tpu.memory_space<vmem>>) target_semaphore(%arg23 : memref<!tpu.dma_semaphore, #tpu.memory_space<semaphore_mem>>)
      %dma_wait3A_775 = arith.constant 1 : i32
      %dma_wait3A_776 = arith.constant 0 : i32
      %dma_wait3A_777 = arith.constant 0 : i32
      %dma_wait3A_778 = tpu.memref_slice %arg12[%dma_wait3A_775, %dma_wait3A_776, %dma_wait3A_777] : memref<4x64x128xf32, #tpu.memory_space<vmem>> -> memref<1x64x128xf32, #tpu.memory_space<vmem>>
      %dma_wait3A_779 = tpu.memref_squeeze %dma_wait3A_778 : memref<1x64x128xf32, #tpu.memory_space<vmem>> -> memref<64x128xf32, #tpu.memory_space<vmem>>
      %dma_wait3A_780 = arith.constant 0 : i32
      %dma_wait3A_781 = tpu.memref_slice %arg4[%dma_wait3A_780, %multiple_of3A_414] : memref<64x1000000xf32, #tpu.memory_space<hbm>> -> memref<64x128xf32, #tpu.memory_space<hbm>>
      %dma_wait3A_782 = arith.constant 0 : i32
      %dma_wait3A_783 = arith.constant 0 : i32
      %dma_wait3A_784 = tpu.memref_slice %arg12[%dma_wait3A_775, %dma_wait3A_782, %dma_wait3A_783] : memref<4x64x128xf32, #tpu.memory_space<vmem>> -> memref<1x64x128xf32, #tpu.memory_space<vmem>>
      %dma_wait3A_785 = tpu.memref_squeeze %dma_wait3A_784 : memref<1x64x128xf32, #tpu.memory_space<vmem>> -> memref<64x128xf32, #tpu.memory_space<vmem>>
      %dma_wait3A_786 = arith.constant 0 : i32
      %dma_wait3A_787 = tpu.memref_slice %arg4[%dma_wait3A_786, %multiple_of3A_414] : memref<64x1000000xf32, #tpu.memory_space<hbm>> -> memref<64x128xf32, #tpu.memory_space<hbm>>
      tpu.wait_dma2 semaphore(%arg20 : memref<!tpu.dma_semaphore, #tpu.memory_space<semaphore_mem>>) src(%dma_wait3A_787 : memref<64x128xf32, #tpu.memory_space<hbm>>) dst(%dma_wait3A_785 : memref<64x128xf32, #tpu.memory_space<vmem>>)
      %dma_wait3A_788 = arith.constant 1 : i32
      %dma_wait3A_789 = arith.constant 0 : i32
      %dma_wait3A_790 = arith.constant 0 : i32
      %dma_wait3A_791 = tpu.memref_slice %arg13[%dma_wait3A_788, %dma_wait3A_789, %dma_wait3A_790] : memref<4x64x128xf32, #tpu.memory_space<vmem>> -> memref<1x64x128xf32, #tpu.memory_space<vmem>>
      %dma_wait3A_792 = tpu.memref_squeeze %dma_wait3A_791 : memref<1x64x128xf32, #tpu.memory_space<vmem>> -> memref<64x128xf32, #tpu.memory_space<vmem>>
      %dma_wait3A_793 = arith.constant 0 : i32
      %dma_wait3A_794 = tpu.memref_slice %arg5[%dma_wait3A_793, %multiple_of3A_421] : memref<64x1000000xf32, #tpu.memory_space<hbm>> -> memref<64x128xf32, #tpu.memory_space<hbm>>
      %dma_wait3A_795 = arith.constant 0 : i32
      %dma_wait3A_796 = arith.constant 0 : i32
      %dma_wait3A_797 = tpu.memref_slice %arg13[%dma_wait3A_788, %dma_wait3A_795, %dma_wait3A_796] : memref<4x64x128xf32, #tpu.memory_space<vmem>> -> memref<1x64x128xf32, #tpu.memory_space<vmem>>
      %dma_wait3A_798 = tpu.memref_squeeze %dma_wait3A_797 : memref<1x64x128xf32, #tpu.memory_space<vmem>> -> memref<64x128xf32, #tpu.memory_space<vmem>>
      %dma_wait3A_799 = arith.constant 0 : i32
      %dma_wait3A_800 = tpu.memref_slice %arg5[%dma_wait3A_799, %multiple_of3A_421] : memref<64x1000000xf32, #tpu.memory_space<hbm>> -> memref<64x128xf32, #tpu.memory_space<hbm>>
      tpu.wait_dma2 semaphore(%arg24 : memref<!tpu.dma_semaphore, #tpu.memory_space<semaphore_mem>>) src(%dma_wait3A_800 : memref<64x128xf32, #tpu.memory_space<hbm>>) dst(%dma_wait3A_798 : memref<64x128xf32, #tpu.memory_space<vmem>>)
      %broadcast_in_dim3A_801 = arith.constant 1 : i32
      %broadcast_in_dim3A_802 = vector.broadcast %broadcast_in_dim3A_801 : i32 to vector<16xi32>
      %slice3A_803 = vector.extract_strided_slice %get3A_66 {offsets = [5], sizes = [1], strides = [1]} : vector<16xi32> to vector<1xi32>
      %squeeze3A_804 = vector.extract %slice3A_803[0] : i32 from vector<1xi32>
      %and3A_805 = arith.constant 127 : i32
      %and3A_806 = arith.andi %squeeze3A_804, %and3A_805 : i32
      %broadcast_in_dim3A_807 = vector.broadcast %and3A_806 : i32 to vector<16xi32>
      %slice3A_808 = vector.extract_strided_slice %get3A_68 {offsets = [5], sizes = [1], strides = [1]} : vector<16xi32> to vector<1xi32>
      %squeeze3A_809 = vector.extract %slice3A_808[0] : i32 from vector<1xi32>
      %and3A_810 = arith.constant 127 : i32
      %and3A_811 = arith.andi %squeeze3A_809, %and3A_810 : i32
      %broadcast_in_dim3A_812 = vector.broadcast %and3A_811 : i32 to vector<16xi32>
      %broadcast_in_dim3A_813 = arith.constant 0.000000e+00 : f32
      %broadcast_in_dim3A_814 = vector.broadcast %broadcast_in_dim3A_813 : f32 to vector<16xf32>
      %gather3A_815 = tpu.vector_load_idx %arg12[%broadcast_in_dim3A_802, %add3A_42, %broadcast_in_dim3A_807] : memref<4x64x128xf32, #tpu.memory_space<vmem>>[vector<16xi32>, vector<16xi32>, vector<16xi32>], vector<16xf32>,
      %gather3A_816 = tpu.vector_load_idx %arg13[%broadcast_in_dim3A_802, %add3A_42, %broadcast_in_dim3A_812] : memref<4x64x128xf32, #tpu.memory_space<vmem>>[vector<16xi32>, vector<16xi32>, vector<16xi32>], vector<16xf32>,
      %mul3A_817 = arith.mulf %gather3A_815, %gather3A_816 : vector<16xf32>
      %add3A_818 = arith.addf %broadcast_in_dim3A_814, %mul3A_817 : vector<16xf32>
      %gather3A_819 = tpu.vector_load_idx %arg12[%broadcast_in_dim3A_802, %add3A_45, %broadcast_in_dim3A_807] : memref<4x64x128xf32, #tpu.memory_space<vmem>>[vector<16xi32>, vector<16xi32>, vector<16xi32>], vector<16xf32>,
      %gather3A_820 = tpu.vector_load_idx %arg13[%broadcast_in_dim3A_802, %add3A_45, %broadcast_in_dim3A_812] : memref<4x64x128xf32, #tpu.memory_space<vmem>>[vector<16xi32>, vector<16xi32>, vector<16xi32>], vector<16xf32>,
      %mul3A_821 = arith.mulf %gather3A_819, %gather3A_820 : vector<16xf32>
      %add3A_822 = arith.addf %add3A_818, %mul3A_821 : vector<16xf32>
      %gather3A_823 = tpu.vector_load_idx %arg12[%broadcast_in_dim3A_802, %add3A_48, %broadcast_in_dim3A_807] : memref<4x64x128xf32, #tpu.memory_space<vmem>>[vector<16xi32>, vector<16xi32>, vector<16xi32>], vector<16xf32>,
      %gather3A_824 = tpu.vector_load_idx %arg13[%broadcast_in_dim3A_802, %add3A_48, %broadcast_in_dim3A_812] : memref<4x64x128xf32, #tpu.memory_space<vmem>>[vector<16xi32>, vector<16xi32>, vector<16xi32>], vector<16xf32>,
      %mul3A_825 = arith.mulf %gather3A_823, %gather3A_824 : vector<16xf32>
      %add3A_826 = arith.addf %add3A_822, %mul3A_825 : vector<16xf32>
      %gather3A_827 = tpu.vector_load_idx %arg12[%broadcast_in_dim3A_802, %add3A_51, %broadcast_in_dim3A_807] : memref<4x64x128xf32, #tpu.memory_space<vmem>>[vector<16xi32>, vector<16xi32>, vector<16xi32>], vector<16xf32>,
      %gather3A_828 = tpu.vector_load_idx %arg13[%broadcast_in_dim3A_802, %add3A_51, %broadcast_in_dim3A_812] : memref<4x64x128xf32, #tpu.memory_space<vmem>>[vector<16xi32>, vector<16xi32>, vector<16xi32>], vector<16xf32>,
      %mul3A_829 = arith.mulf %gather3A_827, %gather3A_828 : vector<16xf32>
      %add3A_830 = arith.addf %add3A_826, %mul3A_829 : vector<16xf32>
      %eq3A_831 = arith.constant 5 : i32
      %eq3A_832 = vector.broadcast %eq3A_831 : i32 to vector<16xi32>
      %eq3A_833 = arith.cmpi eq, %iota3A_39, %eq3A_832 : vector<16xi32>
      %reduce_sum3A_834 = arith.constant true
      %reduce_sum3A_835 = vector.broadcast %reduce_sum3A_834 : i1 to vector<16xi1>
      %reduce_sum3A_836 = tpu.scan <sum>, %add3A_830 masked %reduce_sum3A_835 : vector<16xf32>, vector<16xi1> -> vector<16xf32>
      %reduce_sum3A_837 = vector.extract %reduce_sum3A_836[15] : f32 from vector<16xf32>
      %broadcast_in_dim3A_838 = vector.broadcast %reduce_sum3A_837 : f32 to vector<16xf32>
      %select_n3A_839 = arith.select %eq3A_833, %broadcast_in_dim3A_838, %select_n3A_730 : vector<16xi1>, vector<16xf32>
      %mul3A_840 = arith.constant 16 : i32
      %mul3A_841 = arith.muli %scan3A_57, %mul3A_840 : i32
      %add3A_842 = arith.constant 6 : i32
      %add3A_843 = arith.addi %mul3A_841, %add3A_842 : i32
      %slice3A_844 = vector.extract_strided_slice %get3A_66 {offsets = [9], sizes = [1], strides = [1]} : vector<16xi32> to vector<1xi32>
      %squeeze3A_845 = vector.extract %slice3A_844[0] : i32 from vector<1xi32>
      %shift_right_arithmetic3A_846 = arith.constant 7 : i32
      %shift_right_arithmetic3A_847 = arith.shrsi %squeeze3A_845, %shift_right_arithmetic3A_846 : i32
      %mul3A_848 = arith.constant 128 : i32
      %mul3A_849 = arith.muli %shift_right_arithmetic3A_847, %mul3A_848 : i32
      %multiple_of3A_850 = tpu.assume_multiple %mul3A_849, 128 : i32
      %slice3A_851 = vector.extract_strided_slice %get3A_68 {offsets = [9], sizes = [1], strides = [1]} : vector<16xi32> to vector<1xi32>
      %squeeze3A_852 = vector.extract %slice3A_851[0] : i32 from vector<1xi32>
      %shift_right_arithmetic3A_853 = arith.constant 7 : i32
      %shift_right_arithmetic3A_854 = arith.shrsi %squeeze3A_852, %shift_right_arithmetic3A_853 : i32
      %mul3A_855 = arith.constant 128 : i32
      %mul3A_856 = arith.muli %shift_right_arithmetic3A_854, %mul3A_855 : i32
      %multiple_of3A_857 = tpu.assume_multiple %mul3A_856, 128 : i32
      %dma_start3A_858 = arith.constant 1 : i32
      %dma_start3A_859 = arith.constant 0 : i32
      %dma_start3A_860 = arith.constant 0 : i32
      %dma_start3A_861 = tpu.memref_slice %arg12[%dma_start3A_858, %dma_start3A_859, %dma_start3A_860] : memref<4x64x128xf32, #tpu.memory_space<vmem>> -> memref<1x64x128xf32, #tpu.memory_space<vmem>>
      %dma_start3A_862 = tpu.memref_squeeze %dma_start3A_861 : memref<1x64x128xf32, #tpu.memory_space<vmem>> -> memref<64x128xf32, #tpu.memory_space<vmem>>
      %dma_start3A_863 = arith.constant 0 : i32
      %dma_start3A_864 = tpu.memref_slice %arg4[%dma_start3A_863, %multiple_of3A_850] : memref<64x1000000xf32, #tpu.memory_space<hbm>> -> memref<64x128xf32, #tpu.memory_space<hbm>>
      %dma_start3A_865 = arith.constant 0 : i32
      %dma_start3A_866 = arith.constant 0 : i32
      %dma_start3A_867 = tpu.memref_slice %arg12[%dma_start3A_858, %dma_start3A_865, %dma_start3A_866] : memref<4x64x128xf32, #tpu.memory_space<vmem>> -> memref<1x64x128xf32, #tpu.memory_space<vmem>>
      %dma_start3A_868 = tpu.memref_squeeze %dma_start3A_867 : memref<1x64x128xf32, #tpu.memory_space<vmem>> -> memref<64x128xf32, #tpu.memory_space<vmem>>
      %dma_start3A_869 = arith.constant 0 : i32
      %dma_start3A_870 = tpu.memref_slice %arg4[%dma_start3A_869, %multiple_of3A_850] : memref<64x1000000xf32, #tpu.memory_space<hbm>> -> memref<64x128xf32, #tpu.memory_space<hbm>>
      tpu.enqueue_dma source(%dma_start3A_870 : memref<64x128xf32, #tpu.memory_space<hbm>>) target(%dma_start3A_868 : memref<64x128xf32, #tpu.memory_space<vmem>>) target_semaphore(%arg20 : memref<!tpu.dma_semaphore, #tpu.memory_space<semaphore_mem>>)
      %dma_start3A_871 = arith.constant 1 : i32
      %dma_start3A_872 = arith.constant 0 : i32
      %dma_start3A_873 = arith.constant 0 : i32
      %dma_start3A_874 = tpu.memref_slice %arg13[%dma_start3A_871, %dma_start3A_872, %dma_start3A_873] : memref<4x64x128xf32, #tpu.memory_space<vmem>> -> memref<1x64x128xf32, #tpu.memory_space<vmem>>
      %dma_start3A_875 = tpu.memref_squeeze %dma_start3A_874 : memref<1x64x128xf32, #tpu.memory_space<vmem>> -> memref<64x128xf32, #tpu.memory_space<vmem>>
      %dma_start3A_876 = arith.constant 0 : i32
      %dma_start3A_877 = tpu.memref_slice %arg5[%dma_start3A_876, %multiple_of3A_857] : memref<64x1000000xf32, #tpu.memory_space<hbm>> -> memref<64x128xf32, #tpu.memory_space<hbm>>
      %dma_start3A_878 = arith.constant 0 : i32
      %dma_start3A_879 = arith.constant 0 : i32
      %dma_start3A_880 = tpu.memref_slice %arg13[%dma_start3A_871, %dma_start3A_878, %dma_start3A_879] : memref<4x64x128xf32, #tpu.memory_space<vmem>> -> memref<1x64x128xf32, #tpu.memory_space<vmem>>
      %dma_start3A_881 = tpu.memref_squeeze %dma_start3A_880 : memref<1x64x128xf32, #tpu.memory_space<vmem>> -> memref<64x128xf32, #tpu.memory_space<vmem>>
      %dma_start3A_882 = arith.constant 0 : i32
      %dma_start3A_883 = tpu.memref_slice %arg5[%dma_start3A_882, %multiple_of3A_857] : memref<64x1000000xf32, #tpu.memory_space<hbm>> -> memref<64x128xf32, #tpu.memory_space<hbm>>
      tpu.enqueue_dma source(%dma_start3A_883 : memref<64x128xf32, #tpu.memory_space<hbm>>) target(%dma_start3A_881 : memref<64x128xf32, #tpu.memory_space<vmem>>) target_semaphore(%arg24 : memref<!tpu.dma_semaphore, #tpu.memory_space<semaphore_mem>>)
      %dma_wait3A_884 = arith.constant 2 : i32
      %dma_wait3A_885 = arith.constant 0 : i32
      %dma_wait3A_886 = arith.constant 0 : i32
      %dma_wait3A_887 = tpu.memref_slice %arg12[%dma_wait3A_884, %dma_wait3A_885, %dma_wait3A_886] : memref<4x64x128xf32, #tpu.memory_space<vmem>> -> memref<1x64x128xf32, #tpu.memory_space<vmem>>
      %dma_wait3A_888 = tpu.memref_squeeze %dma_wait3A_887 : memref<1x64x128xf32, #tpu.memory_space<vmem>> -> memref<64x128xf32, #tpu.memory_space<vmem>>
      %dma_wait3A_889 = arith.constant 0 : i32
      %dma_wait3A_890 = tpu.memref_slice %arg4[%dma_wait3A_889, %multiple_of3A_523] : memref<64x1000000xf32, #tpu.memory_space<hbm>> -> memref<64x128xf32, #tpu.memory_space<hbm>>
      %dma_wait3A_891 = arith.constant 0 : i32
      %dma_wait3A_892 = arith.constant 0 : i32
      %dma_wait3A_893 = tpu.memref_slice %arg12[%dma_wait3A_884, %dma_wait3A_891, %dma_wait3A_892] : memref<4x64x128xf32, #tpu.memory_space<vmem>> -> memref<1x64x128xf32, #tpu.memory_space<vmem>>
      %dma_wait3A_894 = tpu.memref_squeeze %dma_wait3A_893 : memref<1x64x128xf32, #tpu.memory_space<vmem>> -> memref<64x128xf32, #tpu.memory_space<vmem>>
      %dma_wait3A_895 = arith.constant 0 : i32
      %dma_wait3A_896 = tpu.memref_slice %arg4[%dma_wait3A_895, %multiple_of3A_523] : memref<64x1000000xf32, #tpu.memory_space<hbm>> -> memref<64x128xf32, #tpu.memory_space<hbm>>
      tpu.wait_dma2 semaphore(%arg21 : memref<!tpu.dma_semaphore, #tpu.memory_space<semaphore_mem>>) src(%dma_wait3A_896 : memref<64x128xf32, #tpu.memory_space<hbm>>) dst(%dma_wait3A_894 : memref<64x128xf32, #tpu.memory_space<vmem>>)
      %dma_wait3A_897 = arith.constant 2 : i32
      %dma_wait3A_898 = arith.constant 0 : i32
      %dma_wait3A_899 = arith.constant 0 : i32
      %dma_wait3A_900 = tpu.memref_slice %arg13[%dma_wait3A_897, %dma_wait3A_898, %dma_wait3A_899] : memref<4x64x128xf32, #tpu.memory_space<vmem>> -> memref<1x64x128xf32, #tpu.memory_space<vmem>>
      %dma_wait3A_901 = tpu.memref_squeeze %dma_wait3A_900 : memref<1x64x128xf32, #tpu.memory_space<vmem>> -> memref<64x128xf32, #tpu.memory_space<vmem>>
      %dma_wait3A_902 = arith.constant 0 : i32
      %dma_wait3A_903 = tpu.memref_slice %arg5[%dma_wait3A_902, %multiple_of3A_530] : memref<64x1000000xf32, #tpu.memory_space<hbm>> -> memref<64x128xf32, #tpu.memory_space<hbm>>
      %dma_wait3A_904 = arith.constant 0 : i32
      %dma_wait3A_905 = arith.constant 0 : i32
      %dma_wait3A_906 = tpu.memref_slice %arg13[%dma_wait3A_897, %dma_wait3A_904, %dma_wait3A_905] : memref<4x64x128xf32, #tpu.memory_space<vmem>> -> memref<1x64x128xf32, #tpu.memory_space<vmem>>
      %dma_wait3A_907 = tpu.memref_squeeze %dma_wait3A_906 : memref<1x64x128xf32, #tpu.memory_space<vmem>> -> memref<64x128xf32, #tpu.memory_space<vmem>>
      %dma_wait3A_908 = arith.constant 0 : i32
      %dma_wait3A_909 = tpu.memref_slice %arg5[%dma_wait3A_908, %multiple_of3A_530] : memref<64x1000000xf32, #tpu.memory_space<hbm>> -> memref<64x128xf32, #tpu.memory_space<hbm>>
      tpu.wait_dma2 semaphore(%arg25 : memref<!tpu.dma_semaphore, #tpu.memory_space<semaphore_mem>>) src(%dma_wait3A_909 : memref<64x128xf32, #tpu.memory_space<hbm>>) dst(%dma_wait3A_907 : memref<64x128xf32, #tpu.memory_space<vmem>>)
      %broadcast_in_dim3A_910 = arith.constant 2 : i32
      %broadcast_in_dim3A_911 = vector.broadcast %broadcast_in_dim3A_910 : i32 to vector<16xi32>
      %slice3A_912 = vector.extract_strided_slice %get3A_66 {offsets = [6], sizes = [1], strides = [1]} : vector<16xi32> to vector<1xi32>
      %squeeze3A_913 = vector.extract %slice3A_912[0] : i32 from vector<1xi32>
      %and3A_914 = arith.constant 127 : i32
      %and3A_915 = arith.andi %squeeze3A_913, %and3A_914 : i32
      %broadcast_in_dim3A_916 = vector.broadcast %and3A_915 : i32 to vector<16xi32>
      %slice3A_917 = vector.extract_strided_slice %get3A_68 {offsets = [6], sizes = [1], strides = [1]} : vector<16xi32> to vector<1xi32>
      %squeeze3A_918 = vector.extract %slice3A_917[0] : i32 from vector<1xi32>
      %and3A_919 = arith.constant 127 : i32
      %and3A_920 = arith.andi %squeeze3A_918, %and3A_919 : i32
      %broadcast_in_dim3A_921 = vector.broadcast %and3A_920 : i32 to vector<16xi32>
      %broadcast_in_dim3A_922 = arith.constant 0.000000e+00 : f32
      %broadcast_in_dim3A_923 = vector.broadcast %broadcast_in_dim3A_922 : f32 to vector<16xf32>
      %gather3A_924 = tpu.vector_load_idx %arg12[%broadcast_in_dim3A_911, %add3A_42, %broadcast_in_dim3A_916] : memref<4x64x128xf32, #tpu.memory_space<vmem>>[vector<16xi32>, vector<16xi32>, vector<16xi32>], vector<16xf32>,
      %gather3A_925 = tpu.vector_load_idx %arg13[%broadcast_in_dim3A_911, %add3A_42, %broadcast_in_dim3A_921] : memref<4x64x128xf32, #tpu.memory_space<vmem>>[vector<16xi32>, vector<16xi32>, vector<16xi32>], vector<16xf32>,
      %mul3A_926 = arith.mulf %gather3A_924, %gather3A_925 : vector<16xf32>
      %add3A_927 = arith.addf %broadcast_in_dim3A_923, %mul3A_926 : vector<16xf32>
      %gather3A_928 = tpu.vector_load_idx %arg12[%broadcast_in_dim3A_911, %add3A_45, %broadcast_in_dim3A_916] : memref<4x64x128xf32, #tpu.memory_space<vmem>>[vector<16xi32>, vector<16xi32>, vector<16xi32>], vector<16xf32>,
      %gather3A_929 = tpu.vector_load_idx %arg13[%broadcast_in_dim3A_911, %add3A_45, %broadcast_in_dim3A_921] : memref<4x64x128xf32, #tpu.memory_space<vmem>>[vector<16xi32>, vector<16xi32>, vector<16xi32>], vector<16xf32>,
      %mul3A_930 = arith.mulf %gather3A_928, %gather3A_929 : vector<16xf32>
      %add3A_931 = arith.addf %add3A_927, %mul3A_930 : vector<16xf32>
      %gather3A_932 = tpu.vector_load_idx %arg12[%broadcast_in_dim3A_911, %add3A_48, %broadcast_in_dim3A_916] : memref<4x64x128xf32, #tpu.memory_space<vmem>>[vector<16xi32>, vector<16xi32>, vector<16xi32>], vector<16xf32>,
      %gather3A_933 = tpu.vector_load_idx %arg13[%broadcast_in_dim3A_911, %add3A_48, %broadcast_in_dim3A_921] : memref<4x64x128xf32, #tpu.memory_space<vmem>>[vector<16xi32>, vector<16xi32>, vector<16xi32>], vector<16xf32>,
      %mul3A_934 = arith.mulf %gather3A_932, %gather3A_933 : vector<16xf32>
      %add3A_935 = arith.addf %add3A_931, %mul3A_934 : vector<16xf32>
      %gather3A_936 = tpu.vector_load_idx %arg12[%broadcast_in_dim3A_911, %add3A_51, %broadcast_in_dim3A_916] : memref<4x64x128xf32, #tpu.memory_space<vmem>>[vector<16xi32>, vector<16xi32>, vector<16xi32>], vector<16xf32>,
      %gather3A_937 = tpu.vector_load_idx %arg13[%broadcast_in_dim3A_911, %add3A_51, %broadcast_in_dim3A_921] : memref<4x64x128xf32, #tpu.memory_space<vmem>>[vector<16xi32>, vector<16xi32>, vector<16xi32>], vector<16xf32>,
      %mul3A_938 = arith.mulf %gather3A_936, %gather3A_937 : vector<16xf32>
      %add3A_939 = arith.addf %add3A_935, %mul3A_938 : vector<16xf32>
      %eq3A_940 = arith.constant 6 : i32
      %eq3A_941 = vector.broadcast %eq3A_940 : i32 to vector<16xi32>
      %eq3A_942 = arith.cmpi eq, %iota3A_39, %eq3A_941 : vector<16xi32>
      %reduce_sum3A_943 = arith.constant true
      %reduce_sum3A_944 = vector.broadcast %reduce_sum3A_943 : i1 to vector<16xi1>
      %reduce_sum3A_945 = tpu.scan <sum>, %add3A_939 masked %reduce_sum3A_944 : vector<16xf32>, vector<16xi1> -> vector<16xf32>
      %reduce_sum3A_946 = vector.extract %reduce_sum3A_945[15] : f32 from vector<16xf32>
      %broadcast_in_dim3A_947 = vector.broadcast %reduce_sum3A_946 : f32 to vector<16xf32>
      %select_n3A_948 = arith.select %eq3A_942, %broadcast_in_dim3A_947, %select_n3A_839 : vector<16xi1>, vector<16xf32>
      %mul3A_949 = arith.constant 16 : i32
      %mul3A_950 = arith.muli %scan3A_57, %mul3A_949 : i32
      %add3A_951 = arith.constant 7 : i32
      %add3A_952 = arith.addi %mul3A_950, %add3A_951 : i32
      %slice3A_953 = vector.extract_strided_slice %get3A_66 {offsets = [10], sizes = [1], strides = [1]} : vector<16xi32> to vector<1xi32>
      %squeeze3A_954 = vector.extract %slice3A_953[0] : i32 from vector<1xi32>
      %shift_right_arithmetic3A_955 = arith.constant 7 : i32
      %shift_right_arithmetic3A_956 = arith.shrsi %squeeze3A_954, %shift_right_arithmetic3A_955 : i32
      %mul3A_957 = arith.constant 128 : i32
      %mul3A_958 = arith.muli %shift_right_arithmetic3A_956, %mul3A_957 : i32
      %multiple_of3A_959 = tpu.assume_multiple %mul3A_958, 128 : i32
      %slice3A_960 = vector.extract_strided_slice %get3A_68 {offsets = [10], sizes = [1], strides = [1]} : vector<16xi32> to vector<1xi32>
      %squeeze3A_961 = vector.extract %slice3A_960[0] : i32 from vector<1xi32>
      %shift_right_arithmetic3A_962 = arith.constant 7 : i32
      %shift_right_arithmetic3A_963 = arith.shrsi %squeeze3A_961, %shift_right_arithmetic3A_962 : i32
      %mul3A_964 = arith.constant 128 : i32
      %mul3A_965 = arith.muli %shift_right_arithmetic3A_963, %mul3A_964 : i32
      %multiple_of3A_966 = tpu.assume_multiple %mul3A_965, 128 : i32
      %dma_start3A_967 = arith.constant 2 : i32
      %dma_start3A_968 = arith.constant 0 : i32
      %dma_start3A_969 = arith.constant 0 : i32
      %dma_start3A_970 = tpu.memref_slice %arg12[%dma_start3A_967, %dma_start3A_968, %dma_start3A_969] : memref<4x64x128xf32, #tpu.memory_space<vmem>> -> memref<1x64x128xf32, #tpu.memory_space<vmem>>
      %dma_start3A_971 = tpu.memref_squeeze %dma_start3A_970 : memref<1x64x128xf32, #tpu.memory_space<vmem>> -> memref<64x128xf32, #tpu.memory_space<vmem>>
      %dma_start3A_972 = arith.constant 0 : i32
      %dma_start3A_973 = tpu.memref_slice %arg4[%dma_start3A_972, %multiple_of3A_959] : memref<64x1000000xf32, #tpu.memory_space<hbm>> -> memref<64x128xf32, #tpu.memory_space<hbm>>
      %dma_start3A_974 = arith.constant 0 : i32
      %dma_start3A_975 = arith.constant 0 : i32
      %dma_start3A_976 = tpu.memref_slice %arg12[%dma_start3A_967, %dma_start3A_974, %dma_start3A_975] : memref<4x64x128xf32, #tpu.memory_space<vmem>> -> memref<1x64x128xf32, #tpu.memory_space<vmem>>
      %dma_start3A_977 = tpu.memref_squeeze %dma_start3A_976 : memref<1x64x128xf32, #tpu.memory_space<vmem>> -> memref<64x128xf32, #tpu.memory_space<vmem>>
      %dma_start3A_978 = arith.constant 0 : i32
      %dma_start3A_979 = tpu.memref_slice %arg4[%dma_start3A_978, %multiple_of3A_959] : memref<64x1000000xf32, #tpu.memory_space<hbm>> -> memref<64x128xf32, #tpu.memory_space<hbm>>
      tpu.enqueue_dma source(%dma_start3A_979 : memref<64x128xf32, #tpu.memory_space<hbm>>) target(%dma_start3A_977 : memref<64x128xf32, #tpu.memory_space<vmem>>) target_semaphore(%arg21 : memref<!tpu.dma_semaphore, #tpu.memory_space<semaphore_mem>>)
      %dma_start3A_980 = arith.constant 2 : i32
      %dma_start3A_981 = arith.constant 0 : i32
      %dma_start3A_982 = arith.constant 0 : i32
      %dma_start3A_983 = tpu.memref_slice %arg13[%dma_start3A_980, %dma_start3A_981, %dma_start3A_982] : memref<4x64x128xf32, #tpu.memory_space<vmem>> -> memref<1x64x128xf32, #tpu.memory_space<vmem>>
      %dma_start3A_984 = tpu.memref_squeeze %dma_start3A_983 : memref<1x64x128xf32, #tpu.memory_space<vmem>> -> memref<64x128xf32, #tpu.memory_space<vmem>>
      %dma_start3A_985 = arith.constant 0 : i32
      %dma_start3A_986 = tpu.memref_slice %arg5[%dma_start3A_985, %multiple_of3A_966] : memref<64x1000000xf32, #tpu.memory_space<hbm>> -> memref<64x128xf32, #tpu.memory_space<hbm>>
      %dma_start3A_987 = arith.constant 0 : i32
      %dma_start3A_988 = arith.constant 0 : i32
      %dma_start3A_989 = tpu.memref_slice %arg13[%dma_start3A_980, %dma_start3A_987, %dma_start3A_988] : memref<4x64x128xf32, #tpu.memory_space<vmem>> -> memref<1x64x128xf32, #tpu.memory_space<vmem>>
      %dma_start3A_990 = tpu.memref_squeeze %dma_start3A_989 : memref<1x64x128xf32, #tpu.memory_space<vmem>> -> memref<64x128xf32, #tpu.memory_space<vmem>>
      %dma_start3A_991 = arith.constant 0 : i32
      %dma_start3A_992 = tpu.memref_slice %arg5[%dma_start3A_991, %multiple_of3A_966] : memref<64x1000000xf32, #tpu.memory_space<hbm>> -> memref<64x128xf32, #tpu.memory_space<hbm>>
      tpu.enqueue_dma source(%dma_start3A_992 : memref<64x128xf32, #tpu.memory_space<hbm>>) target(%dma_start3A_990 : memref<64x128xf32, #tpu.memory_space<vmem>>) target_semaphore(%arg25 : memref<!tpu.dma_semaphore, #tpu.memory_space<semaphore_mem>>)
      %dma_wait3A_993 = arith.constant 3 : i32
      %dma_wait3A_994 = arith.constant 0 : i32
      %dma_wait3A_995 = arith.constant 0 : i32
      %dma_wait3A_996 = tpu.memref_slice %arg12[%dma_wait3A_993, %dma_wait3A_994, %dma_wait3A_995] : memref<4x64x128xf32, #tpu.memory_space<vmem>> -> memref<1x64x128xf32, #tpu.memory_space<vmem>>
      %dma_wait3A_997 = tpu.memref_squeeze %dma_wait3A_996 : memref<1x64x128xf32, #tpu.memory_space<vmem>> -> memref<64x128xf32, #tpu.memory_space<vmem>>
      %dma_wait3A_998 = arith.constant 0 : i32
      %dma_wait3A_999 = tpu.memref_slice %arg4[%dma_wait3A_998, %multiple_of3A_632] : memref<64x1000000xf32, #tpu.memory_space<hbm>> -> memref<64x128xf32, #tpu.memory_space<hbm>>
      %dma_wait3A_1000 = arith.constant 0 : i32
      %dma_wait3A_1001 = arith.constant 0 : i32
      %dma_wait3A_1002 = tpu.memref_slice %arg12[%dma_wait3A_993, %dma_wait3A_1000, %dma_wait3A_1001] : memref<4x64x128xf32, #tpu.memory_space<vmem>> -> memref<1x64x128xf32, #tpu.memory_space<vmem>>
      %dma_wait3A_1003 = tpu.memref_squeeze %dma_wait3A_1002 : memref<1x64x128xf32, #tpu.memory_space<vmem>> -> memref<64x128xf32, #tpu.memory_space<vmem>>
      %dma_wait3A_1004 = arith.constant 0 : i32
      %dma_wait3A_1005 = tpu.memref_slice %arg4[%dma_wait3A_1004, %multiple_of3A_632] : memref<64x1000000xf32, #tpu.memory_space<hbm>> -> memref<64x128xf32, #tpu.memory_space<hbm>>
      tpu.wait_dma2 semaphore(%arg22 : memref<!tpu.dma_semaphore, #tpu.memory_space<semaphore_mem>>) src(%dma_wait3A_1005 : memref<64x128xf32, #tpu.memory_space<hbm>>) dst(%dma_wait3A_1003 : memref<64x128xf32, #tpu.memory_space<vmem>>)
      %dma_wait3A_1006 = arith.constant 3 : i32
      %dma_wait3A_1007 = arith.constant 0 : i32
      %dma_wait3A_1008 = arith.constant 0 : i32
      %dma_wait3A_1009 = tpu.memref_slice %arg13[%dma_wait3A_1006, %dma_wait3A_1007, %dma_wait3A_1008] : memref<4x64x128xf32, #tpu.memory_space<vmem>> -> memref<1x64x128xf32, #tpu.memory_space<vmem>>
      %dma_wait3A_1010 = tpu.memref_squeeze %dma_wait3A_1009 : memref<1x64x128xf32, #tpu.memory_space<vmem>> -> memref<64x128xf32, #tpu.memory_space<vmem>>
      %dma_wait3A_1011 = arith.constant 0 : i32
      %dma_wait3A_1012 = tpu.memref_slice %arg5[%dma_wait3A_1011, %multiple_of3A_639] : memref<64x1000000xf32, #tpu.memory_space<hbm>> -> memref<64x128xf32, #tpu.memory_space<hbm>>
      %dma_wait3A_1013 = arith.constant 0 : i32
      %dma_wait3A_1014 = arith.constant 0 : i32
      %dma_wait3A_1015 = tpu.memref_slice %arg13[%dma_wait3A_1006, %dma_wait3A_1013, %dma_wait3A_1014] : memref<4x64x128xf32, #tpu.memory_space<vmem>> -> memref<1x64x128xf32, #tpu.memory_space<vmem>>
      %dma_wait3A_1016 = tpu.memref_squeeze %dma_wait3A_1015 : memref<1x64x128xf32, #tpu.memory_space<vmem>> -> memref<64x128xf32, #tpu.memory_space<vmem>>
      %dma_wait3A_1017 = arith.constant 0 : i32
      %dma_wait3A_1018 = tpu.memref_slice %arg5[%dma_wait3A_1017, %multiple_of3A_639] : memref<64x1000000xf32, #tpu.memory_space<hbm>> -> memref<64x128xf32, #tpu.memory_space<hbm>>
      tpu.wait_dma2 semaphore(%arg26 : memref<!tpu.dma_semaphore, #tpu.memory_space<semaphore_mem>>) src(%dma_wait3A_1018 : memref<64x128xf32, #tpu.memory_space<hbm>>) dst(%dma_wait3A_1016 : memref<64x128xf32, #tpu.memory_space<vmem>>)
      %broadcast_in_dim3A_1019 = arith.constant 3 : i32
      %broadcast_in_dim3A_1020 = vector.broadcast %broadcast_in_dim3A_1019 : i32 to vector<16xi32>
      %slice3A_1021 = vector.extract_strided_slice %get3A_66 {offsets = [7], sizes = [1], strides = [1]} : vector<16xi32> to vector<1xi32>
      %squeeze3A_1022 = vector.extract %slice3A_1021[0] : i32 from vector<1xi32>
      %and3A_1023 = arith.constant 127 : i32
      %and3A_1024 = arith.andi %squeeze3A_1022, %and3A_1023 : i32
      %broadcast_in_dim3A_1025 = vector.broadcast %and3A_1024 : i32 to vector<16xi32>
      %slice3A_1026 = vector.extract_strided_slice %get3A_68 {offsets = [7], sizes = [1], strides = [1]} : vector<16xi32> to vector<1xi32>
      %squeeze3A_1027 = vector.extract %slice3A_1026[0] : i32 from vector<1xi32>
      %and3A_1028 = arith.constant 127 : i32
      %and3A_1029 = arith.andi %squeeze3A_1027, %and3A_1028 : i32
      %broadcast_in_dim3A_1030 = vector.broadcast %and3A_1029 : i32 to vector<16xi32>
      %broadcast_in_dim3A_1031 = arith.constant 0.000000e+00 : f32
      %broadcast_in_dim3A_1032 = vector.broadcast %broadcast_in_dim3A_1031 : f32 to vector<16xf32>
      %gather3A_1033 = tpu.vector_load_idx %arg12[%broadcast_in_dim3A_1020, %add3A_42, %broadcast_in_dim3A_1025] : memref<4x64x128xf32, #tpu.memory_space<vmem>>[vector<16xi32>, vector<16xi32>, vector<16xi32>], vector<16xf32>,
      %gather3A_1034 = tpu.vector_load_idx %arg13[%broadcast_in_dim3A_1020, %add3A_42, %broadcast_in_dim3A_1030] : memref<4x64x128xf32, #tpu.memory_space<vmem>>[vector<16xi32>, vector<16xi32>, vector<16xi32>], vector<16xf32>,
      %mul3A_1035 = arith.mulf %gather3A_1033, %gather3A_1034 : vector<16xf32>
      %add3A_1036 = arith.addf %broadcast_in_dim3A_1032, %mul3A_1035 : vector<16xf32>
      %gather3A_1037 = tpu.vector_load_idx %arg12[%broadcast_in_dim3A_1020, %add3A_45, %broadcast_in_dim3A_1025] : memref<4x64x128xf32, #tpu.memory_space<vmem>>[vector<16xi32>, vector<16xi32>, vector<16xi32>], vector<16xf32>,
      %gather3A_1038 = tpu.vector_load_idx %arg13[%broadcast_in_dim3A_1020, %add3A_45, %broadcast_in_dim3A_1030] : memref<4x64x128xf32, #tpu.memory_space<vmem>>[vector<16xi32>, vector<16xi32>, vector<16xi32>], vector<16xf32>,
      %mul3A_1039 = arith.mulf %gather3A_1037, %gather3A_1038 : vector<16xf32>
      %add3A_1040 = arith.addf %add3A_1036, %mul3A_1039 : vector<16xf32>
      %gather3A_1041 = tpu.vector_load_idx %arg12[%broadcast_in_dim3A_1020, %add3A_48, %broadcast_in_dim3A_1025] : memref<4x64x128xf32, #tpu.memory_space<vmem>>[vector<16xi32>, vector<16xi32>, vector<16xi32>], vector<16xf32>,
      %gather3A_1042 = tpu.vector_load_idx %arg13[%broadcast_in_dim3A_1020, %add3A_48, %broadcast_in_dim3A_1030] : memref<4x64x128xf32, #tpu.memory_space<vmem>>[vector<16xi32>, vector<16xi32>, vector<16xi32>], vector<16xf32>,
      %mul3A_1043 = arith.mulf %gather3A_1041, %gather3A_1042 : vector<16xf32>
      %add3A_1044 = arith.addf %add3A_1040, %mul3A_1043 : vector<16xf32>
      %gather3A_1045 = tpu.vector_load_idx %arg12[%broadcast_in_dim3A_1020, %add3A_51, %broadcast_in_dim3A_1025] : memref<4x64x128xf32, #tpu.memory_space<vmem>>[vector<16xi32>, vector<16xi32>, vector<16xi32>], vector<16xf32>,
      %gather3A_1046 = tpu.vector_load_idx %arg13[%broadcast_in_dim3A_1020, %add3A_51, %broadcast_in_dim3A_1030] : memref<4x64x128xf32, #tpu.memory_space<vmem>>[vector<16xi32>, vector<16xi32>, vector<16xi32>], vector<16xf32>,
      %mul3A_1047 = arith.mulf %gather3A_1045, %gather3A_1046 : vector<16xf32>
      %add3A_1048 = arith.addf %add3A_1044, %mul3A_1047 : vector<16xf32>
      %eq3A_1049 = arith.constant 7 : i32
      %eq3A_1050 = vector.broadcast %eq3A_1049 : i32 to vector<16xi32>
      %eq3A_1051 = arith.cmpi eq, %iota3A_39, %eq3A_1050 : vector<16xi32>
      %reduce_sum3A_1052 = arith.constant true
      %reduce_sum3A_1053 = vector.broadcast %reduce_sum3A_1052 : i1 to vector<16xi1>
      %reduce_sum3A_1054 = tpu.scan <sum>, %add3A_1048 masked %reduce_sum3A_1053 : vector<16xf32>, vector<16xi1> -> vector<16xf32>
      %reduce_sum3A_1055 = vector.extract %reduce_sum3A_1054[15] : f32 from vector<16xf32>
      %broadcast_in_dim3A_1056 = vector.broadcast %reduce_sum3A_1055 : f32 to vector<16xf32>
      %select_n3A_1057 = arith.select %eq3A_1051, %broadcast_in_dim3A_1056, %select_n3A_948 : vector<16xi1>, vector<16xf32>
      %mul3A_1058 = arith.constant 16 : i32
      %mul3A_1059 = arith.muli %scan3A_57, %mul3A_1058 : i32
      %add3A_1060 = arith.constant 8 : i32
      %add3A_1061 = arith.addi %mul3A_1059, %add3A_1060 : i32
      %slice3A_1062 = vector.extract_strided_slice %get3A_66 {offsets = [11], sizes = [1], strides = [1]} : vector<16xi32> to vector<1xi32>
      %squeeze3A_1063 = vector.extract %slice3A_1062[0] : i32 from vector<1xi32>
      %shift_right_arithmetic3A_1064 = arith.constant 7 : i32
      %shift_right_arithmetic3A_1065 = arith.shrsi %squeeze3A_1063, %shift_right_arithmetic3A_1064 : i32
      %mul3A_1066 = arith.constant 128 : i32
      %mul3A_1067 = arith.muli %shift_right_arithmetic3A_1065, %mul3A_1066 : i32
      %multiple_of3A_1068 = tpu.assume_multiple %mul3A_1067, 128 : i32
      %slice3A_1069 = vector.extract_strided_slice %get3A_68 {offsets = [11], sizes = [1], strides = [1]} : vector<16xi32> to vector<1xi32>
      %squeeze3A_1070 = vector.extract %slice3A_1069[0] : i32 from vector<1xi32>
      %shift_right_arithmetic3A_1071 = arith.constant 7 : i32
      %shift_right_arithmetic3A_1072 = arith.shrsi %squeeze3A_1070, %shift_right_arithmetic3A_1071 : i32
      %mul3A_1073 = arith.constant 128 : i32
      %mul3A_1074 = arith.muli %shift_right_arithmetic3A_1072, %mul3A_1073 : i32
      %multiple_of3A_1075 = tpu.assume_multiple %mul3A_1074, 128 : i32
      %dma_start3A_1076 = arith.constant 3 : i32
      %dma_start3A_1077 = arith.constant 0 : i32
      %dma_start3A_1078 = arith.constant 0 : i32
      %dma_start3A_1079 = tpu.memref_slice %arg12[%dma_start3A_1076, %dma_start3A_1077, %dma_start3A_1078] : memref<4x64x128xf32, #tpu.memory_space<vmem>> -> memref<1x64x128xf32, #tpu.memory_space<vmem>>
      %dma_start3A_1080 = tpu.memref_squeeze %dma_start3A_1079 : memref<1x64x128xf32, #tpu.memory_space<vmem>> -> memref<64x128xf32, #tpu.memory_space<vmem>>
      %dma_start3A_1081 = arith.constant 0 : i32
      %dma_start3A_1082 = tpu.memref_slice %arg4[%dma_start3A_1081, %multiple_of3A_1068] : memref<64x1000000xf32, #tpu.memory_space<hbm>> -> memref<64x128xf32, #tpu.memory_space<hbm>>
      %dma_start3A_1083 = arith.constant 0 : i32
      %dma_start3A_1084 = arith.constant 0 : i32
      %dma_start3A_1085 = tpu.memref_slice %arg12[%dma_start3A_1076, %dma_start3A_1083, %dma_start3A_1084] : memref<4x64x128xf32, #tpu.memory_space<vmem>> -> memref<1x64x128xf32, #tpu.memory_space<vmem>>
      %dma_start3A_1086 = tpu.memref_squeeze %dma_start3A_1085 : memref<1x64x128xf32, #tpu.memory_space<vmem>> -> memref<64x128xf32, #tpu.memory_space<vmem>>
      %dma_start3A_1087 = arith.constant 0 : i32
      %dma_start3A_1088 = tpu.memref_slice %arg4[%dma_start3A_1087, %multiple_of3A_1068] : memref<64x1000000xf32, #tpu.memory_space<hbm>> -> memref<64x128xf32, #tpu.memory_space<hbm>>
      tpu.enqueue_dma source(%dma_start3A_1088 : memref<64x128xf32, #tpu.memory_space<hbm>>) target(%dma_start3A_1086 : memref<64x128xf32, #tpu.memory_space<vmem>>) target_semaphore(%arg22 : memref<!tpu.dma_semaphore, #tpu.memory_space<semaphore_mem>>)
      %dma_start3A_1089 = arith.constant 3 : i32
      %dma_start3A_1090 = arith.constant 0 : i32
      %dma_start3A_1091 = arith.constant 0 : i32
      %dma_start3A_1092 = tpu.memref_slice %arg13[%dma_start3A_1089, %dma_start3A_1090, %dma_start3A_1091] : memref<4x64x128xf32, #tpu.memory_space<vmem>> -> memref<1x64x128xf32, #tpu.memory_space<vmem>>
      %dma_start3A_1093 = tpu.memref_squeeze %dma_start3A_1092 : memref<1x64x128xf32, #tpu.memory_space<vmem>> -> memref<64x128xf32, #tpu.memory_space<vmem>>
      %dma_start3A_1094 = arith.constant 0 : i32
      %dma_start3A_1095 = tpu.memref_slice %arg5[%dma_start3A_1094, %multiple_of3A_1075] : memref<64x1000000xf32, #tpu.memory_space<hbm>> -> memref<64x128xf32, #tpu.memory_space<hbm>>
      %dma_start3A_1096 = arith.constant 0 : i32
      %dma_start3A_1097 = arith.constant 0 : i32
      %dma_start3A_1098 = tpu.memref_slice %arg13[%dma_start3A_1089, %dma_start3A_1096, %dma_start3A_1097] : memref<4x64x128xf32, #tpu.memory_space<vmem>> -> memref<1x64x128xf32, #tpu.memory_space<vmem>>
      %dma_start3A_1099 = tpu.memref_squeeze %dma_start3A_1098 : memref<1x64x128xf32, #tpu.memory_space<vmem>> -> memref<64x128xf32, #tpu.memory_space<vmem>>
      %dma_start3A_1100 = arith.constant 0 : i32
      %dma_start3A_1101 = tpu.memref_slice %arg5[%dma_start3A_1100, %multiple_of3A_1075] : memref<64x1000000xf32, #tpu.memory_space<hbm>> -> memref<64x128xf32, #tpu.memory_space<hbm>>
      tpu.enqueue_dma source(%dma_start3A_1101 : memref<64x128xf32, #tpu.memory_space<hbm>>) target(%dma_start3A_1099 : memref<64x128xf32, #tpu.memory_space<vmem>>) target_semaphore(%arg26 : memref<!tpu.dma_semaphore, #tpu.memory_space<semaphore_mem>>)
      %dma_wait3A_1102 = arith.constant 0 : i32
      %dma_wait3A_1103 = arith.constant 0 : i32
      %dma_wait3A_1104 = arith.constant 0 : i32
      %dma_wait3A_1105 = tpu.memref_slice %arg12[%dma_wait3A_1102, %dma_wait3A_1103, %dma_wait3A_1104] : memref<4x64x128xf32, #tpu.memory_space<vmem>> -> memref<1x64x128xf32, #tpu.memory_space<vmem>>
      %dma_wait3A_1106 = tpu.memref_squeeze %dma_wait3A_1105 : memref<1x64x128xf32, #tpu.memory_space<vmem>> -> memref<64x128xf32, #tpu.memory_space<vmem>>
      %dma_wait3A_1107 = arith.constant 0 : i32
      %dma_wait3A_1108 = tpu.memref_slice %arg4[%dma_wait3A_1107, %multiple_of3A_741] : memref<64x1000000xf32, #tpu.memory_space<hbm>> -> memref<64x128xf32, #tpu.memory_space<hbm>>
      %dma_wait3A_1109 = arith.constant 0 : i32
      %dma_wait3A_1110 = arith.constant 0 : i32
      %dma_wait3A_1111 = tpu.memref_slice %arg12[%dma_wait3A_1102, %dma_wait3A_1109, %dma_wait3A_1110] : memref<4x64x128xf32, #tpu.memory_space<vmem>> -> memref<1x64x128xf32, #tpu.memory_space<vmem>>
      %dma_wait3A_1112 = tpu.memref_squeeze %dma_wait3A_1111 : memref<1x64x128xf32, #tpu.memory_space<vmem>> -> memref<64x128xf32, #tpu.memory_space<vmem>>
      %dma_wait3A_1113 = arith.constant 0 : i32
      %dma_wait3A_1114 = tpu.memref_slice %arg4[%dma_wait3A_1113, %multiple_of3A_741] : memref<64x1000000xf32, #tpu.memory_space<hbm>> -> memref<64x128xf32, #tpu.memory_space<hbm>>
      tpu.wait_dma2 semaphore(%arg19 : memref<!tpu.dma_semaphore, #tpu.memory_space<semaphore_mem>>) src(%dma_wait3A_1114 : memref<64x128xf32, #tpu.memory_space<hbm>>) dst(%dma_wait3A_1112 : memref<64x128xf32, #tpu.memory_space<vmem>>)
      %dma_wait3A_1115 = arith.constant 0 : i32
      %dma_wait3A_1116 = arith.constant 0 : i32
      %dma_wait3A_1117 = arith.constant 0 : i32
      %dma_wait3A_1118 = tpu.memref_slice %arg13[%dma_wait3A_1115, %dma_wait3A_1116, %dma_wait3A_1117] : memref<4x64x128xf32, #tpu.memory_space<vmem>> -> memref<1x64x128xf32, #tpu.memory_space<vmem>>
      %dma_wait3A_1119 = tpu.memref_squeeze %dma_wait3A_1118 : memref<1x64x128xf32, #tpu.memory_space<vmem>> -> memref<64x128xf32, #tpu.memory_space<vmem>>
      %dma_wait3A_1120 = arith.constant 0 : i32
      %dma_wait3A_1121 = tpu.memref_slice %arg5[%dma_wait3A_1120, %multiple_of3A_748] : memref<64x1000000xf32, #tpu.memory_space<hbm>> -> memref<64x128xf32, #tpu.memory_space<hbm>>
      %dma_wait3A_1122 = arith.constant 0 : i32
      %dma_wait3A_1123 = arith.constant 0 : i32
      %dma_wait3A_1124 = tpu.memref_slice %arg13[%dma_wait3A_1115, %dma_wait3A_1122, %dma_wait3A_1123] : memref<4x64x128xf32, #tpu.memory_space<vmem>> -> memref<1x64x128xf32, #tpu.memory_space<vmem>>
      %dma_wait3A_1125 = tpu.memref_squeeze %dma_wait3A_1124 : memref<1x64x128xf32, #tpu.memory_space<vmem>> -> memref<64x128xf32, #tpu.memory_space<vmem>>
      %dma_wait3A_1126 = arith.constant 0 : i32
      %dma_wait3A_1127 = tpu.memref_slice %arg5[%dma_wait3A_1126, %multiple_of3A_748] : memref<64x1000000xf32, #tpu.memory_space<hbm>> -> memref<64x128xf32, #tpu.memory_space<hbm>>
      tpu.wait_dma2 semaphore(%arg23 : memref<!tpu.dma_semaphore, #tpu.memory_space<semaphore_mem>>) src(%dma_wait3A_1127 : memref<64x128xf32, #tpu.memory_space<hbm>>) dst(%dma_wait3A_1125 : memref<64x128xf32, #tpu.memory_space<vmem>>)
      %broadcast_in_dim3A_1128 = arith.constant 0 : i32
      %broadcast_in_dim3A_1129 = vector.broadcast %broadcast_in_dim3A_1128 : i32 to vector<16xi32>
      %slice3A_1130 = vector.extract_strided_slice %get3A_66 {offsets = [8], sizes = [1], strides = [1]} : vector<16xi32> to vector<1xi32>
      %squeeze3A_1131 = vector.extract %slice3A_1130[0] : i32 from vector<1xi32>
      %and3A_1132 = arith.constant 127 : i32
      %and3A_1133 = arith.andi %squeeze3A_1131, %and3A_1132 : i32
      %broadcast_in_dim3A_1134 = vector.broadcast %and3A_1133 : i32 to vector<16xi32>
      %slice3A_1135 = vector.extract_strided_slice %get3A_68 {offsets = [8], sizes = [1], strides = [1]} : vector<16xi32> to vector<1xi32>
      %squeeze3A_1136 = vector.extract %slice3A_1135[0] : i32 from vector<1xi32>
      %and3A_1137 = arith.constant 127 : i32
      %and3A_1138 = arith.andi %squeeze3A_1136, %and3A_1137 : i32
      %broadcast_in_dim3A_1139 = vector.broadcast %and3A_1138 : i32 to vector<16xi32>
      %broadcast_in_dim3A_1140 = arith.constant 0.000000e+00 : f32
      %broadcast_in_dim3A_1141 = vector.broadcast %broadcast_in_dim3A_1140 : f32 to vector<16xf32>
      %gather3A_1142 = tpu.vector_load_idx %arg12[%broadcast_in_dim3A_1129, %add3A_42, %broadcast_in_dim3A_1134] : memref<4x64x128xf32, #tpu.memory_space<vmem>>[vector<16xi32>, vector<16xi32>, vector<16xi32>], vector<16xf32>,
      %gather3A_1143 = tpu.vector_load_idx %arg13[%broadcast_in_dim3A_1129, %add3A_42, %broadcast_in_dim3A_1139] : memref<4x64x128xf32, #tpu.memory_space<vmem>>[vector<16xi32>, vector<16xi32>, vector<16xi32>], vector<16xf32>,
      %mul3A_1144 = arith.mulf %gather3A_1142, %gather3A_1143 : vector<16xf32>
      %add3A_1145 = arith.addf %broadcast_in_dim3A_1141, %mul3A_1144 : vector<16xf32>
      %gather3A_1146 = tpu.vector_load_idx %arg12[%broadcast_in_dim3A_1129, %add3A_45, %broadcast_in_dim3A_1134] : memref<4x64x128xf32, #tpu.memory_space<vmem>>[vector<16xi32>, vector<16xi32>, vector<16xi32>], vector<16xf32>,
      %gather3A_1147 = tpu.vector_load_idx %arg13[%broadcast_in_dim3A_1129, %add3A_45, %broadcast_in_dim3A_1139] : memref<4x64x128xf32, #tpu.memory_space<vmem>>[vector<16xi32>, vector<16xi32>, vector<16xi32>], vector<16xf32>,
      %mul3A_1148 = arith.mulf %gather3A_1146, %gather3A_1147 : vector<16xf32>
      %add3A_1149 = arith.addf %add3A_1145, %mul3A_1148 : vector<16xf32>
      %gather3A_1150 = tpu.vector_load_idx %arg12[%broadcast_in_dim3A_1129, %add3A_48, %broadcast_in_dim3A_1134] : memref<4x64x128xf32, #tpu.memory_space<vmem>>[vector<16xi32>, vector<16xi32>, vector<16xi32>], vector<16xf32>,
      %gather3A_1151 = tpu.vector_load_idx %arg13[%broadcast_in_dim3A_1129, %add3A_48, %broadcast_in_dim3A_1139] : memref<4x64x128xf32, #tpu.memory_space<vmem>>[vector<16xi32>, vector<16xi32>, vector<16xi32>], vector<16xf32>,
      %mul3A_1152 = arith.mulf %gather3A_1150, %gather3A_1151 : vector<16xf32>
      %add3A_1153 = arith.addf %add3A_1149, %mul3A_1152 : vector<16xf32>
      %gather3A_1154 = tpu.vector_load_idx %arg12[%broadcast_in_dim3A_1129, %add3A_51, %broadcast_in_dim3A_1134] : memref<4x64x128xf32, #tpu.memory_space<vmem>>[vector<16xi32>, vector<16xi32>, vector<16xi32>], vector<16xf32>,
      %gather3A_1155 = tpu.vector_load_idx %arg13[%broadcast_in_dim3A_1129, %add3A_51, %broadcast_in_dim3A_1139] : memref<4x64x128xf32, #tpu.memory_space<vmem>>[vector<16xi32>, vector<16xi32>, vector<16xi32>], vector<16xf32>,
      %mul3A_1156 = arith.mulf %gather3A_1154, %gather3A_1155 : vector<16xf32>
      %add3A_1157 = arith.addf %add3A_1153, %mul3A_1156 : vector<16xf32>
      %eq3A_1158 = arith.constant 8 : i32
      %eq3A_1159 = vector.broadcast %eq3A_1158 : i32 to vector<16xi32>
      %eq3A_1160 = arith.cmpi eq, %iota3A_39, %eq3A_1159 : vector<16xi32>
      %reduce_sum3A_1161 = arith.constant true
      %reduce_sum3A_1162 = vector.broadcast %reduce_sum3A_1161 : i1 to vector<16xi1>
      %reduce_sum3A_1163 = tpu.scan <sum>, %add3A_1157 masked %reduce_sum3A_1162 : vector<16xf32>, vector<16xi1> -> vector<16xf32>
      %reduce_sum3A_1164 = vector.extract %reduce_sum3A_1163[15] : f32 from vector<16xf32>
      %broadcast_in_dim3A_1165 = vector.broadcast %reduce_sum3A_1164 : f32 to vector<16xf32>
      %select_n3A_1166 = arith.select %eq3A_1160, %broadcast_in_dim3A_1165, %select_n3A_1057 : vector<16xi1>, vector<16xf32>
      %mul3A_1167 = arith.constant 16 : i32
      %mul3A_1168 = arith.muli %scan3A_57, %mul3A_1167 : i32
      %add3A_1169 = arith.constant 9 : i32
      %add3A_1170 = arith.addi %mul3A_1168, %add3A_1169 : i32
      %slice3A_1171 = vector.extract_strided_slice %get3A_66 {offsets = [12], sizes = [1], strides = [1]} : vector<16xi32> to vector<1xi32>
      %squeeze3A_1172 = vector.extract %slice3A_1171[0] : i32 from vector<1xi32>
      %shift_right_arithmetic3A_1173 = arith.constant 7 : i32
      %shift_right_arithmetic3A_1174 = arith.shrsi %squeeze3A_1172, %shift_right_arithmetic3A_1173 : i32
      %mul3A_1175 = arith.constant 128 : i32
      %mul3A_1176 = arith.muli %shift_right_arithmetic3A_1174, %mul3A_1175 : i32
      %multiple_of3A_1177 = tpu.assume_multiple %mul3A_1176, 128 : i32
      %slice3A_1178 = vector.extract_strided_slice %get3A_68 {offsets = [12], sizes = [1], strides = [1]} : vector<16xi32> to vector<1xi32>
      %squeeze3A_1179 = vector.extract %slice3A_1178[0] : i32 from vector<1xi32>
      %shift_right_arithmetic3A_1180 = arith.constant 7 : i32
      %shift_right_arithmetic3A_1181 = arith.shrsi %squeeze3A_1179, %shift_right_arithmetic3A_1180 : i32
      %mul3A_1182 = arith.constant 128 : i32
      %mul3A_1183 = arith.muli %shift_right_arithmetic3A_1181, %mul3A_1182 : i32
      %multiple_of3A_1184 = tpu.assume_multiple %mul3A_1183, 128 : i32
      %dma_start3A_1185 = arith.constant 0 : i32
      %dma_start3A_1186 = arith.constant 0 : i32
      %dma_start3A_1187 = arith.constant 0 : i32
      %dma_start3A_1188 = tpu.memref_slice %arg12[%dma_start3A_1185, %dma_start3A_1186, %dma_start3A_1187] : memref<4x64x128xf32, #tpu.memory_space<vmem>> -> memref<1x64x128xf32, #tpu.memory_space<vmem>>
      %dma_start3A_1189 = tpu.memref_squeeze %dma_start3A_1188 : memref<1x64x128xf32, #tpu.memory_space<vmem>> -> memref<64x128xf32, #tpu.memory_space<vmem>>
      %dma_start3A_1190 = arith.constant 0 : i32
      %dma_start3A_1191 = tpu.memref_slice %arg4[%dma_start3A_1190, %multiple_of3A_1177] : memref<64x1000000xf32, #tpu.memory_space<hbm>> -> memref<64x128xf32, #tpu.memory_space<hbm>>
      %dma_start3A_1192 = arith.constant 0 : i32
      %dma_start3A_1193 = arith.constant 0 : i32
      %dma_start3A_1194 = tpu.memref_slice %arg12[%dma_start3A_1185, %dma_start3A_1192, %dma_start3A_1193] : memref<4x64x128xf32, #tpu.memory_space<vmem>> -> memref<1x64x128xf32, #tpu.memory_space<vmem>>
      %dma_start3A_1195 = tpu.memref_squeeze %dma_start3A_1194 : memref<1x64x128xf32, #tpu.memory_space<vmem>> -> memref<64x128xf32, #tpu.memory_space<vmem>>
      %dma_start3A_1196 = arith.constant 0 : i32
      %dma_start3A_1197 = tpu.memref_slice %arg4[%dma_start3A_1196, %multiple_of3A_1177] : memref<64x1000000xf32, #tpu.memory_space<hbm>> -> memref<64x128xf32, #tpu.memory_space<hbm>>
      tpu.enqueue_dma source(%dma_start3A_1197 : memref<64x128xf32, #tpu.memory_space<hbm>>) target(%dma_start3A_1195 : memref<64x128xf32, #tpu.memory_space<vmem>>) target_semaphore(%arg19 : memref<!tpu.dma_semaphore, #tpu.memory_space<semaphore_mem>>)
      %dma_start3A_1198 = arith.constant 0 : i32
      %dma_start3A_1199 = arith.constant 0 : i32
      %dma_start3A_1200 = arith.constant 0 : i32
      %dma_start3A_1201 = tpu.memref_slice %arg13[%dma_start3A_1198, %dma_start3A_1199, %dma_start3A_1200] : memref<4x64x128xf32, #tpu.memory_space<vmem>> -> memref<1x64x128xf32, #tpu.memory_space<vmem>>
      %dma_start3A_1202 = tpu.memref_squeeze %dma_start3A_1201 : memref<1x64x128xf32, #tpu.memory_space<vmem>> -> memref<64x128xf32, #tpu.memory_space<vmem>>
      %dma_start3A_1203 = arith.constant 0 : i32
      %dma_start3A_1204 = tpu.memref_slice %arg5[%dma_start3A_1203, %multiple_of3A_1184] : memref<64x1000000xf32, #tpu.memory_space<hbm>> -> memref<64x128xf32, #tpu.memory_space<hbm>>
      %dma_start3A_1205 = arith.constant 0 : i32
      %dma_start3A_1206 = arith.constant 0 : i32
      %dma_start3A_1207 = tpu.memref_slice %arg13[%dma_start3A_1198, %dma_start3A_1205, %dma_start3A_1206] : memref<4x64x128xf32, #tpu.memory_space<vmem>> -> memref<1x64x128xf32, #tpu.memory_space<vmem>>
      %dma_start3A_1208 = tpu.memref_squeeze %dma_start3A_1207 : memref<1x64x128xf32, #tpu.memory_space<vmem>> -> memref<64x128xf32, #tpu.memory_space<vmem>>
      %dma_start3A_1209 = arith.constant 0 : i32
      %dma_start3A_1210 = tpu.memref_slice %arg5[%dma_start3A_1209, %multiple_of3A_1184] : memref<64x1000000xf32, #tpu.memory_space<hbm>> -> memref<64x128xf32, #tpu.memory_space<hbm>>
      tpu.enqueue_dma source(%dma_start3A_1210 : memref<64x128xf32, #tpu.memory_space<hbm>>) target(%dma_start3A_1208 : memref<64x128xf32, #tpu.memory_space<vmem>>) target_semaphore(%arg23 : memref<!tpu.dma_semaphore, #tpu.memory_space<semaphore_mem>>)
      %dma_wait3A_1211 = arith.constant 1 : i32
      %dma_wait3A_1212 = arith.constant 0 : i32
      %dma_wait3A_1213 = arith.constant 0 : i32
      %dma_wait3A_1214 = tpu.memref_slice %arg12[%dma_wait3A_1211, %dma_wait3A_1212, %dma_wait3A_1213] : memref<4x64x128xf32, #tpu.memory_space<vmem>> -> memref<1x64x128xf32, #tpu.memory_space<vmem>>
      %dma_wait3A_1215 = tpu.memref_squeeze %dma_wait3A_1214 : memref<1x64x128xf32, #tpu.memory_space<vmem>> -> memref<64x128xf32, #tpu.memory_space<vmem>>
      %dma_wait3A_1216 = arith.constant 0 : i32
      %dma_wait3A_1217 = tpu.memref_slice %arg4[%dma_wait3A_1216, %multiple_of3A_850] : memref<64x1000000xf32, #tpu.memory_space<hbm>> -> memref<64x128xf32, #tpu.memory_space<hbm>>
      %dma_wait3A_1218 = arith.constant 0 : i32
      %dma_wait3A_1219 = arith.constant 0 : i32
      %dma_wait3A_1220 = tpu.memref_slice %arg12[%dma_wait3A_1211, %dma_wait3A_1218, %dma_wait3A_1219] : memref<4x64x128xf32, #tpu.memory_space<vmem>> -> memref<1x64x128xf32, #tpu.memory_space<vmem>>
      %dma_wait3A_1221 = tpu.memref_squeeze %dma_wait3A_1220 : memref<1x64x128xf32, #tpu.memory_space<vmem>> -> memref<64x128xf32, #tpu.memory_space<vmem>>
      %dma_wait3A_1222 = arith.constant 0 : i32
      %dma_wait3A_1223 = tpu.memref_slice %arg4[%dma_wait3A_1222, %multiple_of3A_850] : memref<64x1000000xf32, #tpu.memory_space<hbm>> -> memref<64x128xf32, #tpu.memory_space<hbm>>
      tpu.wait_dma2 semaphore(%arg20 : memref<!tpu.dma_semaphore, #tpu.memory_space<semaphore_mem>>) src(%dma_wait3A_1223 : memref<64x128xf32, #tpu.memory_space<hbm>>) dst(%dma_wait3A_1221 : memref<64x128xf32, #tpu.memory_space<vmem>>)
      %dma_wait3A_1224 = arith.constant 1 : i32
      %dma_wait3A_1225 = arith.constant 0 : i32
      %dma_wait3A_1226 = arith.constant 0 : i32
      %dma_wait3A_1227 = tpu.memref_slice %arg13[%dma_wait3A_1224, %dma_wait3A_1225, %dma_wait3A_1226] : memref<4x64x128xf32, #tpu.memory_space<vmem>> -> memref<1x64x128xf32, #tpu.memory_space<vmem>>
      %dma_wait3A_1228 = tpu.memref_squeeze %dma_wait3A_1227 : memref<1x64x128xf32, #tpu.memory_space<vmem>> -> memref<64x128xf32, #tpu.memory_space<vmem>>
      %dma_wait3A_1229 = arith.constant 0 : i32
      %dma_wait3A_1230 = tpu.memref_slice %arg5[%dma_wait3A_1229, %multiple_of3A_857] : memref<64x1000000xf32, #tpu.memory_space<hbm>> -> memref<64x128xf32, #tpu.memory_space<hbm>>
      %dma_wait3A_1231 = arith.constant 0 : i32
      %dma_wait3A_1232 = arith.constant 0 : i32
      %dma_wait3A_1233 = tpu.memref_slice %arg13[%dma_wait3A_1224, %dma_wait3A_1231, %dma_wait3A_1232] : memref<4x64x128xf32, #tpu.memory_space<vmem>> -> memref<1x64x128xf32, #tpu.memory_space<vmem>>
      %dma_wait3A_1234 = tpu.memref_squeeze %dma_wait3A_1233 : memref<1x64x128xf32, #tpu.memory_space<vmem>> -> memref<64x128xf32, #tpu.memory_space<vmem>>
      %dma_wait3A_1235 = arith.constant 0 : i32
      %dma_wait3A_1236 = tpu.memref_slice %arg5[%dma_wait3A_1235, %multiple_of3A_857] : memref<64x1000000xf32, #tpu.memory_space<hbm>> -> memref<64x128xf32, #tpu.memory_space<hbm>>
      tpu.wait_dma2 semaphore(%arg24 : memref<!tpu.dma_semaphore, #tpu.memory_space<semaphore_mem>>) src(%dma_wait3A_1236 : memref<64x128xf32, #tpu.memory_space<hbm>>) dst(%dma_wait3A_1234 : memref<64x128xf32, #tpu.memory_space<vmem>>)
      %broadcast_in_dim3A_1237 = arith.constant 1 : i32
      %broadcast_in_dim3A_1238 = vector.broadcast %broadcast_in_dim3A_1237 : i32 to vector<16xi32>
      %slice3A_1239 = vector.extract_strided_slice %get3A_66 {offsets = [9], sizes = [1], strides = [1]} : vector<16xi32> to vector<1xi32>
      %squeeze3A_1240 = vector.extract %slice3A_1239[0] : i32 from vector<1xi32>
      %and3A_1241 = arith.constant 127 : i32
      %and3A_1242 = arith.andi %squeeze3A_1240, %and3A_1241 : i32
      %broadcast_in_dim3A_1243 = vector.broadcast %and3A_1242 : i32 to vector<16xi32>
      %slice3A_1244 = vector.extract_strided_slice %get3A_68 {offsets = [9], sizes = [1], strides = [1]} : vector<16xi32> to vector<1xi32>
      %squeeze3A_1245 = vector.extract %slice3A_1244[0] : i32 from vector<1xi32>
      %and3A_1246 = arith.constant 127 : i32
      %and3A_1247 = arith.andi %squeeze3A_1245, %and3A_1246 : i32
      %broadcast_in_dim3A_1248 = vector.broadcast %and3A_1247 : i32 to vector<16xi32>
      %broadcast_in_dim3A_1249 = arith.constant 0.000000e+00 : f32
      %broadcast_in_dim3A_1250 = vector.broadcast %broadcast_in_dim3A_1249 : f32 to vector<16xf32>
      %gather3A_1251 = tpu.vector_load_idx %arg12[%broadcast_in_dim3A_1238, %add3A_42, %broadcast_in_dim3A_1243] : memref<4x64x128xf32, #tpu.memory_space<vmem>>[vector<16xi32>, vector<16xi32>, vector<16xi32>], vector<16xf32>,
      %gather3A_1252 = tpu.vector_load_idx %arg13[%broadcast_in_dim3A_1238, %add3A_42, %broadcast_in_dim3A_1248] : memref<4x64x128xf32, #tpu.memory_space<vmem>>[vector<16xi32>, vector<16xi32>, vector<16xi32>], vector<16xf32>,
      %mul3A_1253 = arith.mulf %gather3A_1251, %gather3A_1252 : vector<16xf32>
      %add3A_1254 = arith.addf %broadcast_in_dim3A_1250, %mul3A_1253 : vector<16xf32>
      %gather3A_1255 = tpu.vector_load_idx %arg12[%broadcast_in_dim3A_1238, %add3A_45, %broadcast_in_dim3A_1243] : memref<4x64x128xf32, #tpu.memory_space<vmem>>[vector<16xi32>, vector<16xi32>, vector<16xi32>], vector<16xf32>,
      %gather3A_1256 = tpu.vector_load_idx %arg13[%broadcast_in_dim3A_1238, %add3A_45, %broadcast_in_dim3A_1248] : memref<4x64x128xf32, #tpu.memory_space<vmem>>[vector<16xi32>, vector<16xi32>, vector<16xi32>], vector<16xf32>,
      %mul3A_1257 = arith.mulf %gather3A_1255, %gather3A_1256 : vector<16xf32>
      %add3A_1258 = arith.addf %add3A_1254, %mul3A_1257 : vector<16xf32>
      %gather3A_1259 = tpu.vector_load_idx %arg12[%broadcast_in_dim3A_1238, %add3A_48, %broadcast_in_dim3A_1243] : memref<4x64x128xf32, #tpu.memory_space<vmem>>[vector<16xi32>, vector<16xi32>, vector<16xi32>], vector<16xf32>,
      %gather3A_1260 = tpu.vector_load_idx %arg13[%broadcast_in_dim3A_1238, %add3A_48, %broadcast_in_dim3A_1248] : memref<4x64x128xf32, #tpu.memory_space<vmem>>[vector<16xi32>, vector<16xi32>, vector<16xi32>], vector<16xf32>,
      %mul3A_1261 = arith.mulf %gather3A_1259, %gather3A_1260 : vector<16xf32>
      %add3A_1262 = arith.addf %add3A_1258, %mul3A_1261 : vector<16xf32>
      %gather3A_1263 = tpu.vector_load_idx %arg12[%broadcast_in_dim3A_1238, %add3A_51, %broadcast_in_dim3A_1243] : memref<4x64x128xf32, #tpu.memory_space<vmem>>[vector<16xi32>, vector<16xi32>, vector<16xi32>], vector<16xf32>,
      %gather3A_1264 = tpu.vector_load_idx %arg13[%broadcast_in_dim3A_1238, %add3A_51, %broadcast_in_dim3A_1248] : memref<4x64x128xf32, #tpu.memory_space<vmem>>[vector<16xi32>, vector<16xi32>, vector<16xi32>], vector<16xf32>,
      %mul3A_1265 = arith.mulf %gather3A_1263, %gather3A_1264 : vector<16xf32>
      %add3A_1266 = arith.addf %add3A_1262, %mul3A_1265 : vector<16xf32>
      %eq3A_1267 = arith.constant 9 : i32
      %eq3A_1268 = vector.broadcast %eq3A_1267 : i32 to vector<16xi32>
      %eq3A_1269 = arith.cmpi eq, %iota3A_39, %eq3A_1268 : vector<16xi32>
      %reduce_sum3A_1270 = arith.constant true
      %reduce_sum3A_1271 = vector.broadcast %reduce_sum3A_1270 : i1 to vector<16xi1>
      %reduce_sum3A_1272 = tpu.scan <sum>, %add3A_1266 masked %reduce_sum3A_1271 : vector<16xf32>, vector<16xi1> -> vector<16xf32>
      %reduce_sum3A_1273 = vector.extract %reduce_sum3A_1272[15] : f32 from vector<16xf32>
      %broadcast_in_dim3A_1274 = vector.broadcast %reduce_sum3A_1273 : f32 to vector<16xf32>
      %select_n3A_1275 = arith.select %eq3A_1269, %broadcast_in_dim3A_1274, %select_n3A_1166 : vector<16xi1>, vector<16xf32>
      %mul3A_1276 = arith.constant 16 : i32
      %mul3A_1277 = arith.muli %scan3A_57, %mul3A_1276 : i32
      %add3A_1278 = arith.constant 10 : i32
      %add3A_1279 = arith.addi %mul3A_1277, %add3A_1278 : i32
      %slice3A_1280 = vector.extract_strided_slice %get3A_66 {offsets = [13], sizes = [1], strides = [1]} : vector<16xi32> to vector<1xi32>
      %squeeze3A_1281 = vector.extract %slice3A_1280[0] : i32 from vector<1xi32>
      %shift_right_arithmetic3A_1282 = arith.constant 7 : i32
      %shift_right_arithmetic3A_1283 = arith.shrsi %squeeze3A_1281, %shift_right_arithmetic3A_1282 : i32
      %mul3A_1284 = arith.constant 128 : i32
      %mul3A_1285 = arith.muli %shift_right_arithmetic3A_1283, %mul3A_1284 : i32
      %multiple_of3A_1286 = tpu.assume_multiple %mul3A_1285, 128 : i32
      %slice3A_1287 = vector.extract_strided_slice %get3A_68 {offsets = [13], sizes = [1], strides = [1]} : vector<16xi32> to vector<1xi32>
      %squeeze3A_1288 = vector.extract %slice3A_1287[0] : i32 from vector<1xi32>
      %shift_right_arithmetic3A_1289 = arith.constant 7 : i32
      %shift_right_arithmetic3A_1290 = arith.shrsi %squeeze3A_1288, %shift_right_arithmetic3A_1289 : i32
      %mul3A_1291 = arith.constant 128 : i32
      %mul3A_1292 = arith.muli %shift_right_arithmetic3A_1290, %mul3A_1291 : i32
      %multiple_of3A_1293 = tpu.assume_multiple %mul3A_1292, 128 : i32
      %dma_start3A_1294 = arith.constant 1 : i32
      %dma_start3A_1295 = arith.constant 0 : i32
      %dma_start3A_1296 = arith.constant 0 : i32
      %dma_start3A_1297 = tpu.memref_slice %arg12[%dma_start3A_1294, %dma_start3A_1295, %dma_start3A_1296] : memref<4x64x128xf32, #tpu.memory_space<vmem>> -> memref<1x64x128xf32, #tpu.memory_space<vmem>>
      %dma_start3A_1298 = tpu.memref_squeeze %dma_start3A_1297 : memref<1x64x128xf32, #tpu.memory_space<vmem>> -> memref<64x128xf32, #tpu.memory_space<vmem>>
      %dma_start3A_1299 = arith.constant 0 : i32
      %dma_start3A_1300 = tpu.memref_slice %arg4[%dma_start3A_1299, %multiple_of3A_1286] : memref<64x1000000xf32, #tpu.memory_space<hbm>> -> memref<64x128xf32, #tpu.memory_space<hbm>>
      %dma_start3A_1301 = arith.constant 0 : i32
      %dma_start3A_1302 = arith.constant 0 : i32
      %dma_start3A_1303 = tpu.memref_slice %arg12[%dma_start3A_1294, %dma_start3A_1301, %dma_start3A_1302] : memref<4x64x128xf32, #tpu.memory_space<vmem>> -> memref<1x64x128xf32, #tpu.memory_space<vmem>>
      %dma_start3A_1304 = tpu.memref_squeeze %dma_start3A_1303 : memref<1x64x128xf32, #tpu.memory_space<vmem>> -> memref<64x128xf32, #tpu.memory_space<vmem>>
      %dma_start3A_1305 = arith.constant 0 : i32
      %dma_start3A_1306 = tpu.memref_slice %arg4[%dma_start3A_1305, %multiple_of3A_1286] : memref<64x1000000xf32, #tpu.memory_space<hbm>> -> memref<64x128xf32, #tpu.memory_space<hbm>>
      tpu.enqueue_dma source(%dma_start3A_1306 : memref<64x128xf32, #tpu.memory_space<hbm>>) target(%dma_start3A_1304 : memref<64x128xf32, #tpu.memory_space<vmem>>) target_semaphore(%arg20 : memref<!tpu.dma_semaphore, #tpu.memory_space<semaphore_mem>>)
      %dma_start3A_1307 = arith.constant 1 : i32
      %dma_start3A_1308 = arith.constant 0 : i32
      %dma_start3A_1309 = arith.constant 0 : i32
      %dma_start3A_1310 = tpu.memref_slice %arg13[%dma_start3A_1307, %dma_start3A_1308, %dma_start3A_1309] : memref<4x64x128xf32, #tpu.memory_space<vmem>> -> memref<1x64x128xf32, #tpu.memory_space<vmem>>
      %dma_start3A_1311 = tpu.memref_squeeze %dma_start3A_1310 : memref<1x64x128xf32, #tpu.memory_space<vmem>> -> memref<64x128xf32, #tpu.memory_space<vmem>>
      %dma_start3A_1312 = arith.constant 0 : i32
      %dma_start3A_1313 = tpu.memref_slice %arg5[%dma_start3A_1312, %multiple_of3A_1293] : memref<64x1000000xf32, #tpu.memory_space<hbm>> -> memref<64x128xf32, #tpu.memory_space<hbm>>
      %dma_start3A_1314 = arith.constant 0 : i32
      %dma_start3A_1315 = arith.constant 0 : i32
      %dma_start3A_1316 = tpu.memref_slice %arg13[%dma_start3A_1307, %dma_start3A_1314, %dma_start3A_1315] : memref<4x64x128xf32, #tpu.memory_space<vmem>> -> memref<1x64x128xf32, #tpu.memory_space<vmem>>
      %dma_start3A_1317 = tpu.memref_squeeze %dma_start3A_1316 : memref<1x64x128xf32, #tpu.memory_space<vmem>> -> memref<64x128xf32, #tpu.memory_space<vmem>>
      %dma_start3A_1318 = arith.constant 0 : i32
      %dma_start3A_1319 = tpu.memref_slice %arg5[%dma_start3A_1318, %multiple_of3A_1293] : memref<64x1000000xf32, #tpu.memory_space<hbm>> -> memref<64x128xf32, #tpu.memory_space<hbm>>
      tpu.enqueue_dma source(%dma_start3A_1319 : memref<64x128xf32, #tpu.memory_space<hbm>>) target(%dma_start3A_1317 : memref<64x128xf32, #tpu.memory_space<vmem>>) target_semaphore(%arg24 : memref<!tpu.dma_semaphore, #tpu.memory_space<semaphore_mem>>)
      %dma_wait3A_1320 = arith.constant 2 : i32
      %dma_wait3A_1321 = arith.constant 0 : i32
      %dma_wait3A_1322 = arith.constant 0 : i32
      %dma_wait3A_1323 = tpu.memref_slice %arg12[%dma_wait3A_1320, %dma_wait3A_1321, %dma_wait3A_1322] : memref<4x64x128xf32, #tpu.memory_space<vmem>> -> memref<1x64x128xf32, #tpu.memory_space<vmem>>
      %dma_wait3A_1324 = tpu.memref_squeeze %dma_wait3A_1323 : memref<1x64x128xf32, #tpu.memory_space<vmem>> -> memref<64x128xf32, #tpu.memory_space<vmem>>
      %dma_wait3A_1325 = arith.constant 0 : i32
      %dma_wait3A_1326 = tpu.memref_slice %arg4[%dma_wait3A_1325, %multiple_of3A_959] : memref<64x1000000xf32, #tpu.memory_space<hbm>> -> memref<64x128xf32, #tpu.memory_space<hbm>>
      %dma_wait3A_1327 = arith.constant 0 : i32
      %dma_wait3A_1328 = arith.constant 0 : i32
      %dma_wait3A_1329 = tpu.memref_slice %arg12[%dma_wait3A_1320, %dma_wait3A_1327, %dma_wait3A_1328] : memref<4x64x128xf32, #tpu.memory_space<vmem>> -> memref<1x64x128xf32, #tpu.memory_space<vmem>>
      %dma_wait3A_1330 = tpu.memref_squeeze %dma_wait3A_1329 : memref<1x64x128xf32, #tpu.memory_space<vmem>> -> memref<64x128xf32, #tpu.memory_space<vmem>>
      %dma_wait3A_1331 = arith.constant 0 : i32
      %dma_wait3A_1332 = tpu.memref_slice %arg4[%dma_wait3A_1331, %multiple_of3A_959] : memref<64x1000000xf32, #tpu.memory_space<hbm>> -> memref<64x128xf32, #tpu.memory_space<hbm>>
      tpu.wait_dma2 semaphore(%arg21 : memref<!tpu.dma_semaphore, #tpu.memory_space<semaphore_mem>>) src(%dma_wait3A_1332 : memref<64x128xf32, #tpu.memory_space<hbm>>) dst(%dma_wait3A_1330 : memref<64x128xf32, #tpu.memory_space<vmem>>)
      %dma_wait3A_1333 = arith.constant 2 : i32
      %dma_wait3A_1334 = arith.constant 0 : i32
      %dma_wait3A_1335 = arith.constant 0 : i32
      %dma_wait3A_1336 = tpu.memref_slice %arg13[%dma_wait3A_1333, %dma_wait3A_1334, %dma_wait3A_1335] : memref<4x64x128xf32, #tpu.memory_space<vmem>> -> memref<1x64x128xf32, #tpu.memory_space<vmem>>
      %dma_wait3A_1337 = tpu.memref_squeeze %dma_wait3A_1336 : memref<1x64x128xf32, #tpu.memory_space<vmem>> -> memref<64x128xf32, #tpu.memory_space<vmem>>
      %dma_wait3A_1338 = arith.constant 0 : i32
      %dma_wait3A_1339 = tpu.memref_slice %arg5[%dma_wait3A_1338, %multiple_of3A_966] : memref<64x1000000xf32, #tpu.memory_space<hbm>> -> memref<64x128xf32, #tpu.memory_space<hbm>>
      %dma_wait3A_1340 = arith.constant 0 : i32
      %dma_wait3A_1341 = arith.constant 0 : i32
      %dma_wait3A_1342 = tpu.memref_slice %arg13[%dma_wait3A_1333, %dma_wait3A_1340, %dma_wait3A_1341] : memref<4x64x128xf32, #tpu.memory_space<vmem>> -> memref<1x64x128xf32, #tpu.memory_space<vmem>>
      %dma_wait3A_1343 = tpu.memref_squeeze %dma_wait3A_1342 : memref<1x64x128xf32, #tpu.memory_space<vmem>> -> memref<64x128xf32, #tpu.memory_space<vmem>>
      %dma_wait3A_1344 = arith.constant 0 : i32
      %dma_wait3A_1345 = tpu.memref_slice %arg5[%dma_wait3A_1344, %multiple_of3A_966] : memref<64x1000000xf32, #tpu.memory_space<hbm>> -> memref<64x128xf32, #tpu.memory_space<hbm>>
      tpu.wait_dma2 semaphore(%arg25 : memref<!tpu.dma_semaphore, #tpu.memory_space<semaphore_mem>>) src(%dma_wait3A_1345 : memref<64x128xf32, #tpu.memory_space<hbm>>) dst(%dma_wait3A_1343 : memref<64x128xf32, #tpu.memory_space<vmem>>)
      %broadcast_in_dim3A_1346 = arith.constant 2 : i32
      %broadcast_in_dim3A_1347 = vector.broadcast %broadcast_in_dim3A_1346 : i32 to vector<16xi32>
      %slice3A_1348 = vector.extract_strided_slice %get3A_66 {offsets = [10], sizes = [1], strides = [1]} : vector<16xi32> to vector<1xi32>
      %squeeze3A_1349 = vector.extract %slice3A_1348[0] : i32 from vector<1xi32>
      %and3A_1350 = arith.constant 127 : i32
      %and3A_1351 = arith.andi %squeeze3A_1349, %and3A_1350 : i32
      %broadcast_in_dim3A_1352 = vector.broadcast %and3A_1351 : i32 to vector<16xi32>
      %slice3A_1353 = vector.extract_strided_slice %get3A_68 {offsets = [10], sizes = [1], strides = [1]} : vector<16xi32> to vector<1xi32>
      %squeeze3A_1354 = vector.extract %slice3A_1353[0] : i32 from vector<1xi32>
      %and3A_1355 = arith.constant 127 : i32
      %and3A_1356 = arith.andi %squeeze3A_1354, %and3A_1355 : i32
      %broadcast_in_dim3A_1357 = vector.broadcast %and3A_1356 : i32 to vector<16xi32>
      %broadcast_in_dim3A_1358 = arith.constant 0.000000e+00 : f32
      %broadcast_in_dim3A_1359 = vector.broadcast %broadcast_in_dim3A_1358 : f32 to vector<16xf32>
      %gather3A_1360 = tpu.vector_load_idx %arg12[%broadcast_in_dim3A_1347, %add3A_42, %broadcast_in_dim3A_1352] : memref<4x64x128xf32, #tpu.memory_space<vmem>>[vector<16xi32>, vector<16xi32>, vector<16xi32>], vector<16xf32>,
      %gather3A_1361 = tpu.vector_load_idx %arg13[%broadcast_in_dim3A_1347, %add3A_42, %broadcast_in_dim3A_1357] : memref<4x64x128xf32, #tpu.memory_space<vmem>>[vector<16xi32>, vector<16xi32>, vector<16xi32>], vector<16xf32>,
      %mul3A_1362 = arith.mulf %gather3A_1360, %gather3A_1361 : vector<16xf32>
      %add3A_1363 = arith.addf %broadcast_in_dim3A_1359, %mul3A_1362 : vector<16xf32>
      %gather3A_1364 = tpu.vector_load_idx %arg12[%broadcast_in_dim3A_1347, %add3A_45, %broadcast_in_dim3A_1352] : memref<4x64x128xf32, #tpu.memory_space<vmem>>[vector<16xi32>, vector<16xi32>, vector<16xi32>], vector<16xf32>,
      %gather3A_1365 = tpu.vector_load_idx %arg13[%broadcast_in_dim3A_1347, %add3A_45, %broadcast_in_dim3A_1357] : memref<4x64x128xf32, #tpu.memory_space<vmem>>[vector<16xi32>, vector<16xi32>, vector<16xi32>], vector<16xf32>,
      %mul3A_1366 = arith.mulf %gather3A_1364, %gather3A_1365 : vector<16xf32>
      %add3A_1367 = arith.addf %add3A_1363, %mul3A_1366 : vector<16xf32>
      %gather3A_1368 = tpu.vector_load_idx %arg12[%broadcast_in_dim3A_1347, %add3A_48, %broadcast_in_dim3A_1352] : memref<4x64x128xf32, #tpu.memory_space<vmem>>[vector<16xi32>, vector<16xi32>, vector<16xi32>], vector<16xf32>,
      %gather3A_1369 = tpu.vector_load_idx %arg13[%broadcast_in_dim3A_1347, %add3A_48, %broadcast_in_dim3A_1357] : memref<4x64x128xf32, #tpu.memory_space<vmem>>[vector<16xi32>, vector<16xi32>, vector<16xi32>], vector<16xf32>,
      %mul3A_1370 = arith.mulf %gather3A_1368, %gather3A_1369 : vector<16xf32>
      %add3A_1371 = arith.addf %add3A_1367, %mul3A_1370 : vector<16xf32>
      %gather3A_1372 = tpu.vector_load_idx %arg12[%broadcast_in_dim3A_1347, %add3A_51, %broadcast_in_dim3A_1352] : memref<4x64x128xf32, #tpu.memory_space<vmem>>[vector<16xi32>, vector<16xi32>, vector<16xi32>], vector<16xf32>,
      %gather3A_1373 = tpu.vector_load_idx %arg13[%broadcast_in_dim3A_1347, %add3A_51, %broadcast_in_dim3A_1357] : memref<4x64x128xf32, #tpu.memory_space<vmem>>[vector<16xi32>, vector<16xi32>, vector<16xi32>], vector<16xf32>,
      %mul3A_1374 = arith.mulf %gather3A_1372, %gather3A_1373 : vector<16xf32>
      %add3A_1375 = arith.addf %add3A_1371, %mul3A_1374 : vector<16xf32>
      %eq3A_1376 = arith.constant 10 : i32
      %eq3A_1377 = vector.broadcast %eq3A_1376 : i32 to vector<16xi32>
      %eq3A_1378 = arith.cmpi eq, %iota3A_39, %eq3A_1377 : vector<16xi32>
      %reduce_sum3A_1379 = arith.constant true
      %reduce_sum3A_1380 = vector.broadcast %reduce_sum3A_1379 : i1 to vector<16xi1>
      %reduce_sum3A_1381 = tpu.scan <sum>, %add3A_1375 masked %reduce_sum3A_1380 : vector<16xf32>, vector<16xi1> -> vector<16xf32>
      %reduce_sum3A_1382 = vector.extract %reduce_sum3A_1381[15] : f32 from vector<16xf32>
      %broadcast_in_dim3A_1383 = vector.broadcast %reduce_sum3A_1382 : f32 to vector<16xf32>
      %select_n3A_1384 = arith.select %eq3A_1378, %broadcast_in_dim3A_1383, %select_n3A_1275 : vector<16xi1>, vector<16xf32>
      %mul3A_1385 = arith.constant 16 : i32
      %mul3A_1386 = arith.muli %scan3A_57, %mul3A_1385 : i32
      %add3A_1387 = arith.constant 11 : i32
      %add3A_1388 = arith.addi %mul3A_1386, %add3A_1387 : i32
      %slice3A_1389 = vector.extract_strided_slice %get3A_66 {offsets = [14], sizes = [1], strides = [1]} : vector<16xi32> to vector<1xi32>
      %squeeze3A_1390 = vector.extract %slice3A_1389[0] : i32 from vector<1xi32>
      %shift_right_arithmetic3A_1391 = arith.constant 7 : i32
      %shift_right_arithmetic3A_1392 = arith.shrsi %squeeze3A_1390, %shift_right_arithmetic3A_1391 : i32
      %mul3A_1393 = arith.constant 128 : i32
      %mul3A_1394 = arith.muli %shift_right_arithmetic3A_1392, %mul3A_1393 : i32
      %multiple_of3A_1395 = tpu.assume_multiple %mul3A_1394, 128 : i32
      %slice3A_1396 = vector.extract_strided_slice %get3A_68 {offsets = [14], sizes = [1], strides = [1]} : vector<16xi32> to vector<1xi32>
      %squeeze3A_1397 = vector.extract %slice3A_1396[0] : i32 from vector<1xi32>
      %shift_right_arithmetic3A_1398 = arith.constant 7 : i32
      %shift_right_arithmetic3A_1399 = arith.shrsi %squeeze3A_1397, %shift_right_arithmetic3A_1398 : i32
      %mul3A_1400 = arith.constant 128 : i32
      %mul3A_1401 = arith.muli %shift_right_arithmetic3A_1399, %mul3A_1400 : i32
      %multiple_of3A_1402 = tpu.assume_multiple %mul3A_1401, 128 : i32
      %dma_start3A_1403 = arith.constant 2 : i32
      %dma_start3A_1404 = arith.constant 0 : i32
      %dma_start3A_1405 = arith.constant 0 : i32
      %dma_start3A_1406 = tpu.memref_slice %arg12[%dma_start3A_1403, %dma_start3A_1404, %dma_start3A_1405] : memref<4x64x128xf32, #tpu.memory_space<vmem>> -> memref<1x64x128xf32, #tpu.memory_space<vmem>>
      %dma_start3A_1407 = tpu.memref_squeeze %dma_start3A_1406 : memref<1x64x128xf32, #tpu.memory_space<vmem>> -> memref<64x128xf32, #tpu.memory_space<vmem>>
      %dma_start3A_1408 = arith.constant 0 : i32
      %dma_start3A_1409 = tpu.memref_slice %arg4[%dma_start3A_1408, %multiple_of3A_1395] : memref<64x1000000xf32, #tpu.memory_space<hbm>> -> memref<64x128xf32, #tpu.memory_space<hbm>>
      %dma_start3A_1410 = arith.constant 0 : i32
      %dma_start3A_1411 = arith.constant 0 : i32
      %dma_start3A_1412 = tpu.memref_slice %arg12[%dma_start3A_1403, %dma_start3A_1410, %dma_start3A_1411] : memref<4x64x128xf32, #tpu.memory_space<vmem>> -> memref<1x64x128xf32, #tpu.memory_space<vmem>>
      %dma_start3A_1413 = tpu.memref_squeeze %dma_start3A_1412 : memref<1x64x128xf32, #tpu.memory_space<vmem>> -> memref<64x128xf32, #tpu.memory_space<vmem>>
      %dma_start3A_1414 = arith.constant 0 : i32
      %dma_start3A_1415 = tpu.memref_slice %arg4[%dma_start3A_1414, %multiple_of3A_1395] : memref<64x1000000xf32, #tpu.memory_space<hbm>> -> memref<64x128xf32, #tpu.memory_space<hbm>>
      tpu.enqueue_dma source(%dma_start3A_1415 : memref<64x128xf32, #tpu.memory_space<hbm>>) target(%dma_start3A_1413 : memref<64x128xf32, #tpu.memory_space<vmem>>) target_semaphore(%arg21 : memref<!tpu.dma_semaphore, #tpu.memory_space<semaphore_mem>>)
      %dma_start3A_1416 = arith.constant 2 : i32
      %dma_start3A_1417 = arith.constant 0 : i32
      %dma_start3A_1418 = arith.constant 0 : i32
      %dma_start3A_1419 = tpu.memref_slice %arg13[%dma_start3A_1416, %dma_start3A_1417, %dma_start3A_1418] : memref<4x64x128xf32, #tpu.memory_space<vmem>> -> memref<1x64x128xf32, #tpu.memory_space<vmem>>
      %dma_start3A_1420 = tpu.memref_squeeze %dma_start3A_1419 : memref<1x64x128xf32, #tpu.memory_space<vmem>> -> memref<64x128xf32, #tpu.memory_space<vmem>>
      %dma_start3A_1421 = arith.constant 0 : i32
      %dma_start3A_1422 = tpu.memref_slice %arg5[%dma_start3A_1421, %multiple_of3A_1402] : memref<64x1000000xf32, #tpu.memory_space<hbm>> -> memref<64x128xf32, #tpu.memory_space<hbm>>
      %dma_start3A_1423 = arith.constant 0 : i32
      %dma_start3A_1424 = arith.constant 0 : i32
      %dma_start3A_1425 = tpu.memref_slice %arg13[%dma_start3A_1416, %dma_start3A_1423, %dma_start3A_1424] : memref<4x64x128xf32, #tpu.memory_space<vmem>> -> memref<1x64x128xf32, #tpu.memory_space<vmem>>
      %dma_start3A_1426 = tpu.memref_squeeze %dma_start3A_1425 : memref<1x64x128xf32, #tpu.memory_space<vmem>> -> memref<64x128xf32, #tpu.memory_space<vmem>>
      %dma_start3A_1427 = arith.constant 0 : i32
      %dma_start3A_1428 = tpu.memref_slice %arg5[%dma_start3A_1427, %multiple_of3A_1402] : memref<64x1000000xf32, #tpu.memory_space<hbm>> -> memref<64x128xf32, #tpu.memory_space<hbm>>
      tpu.enqueue_dma source(%dma_start3A_1428 : memref<64x128xf32, #tpu.memory_space<hbm>>) target(%dma_start3A_1426 : memref<64x128xf32, #tpu.memory_space<vmem>>) target_semaphore(%arg25 : memref<!tpu.dma_semaphore, #tpu.memory_space<semaphore_mem>>)
      %dma_wait3A_1429 = arith.constant 3 : i32
      %dma_wait3A_1430 = arith.constant 0 : i32
      %dma_wait3A_1431 = arith.constant 0 : i32
      %dma_wait3A_1432 = tpu.memref_slice %arg12[%dma_wait3A_1429, %dma_wait3A_1430, %dma_wait3A_1431] : memref<4x64x128xf32, #tpu.memory_space<vmem>> -> memref<1x64x128xf32, #tpu.memory_space<vmem>>
      %dma_wait3A_1433 = tpu.memref_squeeze %dma_wait3A_1432 : memref<1x64x128xf32, #tpu.memory_space<vmem>> -> memref<64x128xf32, #tpu.memory_space<vmem>>
      %dma_wait3A_1434 = arith.constant 0 : i32
      %dma_wait3A_1435 = tpu.memref_slice %arg4[%dma_wait3A_1434, %multiple_of3A_1068] : memref<64x1000000xf32, #tpu.memory_space<hbm>> -> memref<64x128xf32, #tpu.memory_space<hbm>>
      %dma_wait3A_1436 = arith.constant 0 : i32
      %dma_wait3A_1437 = arith.constant 0 : i32
      %dma_wait3A_1438 = tpu.memref_slice %arg12[%dma_wait3A_1429, %dma_wait3A_1436, %dma_wait3A_1437] : memref<4x64x128xf32, #tpu.memory_space<vmem>> -> memref<1x64x128xf32, #tpu.memory_space<vmem>>
      %dma_wait3A_1439 = tpu.memref_squeeze %dma_wait3A_1438 : memref<1x64x128xf32, #tpu.memory_space<vmem>> -> memref<64x128xf32, #tpu.memory_space<vmem>>
      %dma_wait3A_1440 = arith.constant 0 : i32
      %dma_wait3A_1441 = tpu.memref_slice %arg4[%dma_wait3A_1440, %multiple_of3A_1068] : memref<64x1000000xf32, #tpu.memory_space<hbm>> -> memref<64x128xf32, #tpu.memory_space<hbm>>
      tpu.wait_dma2 semaphore(%arg22 : memref<!tpu.dma_semaphore, #tpu.memory_space<semaphore_mem>>) src(%dma_wait3A_1441 : memref<64x128xf32, #tpu.memory_space<hbm>>) dst(%dma_wait3A_1439 : memref<64x128xf32, #tpu.memory_space<vmem>>)
      %dma_wait3A_1442 = arith.constant 3 : i32
      %dma_wait3A_1443 = arith.constant 0 : i32
      %dma_wait3A_1444 = arith.constant 0 : i32
      %dma_wait3A_1445 = tpu.memref_slice %arg13[%dma_wait3A_1442, %dma_wait3A_1443, %dma_wait3A_1444] : memref<4x64x128xf32, #tpu.memory_space<vmem>> -> memref<1x64x128xf32, #tpu.memory_space<vmem>>
      %dma_wait3A_1446 = tpu.memref_squeeze %dma_wait3A_1445 : memref<1x64x128xf32, #tpu.memory_space<vmem>> -> memref<64x128xf32, #tpu.memory_space<vmem>>
      %dma_wait3A_1447 = arith.constant 0 : i32
      %dma_wait3A_1448 = tpu.memref_slice %arg5[%dma_wait3A_1447, %multiple_of3A_1075] : memref<64x1000000xf32, #tpu.memory_space<hbm>> -> memref<64x128xf32, #tpu.memory_space<hbm>>
      %dma_wait3A_1449 = arith.constant 0 : i32
      %dma_wait3A_1450 = arith.constant 0 : i32
      %dma_wait3A_1451 = tpu.memref_slice %arg13[%dma_wait3A_1442, %dma_wait3A_1449, %dma_wait3A_1450] : memref<4x64x128xf32, #tpu.memory_space<vmem>> -> memref<1x64x128xf32, #tpu.memory_space<vmem>>
      %dma_wait3A_1452 = tpu.memref_squeeze %dma_wait3A_1451 : memref<1x64x128xf32, #tpu.memory_space<vmem>> -> memref<64x128xf32, #tpu.memory_space<vmem>>
      %dma_wait3A_1453 = arith.constant 0 : i32
      %dma_wait3A_1454 = tpu.memref_slice %arg5[%dma_wait3A_1453, %multiple_of3A_1075] : memref<64x1000000xf32, #tpu.memory_space<hbm>> -> memref<64x128xf32, #tpu.memory_space<hbm>>
      tpu.wait_dma2 semaphore(%arg26 : memref<!tpu.dma_semaphore, #tpu.memory_space<semaphore_mem>>) src(%dma_wait3A_1454 : memref<64x128xf32, #tpu.memory_space<hbm>>) dst(%dma_wait3A_1452 : memref<64x128xf32, #tpu.memory_space<vmem>>)
      %broadcast_in_dim3A_1455 = arith.constant 3 : i32
      %broadcast_in_dim3A_1456 = vector.broadcast %broadcast_in_dim3A_1455 : i32 to vector<16xi32>
      %slice3A_1457 = vector.extract_strided_slice %get3A_66 {offsets = [11], sizes = [1], strides = [1]} : vector<16xi32> to vector<1xi32>
      %squeeze3A_1458 = vector.extract %slice3A_1457[0] : i32 from vector<1xi32>
      %and3A_1459 = arith.constant 127 : i32
      %and3A_1460 = arith.andi %squeeze3A_1458, %and3A_1459 : i32
      %broadcast_in_dim3A_1461 = vector.broadcast %and3A_1460 : i32 to vector<16xi32>
      %slice3A_1462 = vector.extract_strided_slice %get3A_68 {offsets = [11], sizes = [1], strides = [1]} : vector<16xi32> to vector<1xi32>
      %squeeze3A_1463 = vector.extract %slice3A_1462[0] : i32 from vector<1xi32>
      %and3A_1464 = arith.constant 127 : i32
      %and3A_1465 = arith.andi %squeeze3A_1463, %and3A_1464 : i32
      %broadcast_in_dim3A_1466 = vector.broadcast %and3A_1465 : i32 to vector<16xi32>
      %broadcast_in_dim3A_1467 = arith.constant 0.000000e+00 : f32
      %broadcast_in_dim3A_1468 = vector.broadcast %broadcast_in_dim3A_1467 : f32 to vector<16xf32>
      %gather3A_1469 = tpu.vector_load_idx %arg12[%broadcast_in_dim3A_1456, %add3A_42, %broadcast_in_dim3A_1461] : memref<4x64x128xf32, #tpu.memory_space<vmem>>[vector<16xi32>, vector<16xi32>, vector<16xi32>], vector<16xf32>,
      %gather3A_1470 = tpu.vector_load_idx %arg13[%broadcast_in_dim3A_1456, %add3A_42, %broadcast_in_dim3A_1466] : memref<4x64x128xf32, #tpu.memory_space<vmem>>[vector<16xi32>, vector<16xi32>, vector<16xi32>], vector<16xf32>,
      %mul3A_1471 = arith.mulf %gather3A_1469, %gather3A_1470 : vector<16xf32>
      %add3A_1472 = arith.addf %broadcast_in_dim3A_1468, %mul3A_1471 : vector<16xf32>
      %gather3A_1473 = tpu.vector_load_idx %arg12[%broadcast_in_dim3A_1456, %add3A_45, %broadcast_in_dim3A_1461] : memref<4x64x128xf32, #tpu.memory_space<vmem>>[vector<16xi32>, vector<16xi32>, vector<16xi32>], vector<16xf32>,
      %gather3A_1474 = tpu.vector_load_idx %arg13[%broadcast_in_dim3A_1456, %add3A_45, %broadcast_in_dim3A_1466] : memref<4x64x128xf32, #tpu.memory_space<vmem>>[vector<16xi32>, vector<16xi32>, vector<16xi32>], vector<16xf32>,
      %mul3A_1475 = arith.mulf %gather3A_1473, %gather3A_1474 : vector<16xf32>
      %add3A_1476 = arith.addf %add3A_1472, %mul3A_1475 : vector<16xf32>
      %gather3A_1477 = tpu.vector_load_idx %arg12[%broadcast_in_dim3A_1456, %add3A_48, %broadcast_in_dim3A_1461] : memref<4x64x128xf32, #tpu.memory_space<vmem>>[vector<16xi32>, vector<16xi32>, vector<16xi32>], vector<16xf32>,
      %gather3A_1478 = tpu.vector_load_idx %arg13[%broadcast_in_dim3A_1456, %add3A_48, %broadcast_in_dim3A_1466] : memref<4x64x128xf32, #tpu.memory_space<vmem>>[vector<16xi32>, vector<16xi32>, vector<16xi32>], vector<16xf32>,
      %mul3A_1479 = arith.mulf %gather3A_1477, %gather3A_1478 : vector<16xf32>
      %add3A_1480 = arith.addf %add3A_1476, %mul3A_1479 : vector<16xf32>
      %gather3A_1481 = tpu.vector_load_idx %arg12[%broadcast_in_dim3A_1456, %add3A_51, %broadcast_in_dim3A_1461] : memref<4x64x128xf32, #tpu.memory_space<vmem>>[vector<16xi32>, vector<16xi32>, vector<16xi32>], vector<16xf32>,
      %gather3A_1482 = tpu.vector_load_idx %arg13[%broadcast_in_dim3A_1456, %add3A_51, %broadcast_in_dim3A_1466] : memref<4x64x128xf32, #tpu.memory_space<vmem>>[vector<16xi32>, vector<16xi32>, vector<16xi32>], vector<16xf32>,
      %mul3A_1483 = arith.mulf %gather3A_1481, %gather3A_1482 : vector<16xf32>
      %add3A_1484 = arith.addf %add3A_1480, %mul3A_1483 : vector<16xf32>
      %eq3A_1485 = arith.constant 11 : i32
      %eq3A_1486 = vector.broadcast %eq3A_1485 : i32 to vector<16xi32>
      %eq3A_1487 = arith.cmpi eq, %iota3A_39, %eq3A_1486 : vector<16xi32>
      %reduce_sum3A_1488 = arith.constant true
      %reduce_sum3A_1489 = vector.broadcast %reduce_sum3A_1488 : i1 to vector<16xi1>
      %reduce_sum3A_1490 = tpu.scan <sum>, %add3A_1484 masked %reduce_sum3A_1489 : vector<16xf32>, vector<16xi1> -> vector<16xf32>
      %reduce_sum3A_1491 = vector.extract %reduce_sum3A_1490[15] : f32 from vector<16xf32>
      %broadcast_in_dim3A_1492 = vector.broadcast %reduce_sum3A_1491 : f32 to vector<16xf32>
      %select_n3A_1493 = arith.select %eq3A_1487, %broadcast_in_dim3A_1492, %select_n3A_1384 : vector<16xi1>, vector<16xf32>
      %mul3A_1494 = arith.constant 16 : i32
      %mul3A_1495 = arith.muli %scan3A_57, %mul3A_1494 : i32
      %add3A_1496 = arith.constant 12 : i32
      %add3A_1497 = arith.addi %mul3A_1495, %add3A_1496 : i32
      %slice3A_1498 = vector.extract_strided_slice %get3A_66 {offsets = [15], sizes = [1], strides = [1]} : vector<16xi32> to vector<1xi32>
      %squeeze3A_1499 = vector.extract %slice3A_1498[0] : i32 from vector<1xi32>
      %shift_right_arithmetic3A_1500 = arith.constant 7 : i32
      %shift_right_arithmetic3A_1501 = arith.shrsi %squeeze3A_1499, %shift_right_arithmetic3A_1500 : i32
      %mul3A_1502 = arith.constant 128 : i32
      %mul3A_1503 = arith.muli %shift_right_arithmetic3A_1501, %mul3A_1502 : i32
      %multiple_of3A_1504 = tpu.assume_multiple %mul3A_1503, 128 : i32
      %slice3A_1505 = vector.extract_strided_slice %get3A_68 {offsets = [15], sizes = [1], strides = [1]} : vector<16xi32> to vector<1xi32>
      %squeeze3A_1506 = vector.extract %slice3A_1505[0] : i32 from vector<1xi32>
      %shift_right_arithmetic3A_1507 = arith.constant 7 : i32
      %shift_right_arithmetic3A_1508 = arith.shrsi %squeeze3A_1506, %shift_right_arithmetic3A_1507 : i32
      %mul3A_1509 = arith.constant 128 : i32
      %mul3A_1510 = arith.muli %shift_right_arithmetic3A_1508, %mul3A_1509 : i32
      %multiple_of3A_1511 = tpu.assume_multiple %mul3A_1510, 128 : i32
      %dma_start3A_1512 = arith.constant 3 : i32
      %dma_start3A_1513 = arith.constant 0 : i32
      %dma_start3A_1514 = arith.constant 0 : i32
      %dma_start3A_1515 = tpu.memref_slice %arg12[%dma_start3A_1512, %dma_start3A_1513, %dma_start3A_1514] : memref<4x64x128xf32, #tpu.memory_space<vmem>> -> memref<1x64x128xf32, #tpu.memory_space<vmem>>
      %dma_start3A_1516 = tpu.memref_squeeze %dma_start3A_1515 : memref<1x64x128xf32, #tpu.memory_space<vmem>> -> memref<64x128xf32, #tpu.memory_space<vmem>>
      %dma_start3A_1517 = arith.constant 0 : i32
      %dma_start3A_1518 = tpu.memref_slice %arg4[%dma_start3A_1517, %multiple_of3A_1504] : memref<64x1000000xf32, #tpu.memory_space<hbm>> -> memref<64x128xf32, #tpu.memory_space<hbm>>
      %dma_start3A_1519 = arith.constant 0 : i32
      %dma_start3A_1520 = arith.constant 0 : i32
      %dma_start3A_1521 = tpu.memref_slice %arg12[%dma_start3A_1512, %dma_start3A_1519, %dma_start3A_1520] : memref<4x64x128xf32, #tpu.memory_space<vmem>> -> memref<1x64x128xf32, #tpu.memory_space<vmem>>
      %dma_start3A_1522 = tpu.memref_squeeze %dma_start3A_1521 : memref<1x64x128xf32, #tpu.memory_space<vmem>> -> memref<64x128xf32, #tpu.memory_space<vmem>>
      %dma_start3A_1523 = arith.constant 0 : i32
      %dma_start3A_1524 = tpu.memref_slice %arg4[%dma_start3A_1523, %multiple_of3A_1504] : memref<64x1000000xf32, #tpu.memory_space<hbm>> -> memref<64x128xf32, #tpu.memory_space<hbm>>
      tpu.enqueue_dma source(%dma_start3A_1524 : memref<64x128xf32, #tpu.memory_space<hbm>>) target(%dma_start3A_1522 : memref<64x128xf32, #tpu.memory_space<vmem>>) target_semaphore(%arg22 : memref<!tpu.dma_semaphore, #tpu.memory_space<semaphore_mem>>)
      %dma_start3A_1525 = arith.constant 3 : i32
      %dma_start3A_1526 = arith.constant 0 : i32
      %dma_start3A_1527 = arith.constant 0 : i32
      %dma_start3A_1528 = tpu.memref_slice %arg13[%dma_start3A_1525, %dma_start3A_1526, %dma_start3A_1527] : memref<4x64x128xf32, #tpu.memory_space<vmem>> -> memref<1x64x128xf32, #tpu.memory_space<vmem>>
      %dma_start3A_1529 = tpu.memref_squeeze %dma_start3A_1528 : memref<1x64x128xf32, #tpu.memory_space<vmem>> -> memref<64x128xf32, #tpu.memory_space<vmem>>
      %dma_start3A_1530 = arith.constant 0 : i32
      %dma_start3A_1531 = tpu.memref_slice %arg5[%dma_start3A_1530, %multiple_of3A_1511] : memref<64x1000000xf32, #tpu.memory_space<hbm>> -> memref<64x128xf32, #tpu.memory_space<hbm>>
      %dma_start3A_1532 = arith.constant 0 : i32
      %dma_start3A_1533 = arith.constant 0 : i32
      %dma_start3A_1534 = tpu.memref_slice %arg13[%dma_start3A_1525, %dma_start3A_1532, %dma_start3A_1533] : memref<4x64x128xf32, #tpu.memory_space<vmem>> -> memref<1x64x128xf32, #tpu.memory_space<vmem>>
      %dma_start3A_1535 = tpu.memref_squeeze %dma_start3A_1534 : memref<1x64x128xf32, #tpu.memory_space<vmem>> -> memref<64x128xf32, #tpu.memory_space<vmem>>
      %dma_start3A_1536 = arith.constant 0 : i32
      %dma_start3A_1537 = tpu.memref_slice %arg5[%dma_start3A_1536, %multiple_of3A_1511] : memref<64x1000000xf32, #tpu.memory_space<hbm>> -> memref<64x128xf32, #tpu.memory_space<hbm>>
      tpu.enqueue_dma source(%dma_start3A_1537 : memref<64x128xf32, #tpu.memory_space<hbm>>) target(%dma_start3A_1535 : memref<64x128xf32, #tpu.memory_space<vmem>>) target_semaphore(%arg26 : memref<!tpu.dma_semaphore, #tpu.memory_space<semaphore_mem>>)
      %dma_wait3A_1538 = arith.constant 0 : i32
      %dma_wait3A_1539 = arith.constant 0 : i32
      %dma_wait3A_1540 = arith.constant 0 : i32
      %dma_wait3A_1541 = tpu.memref_slice %arg12[%dma_wait3A_1538, %dma_wait3A_1539, %dma_wait3A_1540] : memref<4x64x128xf32, #tpu.memory_space<vmem>> -> memref<1x64x128xf32, #tpu.memory_space<vmem>>
      %dma_wait3A_1542 = tpu.memref_squeeze %dma_wait3A_1541 : memref<1x64x128xf32, #tpu.memory_space<vmem>> -> memref<64x128xf32, #tpu.memory_space<vmem>>
      %dma_wait3A_1543 = arith.constant 0 : i32
      %dma_wait3A_1544 = tpu.memref_slice %arg4[%dma_wait3A_1543, %multiple_of3A_1177] : memref<64x1000000xf32, #tpu.memory_space<hbm>> -> memref<64x128xf32, #tpu.memory_space<hbm>>
      %dma_wait3A_1545 = arith.constant 0 : i32
      %dma_wait3A_1546 = arith.constant 0 : i32
      %dma_wait3A_1547 = tpu.memref_slice %arg12[%dma_wait3A_1538, %dma_wait3A_1545, %dma_wait3A_1546] : memref<4x64x128xf32, #tpu.memory_space<vmem>> -> memref<1x64x128xf32, #tpu.memory_space<vmem>>
      %dma_wait3A_1548 = tpu.memref_squeeze %dma_wait3A_1547 : memref<1x64x128xf32, #tpu.memory_space<vmem>> -> memref<64x128xf32, #tpu.memory_space<vmem>>
      %dma_wait3A_1549 = arith.constant 0 : i32
      %dma_wait3A_1550 = tpu.memref_slice %arg4[%dma_wait3A_1549, %multiple_of3A_1177] : memref<64x1000000xf32, #tpu.memory_space<hbm>> -> memref<64x128xf32, #tpu.memory_space<hbm>>
      tpu.wait_dma2 semaphore(%arg19 : memref<!tpu.dma_semaphore, #tpu.memory_space<semaphore_mem>>) src(%dma_wait3A_1550 : memref<64x128xf32, #tpu.memory_space<hbm>>) dst(%dma_wait3A_1548 : memref<64x128xf32, #tpu.memory_space<vmem>>)
      %dma_wait3A_1551 = arith.constant 0 : i32
      %dma_wait3A_1552 = arith.constant 0 : i32
      %dma_wait3A_1553 = arith.constant 0 : i32
      %dma_wait3A_1554 = tpu.memref_slice %arg13[%dma_wait3A_1551, %dma_wait3A_1552, %dma_wait3A_1553] : memref<4x64x128xf32, #tpu.memory_space<vmem>> -> memref<1x64x128xf32, #tpu.memory_space<vmem>>
      %dma_wait3A_1555 = tpu.memref_squeeze %dma_wait3A_1554 : memref<1x64x128xf32, #tpu.memory_space<vmem>> -> memref<64x128xf32, #tpu.memory_space<vmem>>
      %dma_wait3A_1556 = arith.constant 0 : i32
      %dma_wait3A_1557 = tpu.memref_slice %arg5[%dma_wait3A_1556, %multiple_of3A_1184] : memref<64x1000000xf32, #tpu.memory_space<hbm>> -> memref<64x128xf32, #tpu.memory_space<hbm>>
      %dma_wait3A_1558 = arith.constant 0 : i32
      %dma_wait3A_1559 = arith.constant 0 : i32
      %dma_wait3A_1560 = tpu.memref_slice %arg13[%dma_wait3A_1551, %dma_wait3A_1558, %dma_wait3A_1559] : memref<4x64x128xf32, #tpu.memory_space<vmem>> -> memref<1x64x128xf32, #tpu.memory_space<vmem>>
      %dma_wait3A_1561 = tpu.memref_squeeze %dma_wait3A_1560 : memref<1x64x128xf32, #tpu.memory_space<vmem>> -> memref<64x128xf32, #tpu.memory_space<vmem>>
      %dma_wait3A_1562 = arith.constant 0 : i32
      %dma_wait3A_1563 = tpu.memref_slice %arg5[%dma_wait3A_1562, %multiple_of3A_1184] : memref<64x1000000xf32, #tpu.memory_space<hbm>> -> memref<64x128xf32, #tpu.memory_space<hbm>>
      tpu.wait_dma2 semaphore(%arg23 : memref<!tpu.dma_semaphore, #tpu.memory_space<semaphore_mem>>) src(%dma_wait3A_1563 : memref<64x128xf32, #tpu.memory_space<hbm>>) dst(%dma_wait3A_1561 : memref<64x128xf32, #tpu.memory_space<vmem>>)
      %broadcast_in_dim3A_1564 = arith.constant 0 : i32
      %broadcast_in_dim3A_1565 = vector.broadcast %broadcast_in_dim3A_1564 : i32 to vector<16xi32>
      %slice3A_1566 = vector.extract_strided_slice %get3A_66 {offsets = [12], sizes = [1], strides = [1]} : vector<16xi32> to vector<1xi32>
      %squeeze3A_1567 = vector.extract %slice3A_1566[0] : i32 from vector<1xi32>
      %and3A_1568 = arith.constant 127 : i32
      %and3A_1569 = arith.andi %squeeze3A_1567, %and3A_1568 : i32
      %broadcast_in_dim3A_1570 = vector.broadcast %and3A_1569 : i32 to vector<16xi32>
      %slice3A_1571 = vector.extract_strided_slice %get3A_68 {offsets = [12], sizes = [1], strides = [1]} : vector<16xi32> to vector<1xi32>
      %squeeze3A_1572 = vector.extract %slice3A_1571[0] : i32 from vector<1xi32>
      %and3A_1573 = arith.constant 127 : i32
      %and3A_1574 = arith.andi %squeeze3A_1572, %and3A_1573 : i32
      %broadcast_in_dim3A_1575 = vector.broadcast %and3A_1574 : i32 to vector<16xi32>
      %broadcast_in_dim3A_1576 = arith.constant 0.000000e+00 : f32
      %broadcast_in_dim3A_1577 = vector.broadcast %broadcast_in_dim3A_1576 : f32 to vector<16xf32>
      %gather3A_1578 = tpu.vector_load_idx %arg12[%broadcast_in_dim3A_1565, %add3A_42, %broadcast_in_dim3A_1570] : memref<4x64x128xf32, #tpu.memory_space<vmem>>[vector<16xi32>, vector<16xi32>, vector<16xi32>], vector<16xf32>,
      %gather3A_1579 = tpu.vector_load_idx %arg13[%broadcast_in_dim3A_1565, %add3A_42, %broadcast_in_dim3A_1575] : memref<4x64x128xf32, #tpu.memory_space<vmem>>[vector<16xi32>, vector<16xi32>, vector<16xi32>], vector<16xf32>,
      %mul3A_1580 = arith.mulf %gather3A_1578, %gather3A_1579 : vector<16xf32>
      %add3A_1581 = arith.addf %broadcast_in_dim3A_1577, %mul3A_1580 : vector<16xf32>
      %gather3A_1582 = tpu.vector_load_idx %arg12[%broadcast_in_dim3A_1565, %add3A_45, %broadcast_in_dim3A_1570] : memref<4x64x128xf32, #tpu.memory_space<vmem>>[vector<16xi32>, vector<16xi32>, vector<16xi32>], vector<16xf32>,
      %gather3A_1583 = tpu.vector_load_idx %arg13[%broadcast_in_dim3A_1565, %add3A_45, %broadcast_in_dim3A_1575] : memref<4x64x128xf32, #tpu.memory_space<vmem>>[vector<16xi32>, vector<16xi32>, vector<16xi32>], vector<16xf32>,
      %mul3A_1584 = arith.mulf %gather3A_1582, %gather3A_1583 : vector<16xf32>
      %add3A_1585 = arith.addf %add3A_1581, %mul3A_1584 : vector<16xf32>
      %gather3A_1586 = tpu.vector_load_idx %arg12[%broadcast_in_dim3A_1565, %add3A_48, %broadcast_in_dim3A_1570] : memref<4x64x128xf32, #tpu.memory_space<vmem>>[vector<16xi32>, vector<16xi32>, vector<16xi32>], vector<16xf32>,
      %gather3A_1587 = tpu.vector_load_idx %arg13[%broadcast_in_dim3A_1565, %add3A_48, %broadcast_in_dim3A_1575] : memref<4x64x128xf32, #tpu.memory_space<vmem>>[vector<16xi32>, vector<16xi32>, vector<16xi32>], vector<16xf32>,
      %mul3A_1588 = arith.mulf %gather3A_1586, %gather3A_1587 : vector<16xf32>
      %add3A_1589 = arith.addf %add3A_1585, %mul3A_1588 : vector<16xf32>
      %gather3A_1590 = tpu.vector_load_idx %arg12[%broadcast_in_dim3A_1565, %add3A_51, %broadcast_in_dim3A_1570] : memref<4x64x128xf32, #tpu.memory_space<vmem>>[vector<16xi32>, vector<16xi32>, vector<16xi32>], vector<16xf32>,
      %gather3A_1591 = tpu.vector_load_idx %arg13[%broadcast_in_dim3A_1565, %add3A_51, %broadcast_in_dim3A_1575] : memref<4x64x128xf32, #tpu.memory_space<vmem>>[vector<16xi32>, vector<16xi32>, vector<16xi32>], vector<16xf32>,
      %mul3A_1592 = arith.mulf %gather3A_1590, %gather3A_1591 : vector<16xf32>
      %add3A_1593 = arith.addf %add3A_1589, %mul3A_1592 : vector<16xf32>
      %eq3A_1594 = arith.constant 12 : i32
      %eq3A_1595 = vector.broadcast %eq3A_1594 : i32 to vector<16xi32>
      %eq3A_1596 = arith.cmpi eq, %iota3A_39, %eq3A_1595 : vector<16xi32>
      %reduce_sum3A_1597 = arith.constant true
      %reduce_sum3A_1598 = vector.broadcast %reduce_sum3A_1597 : i1 to vector<16xi1>
      %reduce_sum3A_1599 = tpu.scan <sum>, %add3A_1593 masked %reduce_sum3A_1598 : vector<16xf32>, vector<16xi1> -> vector<16xf32>
      %reduce_sum3A_1600 = vector.extract %reduce_sum3A_1599[15] : f32 from vector<16xf32>
      %broadcast_in_dim3A_1601 = vector.broadcast %reduce_sum3A_1600 : f32 to vector<16xf32>
      %select_n3A_1602 = arith.select %eq3A_1596, %broadcast_in_dim3A_1601, %select_n3A_1493 : vector<16xi1>, vector<16xf32>
      %mul3A_1603 = arith.constant 16 : i32
      %mul3A_1604 = arith.muli %scan3A_57, %mul3A_1603 : i32
      %add3A_1605 = arith.constant 13 : i32
      %add3A_1606 = arith.addi %mul3A_1604, %add3A_1605 : i32
      %dma_wait3A_1607 = arith.constant 1 : i32
      %dma_wait3A_1608 = arith.constant 0 : i32
      %dma_wait3A_1609 = arith.constant 0 : i32
      %dma_wait3A_1610 = tpu.memref_slice %arg12[%dma_wait3A_1607, %dma_wait3A_1608, %dma_wait3A_1609] : memref<4x64x128xf32, #tpu.memory_space<vmem>> -> memref<1x64x128xf32, #tpu.memory_space<vmem>>
      %dma_wait3A_1611 = tpu.memref_squeeze %dma_wait3A_1610 : memref<1x64x128xf32, #tpu.memory_space<vmem>> -> memref<64x128xf32, #tpu.memory_space<vmem>>
      %dma_wait3A_1612 = arith.constant 0 : i32
      %dma_wait3A_1613 = tpu.memref_slice %arg4[%dma_wait3A_1612, %multiple_of3A_1286] : memref<64x1000000xf32, #tpu.memory_space<hbm>> -> memref<64x128xf32, #tpu.memory_space<hbm>>
      %dma_wait3A_1614 = arith.constant 0 : i32
      %dma_wait3A_1615 = arith.constant 0 : i32
      %dma_wait3A_1616 = tpu.memref_slice %arg12[%dma_wait3A_1607, %dma_wait3A_1614, %dma_wait3A_1615] : memref<4x64x128xf32, #tpu.memory_space<vmem>> -> memref<1x64x128xf32, #tpu.memory_space<vmem>>
      %dma_wait3A_1617 = tpu.memref_squeeze %dma_wait3A_1616 : memref<1x64x128xf32, #tpu.memory_space<vmem>> -> memref<64x128xf32, #tpu.memory_space<vmem>>
      %dma_wait3A_1618 = arith.constant 0 : i32
      %dma_wait3A_1619 = tpu.memref_slice %arg4[%dma_wait3A_1618, %multiple_of3A_1286] : memref<64x1000000xf32, #tpu.memory_space<hbm>> -> memref<64x128xf32, #tpu.memory_space<hbm>>
      tpu.wait_dma2 semaphore(%arg20 : memref<!tpu.dma_semaphore, #tpu.memory_space<semaphore_mem>>) src(%dma_wait3A_1619 : memref<64x128xf32, #tpu.memory_space<hbm>>) dst(%dma_wait3A_1617 : memref<64x128xf32, #tpu.memory_space<vmem>>)
      %dma_wait3A_1620 = arith.constant 1 : i32
      %dma_wait3A_1621 = arith.constant 0 : i32
      %dma_wait3A_1622 = arith.constant 0 : i32
      %dma_wait3A_1623 = tpu.memref_slice %arg13[%dma_wait3A_1620, %dma_wait3A_1621, %dma_wait3A_1622] : memref<4x64x128xf32, #tpu.memory_space<vmem>> -> memref<1x64x128xf32, #tpu.memory_space<vmem>>
      %dma_wait3A_1624 = tpu.memref_squeeze %dma_wait3A_1623 : memref<1x64x128xf32, #tpu.memory_space<vmem>> -> memref<64x128xf32, #tpu.memory_space<vmem>>
      %dma_wait3A_1625 = arith.constant 0 : i32
      %dma_wait3A_1626 = tpu.memref_slice %arg5[%dma_wait3A_1625, %multiple_of3A_1293] : memref<64x1000000xf32, #tpu.memory_space<hbm>> -> memref<64x128xf32, #tpu.memory_space<hbm>>
      %dma_wait3A_1627 = arith.constant 0 : i32
      %dma_wait3A_1628 = arith.constant 0 : i32
      %dma_wait3A_1629 = tpu.memref_slice %arg13[%dma_wait3A_1620, %dma_wait3A_1627, %dma_wait3A_1628] : memref<4x64x128xf32, #tpu.memory_space<vmem>> -> memref<1x64x128xf32, #tpu.memory_space<vmem>>
      %dma_wait3A_1630 = tpu.memref_squeeze %dma_wait3A_1629 : memref<1x64x128xf32, #tpu.memory_space<vmem>> -> memref<64x128xf32, #tpu.memory_space<vmem>>
      %dma_wait3A_1631 = arith.constant 0 : i32
      %dma_wait3A_1632 = tpu.memref_slice %arg5[%dma_wait3A_1631, %multiple_of3A_1293] : memref<64x1000000xf32, #tpu.memory_space<hbm>> -> memref<64x128xf32, #tpu.memory_space<hbm>>
      tpu.wait_dma2 semaphore(%arg24 : memref<!tpu.dma_semaphore, #tpu.memory_space<semaphore_mem>>) src(%dma_wait3A_1632 : memref<64x128xf32, #tpu.memory_space<hbm>>) dst(%dma_wait3A_1630 : memref<64x128xf32, #tpu.memory_space<vmem>>)
      %broadcast_in_dim3A_1633 = arith.constant 1 : i32
      %broadcast_in_dim3A_1634 = vector.broadcast %broadcast_in_dim3A_1633 : i32 to vector<16xi32>
      %slice3A_1635 = vector.extract_strided_slice %get3A_66 {offsets = [13], sizes = [1], strides = [1]} : vector<16xi32> to vector<1xi32>
      %squeeze3A_1636 = vector.extract %slice3A_1635[0] : i32 from vector<1xi32>
      %and3A_1637 = arith.constant 127 : i32
      %and3A_1638 = arith.andi %squeeze3A_1636, %and3A_1637 : i32
      %broadcast_in_dim3A_1639 = vector.broadcast %and3A_1638 : i32 to vector<16xi32>
      %slice3A_1640 = vector.extract_strided_slice %get3A_68 {offsets = [13], sizes = [1], strides = [1]} : vector<16xi32> to vector<1xi32>
      %squeeze3A_1641 = vector.extract %slice3A_1640[0] : i32 from vector<1xi32>
      %and3A_1642 = arith.constant 127 : i32
      %and3A_1643 = arith.andi %squeeze3A_1641, %and3A_1642 : i32
      %broadcast_in_dim3A_1644 = vector.broadcast %and3A_1643 : i32 to vector<16xi32>
      %broadcast_in_dim3A_1645 = arith.constant 0.000000e+00 : f32
      %broadcast_in_dim3A_1646 = vector.broadcast %broadcast_in_dim3A_1645 : f32 to vector<16xf32>
      %gather3A_1647 = tpu.vector_load_idx %arg12[%broadcast_in_dim3A_1634, %add3A_42, %broadcast_in_dim3A_1639] : memref<4x64x128xf32, #tpu.memory_space<vmem>>[vector<16xi32>, vector<16xi32>, vector<16xi32>], vector<16xf32>,
      %gather3A_1648 = tpu.vector_load_idx %arg13[%broadcast_in_dim3A_1634, %add3A_42, %broadcast_in_dim3A_1644] : memref<4x64x128xf32, #tpu.memory_space<vmem>>[vector<16xi32>, vector<16xi32>, vector<16xi32>], vector<16xf32>,
      %mul3A_1649 = arith.mulf %gather3A_1647, %gather3A_1648 : vector<16xf32>
      %add3A_1650 = arith.addf %broadcast_in_dim3A_1646, %mul3A_1649 : vector<16xf32>
      %gather3A_1651 = tpu.vector_load_idx %arg12[%broadcast_in_dim3A_1634, %add3A_45, %broadcast_in_dim3A_1639] : memref<4x64x128xf32, #tpu.memory_space<vmem>>[vector<16xi32>, vector<16xi32>, vector<16xi32>], vector<16xf32>,
      %gather3A_1652 = tpu.vector_load_idx %arg13[%broadcast_in_dim3A_1634, %add3A_45, %broadcast_in_dim3A_1644] : memref<4x64x128xf32, #tpu.memory_space<vmem>>[vector<16xi32>, vector<16xi32>, vector<16xi32>], vector<16xf32>,
      %mul3A_1653 = arith.mulf %gather3A_1651, %gather3A_1652 : vector<16xf32>
      %add3A_1654 = arith.addf %add3A_1650, %mul3A_1653 : vector<16xf32>
      %gather3A_1655 = tpu.vector_load_idx %arg12[%broadcast_in_dim3A_1634, %add3A_48, %broadcast_in_dim3A_1639] : memref<4x64x128xf32, #tpu.memory_space<vmem>>[vector<16xi32>, vector<16xi32>, vector<16xi32>], vector<16xf32>,
      %gather3A_1656 = tpu.vector_load_idx %arg13[%broadcast_in_dim3A_1634, %add3A_48, %broadcast_in_dim3A_1644] : memref<4x64x128xf32, #tpu.memory_space<vmem>>[vector<16xi32>, vector<16xi32>, vector<16xi32>], vector<16xf32>,
      %mul3A_1657 = arith.mulf %gather3A_1655, %gather3A_1656 : vector<16xf32>
      %add3A_1658 = arith.addf %add3A_1654, %mul3A_1657 : vector<16xf32>
      %gather3A_1659 = tpu.vector_load_idx %arg12[%broadcast_in_dim3A_1634, %add3A_51, %broadcast_in_dim3A_1639] : memref<4x64x128xf32, #tpu.memory_space<vmem>>[vector<16xi32>, vector<16xi32>, vector<16xi32>], vector<16xf32>,
      %gather3A_1660 = tpu.vector_load_idx %arg13[%broadcast_in_dim3A_1634, %add3A_51, %broadcast_in_dim3A_1644] : memref<4x64x128xf32, #tpu.memory_space<vmem>>[vector<16xi32>, vector<16xi32>, vector<16xi32>], vector<16xf32>,
      %mul3A_1661 = arith.mulf %gather3A_1659, %gather3A_1660 : vector<16xf32>
      %add3A_1662 = arith.addf %add3A_1658, %mul3A_1661 : vector<16xf32>
      %eq3A_1663 = arith.constant 13 : i32
      %eq3A_1664 = vector.broadcast %eq3A_1663 : i32 to vector<16xi32>
      %eq3A_1665 = arith.cmpi eq, %iota3A_39, %eq3A_1664 : vector<16xi32>
      %reduce_sum3A_1666 = arith.constant true
      %reduce_sum3A_1667 = vector.broadcast %reduce_sum3A_1666 : i1 to vector<16xi1>
      %reduce_sum3A_1668 = tpu.scan <sum>, %add3A_1662 masked %reduce_sum3A_1667 : vector<16xf32>, vector<16xi1> -> vector<16xf32>
      %reduce_sum3A_1669 = vector.extract %reduce_sum3A_1668[15] : f32 from vector<16xf32>
      %broadcast_in_dim3A_1670 = vector.broadcast %reduce_sum3A_1669 : f32 to vector<16xf32>
      %select_n3A_1671 = arith.select %eq3A_1665, %broadcast_in_dim3A_1670, %select_n3A_1602 : vector<16xi1>, vector<16xf32>
      %mul3A_1672 = arith.constant 16 : i32
      %mul3A_1673 = arith.muli %scan3A_57, %mul3A_1672 : i32
      %add3A_1674 = arith.constant 14 : i32
      %add3A_1675 = arith.addi %mul3A_1673, %add3A_1674 : i32
      %dma_wait3A_1676 = arith.constant 2 : i32
      %dma_wait3A_1677 = arith.constant 0 : i32
      %dma_wait3A_1678 = arith.constant 0 : i32
      %dma_wait3A_1679 = tpu.memref_slice %arg12[%dma_wait3A_1676, %dma_wait3A_1677, %dma_wait3A_1678] : memref<4x64x128xf32, #tpu.memory_space<vmem>> -> memref<1x64x128xf32, #tpu.memory_space<vmem>>
      %dma_wait3A_1680 = tpu.memref_squeeze %dma_wait3A_1679 : memref<1x64x128xf32, #tpu.memory_space<vmem>> -> memref<64x128xf32, #tpu.memory_space<vmem>>
      %dma_wait3A_1681 = arith.constant 0 : i32
      %dma_wait3A_1682 = tpu.memref_slice %arg4[%dma_wait3A_1681, %multiple_of3A_1395] : memref<64x1000000xf32, #tpu.memory_space<hbm>> -> memref<64x128xf32, #tpu.memory_space<hbm>>
      %dma_wait3A_1683 = arith.constant 0 : i32
      %dma_wait3A_1684 = arith.constant 0 : i32
      %dma_wait3A_1685 = tpu.memref_slice %arg12[%dma_wait3A_1676, %dma_wait3A_1683, %dma_wait3A_1684] : memref<4x64x128xf32, #tpu.memory_space<vmem>> -> memref<1x64x128xf32, #tpu.memory_space<vmem>>
      %dma_wait3A_1686 = tpu.memref_squeeze %dma_wait3A_1685 : memref<1x64x128xf32, #tpu.memory_space<vmem>> -> memref<64x128xf32, #tpu.memory_space<vmem>>
      %dma_wait3A_1687 = arith.constant 0 : i32
      %dma_wait3A_1688 = tpu.memref_slice %arg4[%dma_wait3A_1687, %multiple_of3A_1395] : memref<64x1000000xf32, #tpu.memory_space<hbm>> -> memref<64x128xf32, #tpu.memory_space<hbm>>
      tpu.wait_dma2 semaphore(%arg21 : memref<!tpu.dma_semaphore, #tpu.memory_space<semaphore_mem>>) src(%dma_wait3A_1688 : memref<64x128xf32, #tpu.memory_space<hbm>>) dst(%dma_wait3A_1686 : memref<64x128xf32, #tpu.memory_space<vmem>>)
      %dma_wait3A_1689 = arith.constant 2 : i32
      %dma_wait3A_1690 = arith.constant 0 : i32
      %dma_wait3A_1691 = arith.constant 0 : i32
      %dma_wait3A_1692 = tpu.memref_slice %arg13[%dma_wait3A_1689, %dma_wait3A_1690, %dma_wait3A_1691] : memref<4x64x128xf32, #tpu.memory_space<vmem>> -> memref<1x64x128xf32, #tpu.memory_space<vmem>>
      %dma_wait3A_1693 = tpu.memref_squeeze %dma_wait3A_1692 : memref<1x64x128xf32, #tpu.memory_space<vmem>> -> memref<64x128xf32, #tpu.memory_space<vmem>>
      %dma_wait3A_1694 = arith.constant 0 : i32
      %dma_wait3A_1695 = tpu.memref_slice %arg5[%dma_wait3A_1694, %multiple_of3A_1402] : memref<64x1000000xf32, #tpu.memory_space<hbm>> -> memref<64x128xf32, #tpu.memory_space<hbm>>
      %dma_wait3A_1696 = arith.constant 0 : i32
      %dma_wait3A_1697 = arith.constant 0 : i32
      %dma_wait3A_1698 = tpu.memref_slice %arg13[%dma_wait3A_1689, %dma_wait3A_1696, %dma_wait3A_1697] : memref<4x64x128xf32, #tpu.memory_space<vmem>> -> memref<1x64x128xf32, #tpu.memory_space<vmem>>
      %dma_wait3A_1699 = tpu.memref_squeeze %dma_wait3A_1698 : memref<1x64x128xf32, #tpu.memory_space<vmem>> -> memref<64x128xf32, #tpu.memory_space<vmem>>
      %dma_wait3A_1700 = arith.constant 0 : i32
      %dma_wait3A_1701 = tpu.memref_slice %arg5[%dma_wait3A_1700, %multiple_of3A_1402] : memref<64x1000000xf32, #tpu.memory_space<hbm>> -> memref<64x128xf32, #tpu.memory_space<hbm>>
      tpu.wait_dma2 semaphore(%arg25 : memref<!tpu.dma_semaphore, #tpu.memory_space<semaphore_mem>>) src(%dma_wait3A_1701 : memref<64x128xf32, #tpu.memory_space<hbm>>) dst(%dma_wait3A_1699 : memref<64x128xf32, #tpu.memory_space<vmem>>)
      %broadcast_in_dim3A_1702 = arith.constant 2 : i32
      %broadcast_in_dim3A_1703 = vector.broadcast %broadcast_in_dim3A_1702 : i32 to vector<16xi32>
      %slice3A_1704 = vector.extract_strided_slice %get3A_66 {offsets = [14], sizes = [1], strides = [1]} : vector<16xi32> to vector<1xi32>
      %squeeze3A_1705 = vector.extract %slice3A_1704[0] : i32 from vector<1xi32>
      %and3A_1706 = arith.constant 127 : i32
      %and3A_1707 = arith.andi %squeeze3A_1705, %and3A_1706 : i32
      %broadcast_in_dim3A_1708 = vector.broadcast %and3A_1707 : i32 to vector<16xi32>
      %slice3A_1709 = vector.extract_strided_slice %get3A_68 {offsets = [14], sizes = [1], strides = [1]} : vector<16xi32> to vector<1xi32>
      %squeeze3A_1710 = vector.extract %slice3A_1709[0] : i32 from vector<1xi32>
      %and3A_1711 = arith.constant 127 : i32
      %and3A_1712 = arith.andi %squeeze3A_1710, %and3A_1711 : i32
      %broadcast_in_dim3A_1713 = vector.broadcast %and3A_1712 : i32 to vector<16xi32>
      %broadcast_in_dim3A_1714 = arith.constant 0.000000e+00 : f32
      %broadcast_in_dim3A_1715 = vector.broadcast %broadcast_in_dim3A_1714 : f32 to vector<16xf32>
      %gather3A_1716 = tpu.vector_load_idx %arg12[%broadcast_in_dim3A_1703, %add3A_42, %broadcast_in_dim3A_1708] : memref<4x64x128xf32, #tpu.memory_space<vmem>>[vector<16xi32>, vector<16xi32>, vector<16xi32>], vector<16xf32>,
      %gather3A_1717 = tpu.vector_load_idx %arg13[%broadcast_in_dim3A_1703, %add3A_42, %broadcast_in_dim3A_1713] : memref<4x64x128xf32, #tpu.memory_space<vmem>>[vector<16xi32>, vector<16xi32>, vector<16xi32>], vector<16xf32>,
      %mul3A_1718 = arith.mulf %gather3A_1716, %gather3A_1717 : vector<16xf32>
      %add3A_1719 = arith.addf %broadcast_in_dim3A_1715, %mul3A_1718 : vector<16xf32>
      %gather3A_1720 = tpu.vector_load_idx %arg12[%broadcast_in_dim3A_1703, %add3A_45, %broadcast_in_dim3A_1708] : memref<4x64x128xf32, #tpu.memory_space<vmem>>[vector<16xi32>, vector<16xi32>, vector<16xi32>], vector<16xf32>,
      %gather3A_1721 = tpu.vector_load_idx %arg13[%broadcast_in_dim3A_1703, %add3A_45, %broadcast_in_dim3A_1713] : memref<4x64x128xf32, #tpu.memory_space<vmem>>[vector<16xi32>, vector<16xi32>, vector<16xi32>], vector<16xf32>,
      %mul3A_1722 = arith.mulf %gather3A_1720, %gather3A_1721 : vector<16xf32>
      %add3A_1723 = arith.addf %add3A_1719, %mul3A_1722 : vector<16xf32>
      %gather3A_1724 = tpu.vector_load_idx %arg12[%broadcast_in_dim3A_1703, %add3A_48, %broadcast_in_dim3A_1708] : memref<4x64x128xf32, #tpu.memory_space<vmem>>[vector<16xi32>, vector<16xi32>, vector<16xi32>], vector<16xf32>,
      %gather3A_1725 = tpu.vector_load_idx %arg13[%broadcast_in_dim3A_1703, %add3A_48, %broadcast_in_dim3A_1713] : memref<4x64x128xf32, #tpu.memory_space<vmem>>[vector<16xi32>, vector<16xi32>, vector<16xi32>], vector<16xf32>,
      %mul3A_1726 = arith.mulf %gather3A_1724, %gather3A_1725 : vector<16xf32>
      %add3A_1727 = arith.addf %add3A_1723, %mul3A_1726 : vector<16xf32>
      %gather3A_1728 = tpu.vector_load_idx %arg12[%broadcast_in_dim3A_1703, %add3A_51, %broadcast_in_dim3A_1708] : memref<4x64x128xf32, #tpu.memory_space<vmem>>[vector<16xi32>, vector<16xi32>, vector<16xi32>], vector<16xf32>,
      %gather3A_1729 = tpu.vector_load_idx %arg13[%broadcast_in_dim3A_1703, %add3A_51, %broadcast_in_dim3A_1713] : memref<4x64x128xf32, #tpu.memory_space<vmem>>[vector<16xi32>, vector<16xi32>, vector<16xi32>], vector<16xf32>,
      %mul3A_1730 = arith.mulf %gather3A_1728, %gather3A_1729 : vector<16xf32>
      %add3A_1731 = arith.addf %add3A_1727, %mul3A_1730 : vector<16xf32>
      %eq3A_1732 = arith.constant 14 : i32
      %eq3A_1733 = vector.broadcast %eq3A_1732 : i32 to vector<16xi32>
      %eq3A_1734 = arith.cmpi eq, %iota3A_39, %eq3A_1733 : vector<16xi32>
      %reduce_sum3A_1735 = arith.constant true
      %reduce_sum3A_1736 = vector.broadcast %reduce_sum3A_1735 : i1 to vector<16xi1>
      %reduce_sum3A_1737 = tpu.scan <sum>, %add3A_1731 masked %reduce_sum3A_1736 : vector<16xf32>, vector<16xi1> -> vector<16xf32>
      %reduce_sum3A_1738 = vector.extract %reduce_sum3A_1737[15] : f32 from vector<16xf32>
      %broadcast_in_dim3A_1739 = vector.broadcast %reduce_sum3A_1738 : f32 to vector<16xf32>
      %select_n3A_1740 = arith.select %eq3A_1734, %broadcast_in_dim3A_1739, %select_n3A_1671 : vector<16xi1>, vector<16xf32>
      %mul3A_1741 = arith.constant 16 : i32
      %mul3A_1742 = arith.muli %scan3A_57, %mul3A_1741 : i32
      %add3A_1743 = arith.constant 15 : i32
      %add3A_1744 = arith.addi %mul3A_1742, %add3A_1743 : i32
      %dma_wait3A_1745 = arith.constant 3 : i32
      %dma_wait3A_1746 = arith.constant 0 : i32
      %dma_wait3A_1747 = arith.constant 0 : i32
      %dma_wait3A_1748 = tpu.memref_slice %arg12[%dma_wait3A_1745, %dma_wait3A_1746, %dma_wait3A_1747] : memref<4x64x128xf32, #tpu.memory_space<vmem>> -> memref<1x64x128xf32, #tpu.memory_space<vmem>>
      %dma_wait3A_1749 = tpu.memref_squeeze %dma_wait3A_1748 : memref<1x64x128xf32, #tpu.memory_space<vmem>> -> memref<64x128xf32, #tpu.memory_space<vmem>>
      %dma_wait3A_1750 = arith.constant 0 : i32
      %dma_wait3A_1751 = tpu.memref_slice %arg4[%dma_wait3A_1750, %multiple_of3A_1504] : memref<64x1000000xf32, #tpu.memory_space<hbm>> -> memref<64x128xf32, #tpu.memory_space<hbm>>
      %dma_wait3A_1752 = arith.constant 0 : i32
      %dma_wait3A_1753 = arith.constant 0 : i32
      %dma_wait3A_1754 = tpu.memref_slice %arg12[%dma_wait3A_1745, %dma_wait3A_1752, %dma_wait3A_1753] : memref<4x64x128xf32, #tpu.memory_space<vmem>> -> memref<1x64x128xf32, #tpu.memory_space<vmem>>
      %dma_wait3A_1755 = tpu.memref_squeeze %dma_wait3A_1754 : memref<1x64x128xf32, #tpu.memory_space<vmem>> -> memref<64x128xf32, #tpu.memory_space<vmem>>
      %dma_wait3A_1756 = arith.constant 0 : i32
      %dma_wait3A_1757 = tpu.memref_slice %arg4[%dma_wait3A_1756, %multiple_of3A_1504] : memref<64x1000000xf32, #tpu.memory_space<hbm>> -> memref<64x128xf32, #tpu.memory_space<hbm>>
      tpu.wait_dma2 semaphore(%arg22 : memref<!tpu.dma_semaphore, #tpu.memory_space<semaphore_mem>>) src(%dma_wait3A_1757 : memref<64x128xf32, #tpu.memory_space<hbm>>) dst(%dma_wait3A_1755 : memref<64x128xf32, #tpu.memory_space<vmem>>)
      %dma_wait3A_1758 = arith.constant 3 : i32
      %dma_wait3A_1759 = arith.constant 0 : i32
      %dma_wait3A_1760 = arith.constant 0 : i32
      %dma_wait3A_1761 = tpu.memref_slice %arg13[%dma_wait3A_1758, %dma_wait3A_1759, %dma_wait3A_1760] : memref<4x64x128xf32, #tpu.memory_space<vmem>> -> memref<1x64x128xf32, #tpu.memory_space<vmem>>
      %dma_wait3A_1762 = tpu.memref_squeeze %dma_wait3A_1761 : memref<1x64x128xf32, #tpu.memory_space<vmem>> -> memref<64x128xf32, #tpu.memory_space<vmem>>
      %dma_wait3A_1763 = arith.constant 0 : i32
      %dma_wait3A_1764 = tpu.memref_slice %arg5[%dma_wait3A_1763, %multiple_of3A_1511] : memref<64x1000000xf32, #tpu.memory_space<hbm>> -> memref<64x128xf32, #tpu.memory_space<hbm>>
      %dma_wait3A_1765 = arith.constant 0 : i32
      %dma_wait3A_1766 = arith.constant 0 : i32
      %dma_wait3A_1767 = tpu.memref_slice %arg13[%dma_wait3A_1758, %dma_wait3A_1765, %dma_wait3A_1766] : memref<4x64x128xf32, #tpu.memory_space<vmem>> -> memref<1x64x128xf32, #tpu.memory_space<vmem>>
      %dma_wait3A_1768 = tpu.memref_squeeze %dma_wait3A_1767 : memref<1x64x128xf32, #tpu.memory_space<vmem>> -> memref<64x128xf32, #tpu.memory_space<vmem>>
      %dma_wait3A_1769 = arith.constant 0 : i32
      %dma_wait3A_1770 = tpu.memref_slice %arg5[%dma_wait3A_1769, %multiple_of3A_1511] : memref<64x1000000xf32, #tpu.memory_space<hbm>> -> memref<64x128xf32, #tpu.memory_space<hbm>>
      tpu.wait_dma2 semaphore(%arg26 : memref<!tpu.dma_semaphore, #tpu.memory_space<semaphore_mem>>) src(%dma_wait3A_1770 : memref<64x128xf32, #tpu.memory_space<hbm>>) dst(%dma_wait3A_1768 : memref<64x128xf32, #tpu.memory_space<vmem>>)
      %broadcast_in_dim3A_1771 = arith.constant 3 : i32
      %broadcast_in_dim3A_1772 = vector.broadcast %broadcast_in_dim3A_1771 : i32 to vector<16xi32>
      %slice3A_1773 = vector.extract_strided_slice %get3A_66 {offsets = [15], sizes = [1], strides = [1]} : vector<16xi32> to vector<1xi32>
      %squeeze3A_1774 = vector.extract %slice3A_1773[0] : i32 from vector<1xi32>
      %and3A_1775 = arith.constant 127 : i32
      %and3A_1776 = arith.andi %squeeze3A_1774, %and3A_1775 : i32
      %broadcast_in_dim3A_1777 = vector.broadcast %and3A_1776 : i32 to vector<16xi32>
      %slice3A_1778 = vector.extract_strided_slice %get3A_68 {offsets = [15], sizes = [1], strides = [1]} : vector<16xi32> to vector<1xi32>
      %squeeze3A_1779 = vector.extract %slice3A_1778[0] : i32 from vector<1xi32>
      %and3A_1780 = arith.constant 127 : i32
      %and3A_1781 = arith.andi %squeeze3A_1779, %and3A_1780 : i32
      %broadcast_in_dim3A_1782 = vector.broadcast %and3A_1781 : i32 to vector<16xi32>
      %broadcast_in_dim3A_1783 = arith.constant 0.000000e+00 : f32
      %broadcast_in_dim3A_1784 = vector.broadcast %broadcast_in_dim3A_1783 : f32 to vector<16xf32>
      %gather3A_1785 = tpu.vector_load_idx %arg12[%broadcast_in_dim3A_1772, %add3A_42, %broadcast_in_dim3A_1777] : memref<4x64x128xf32, #tpu.memory_space<vmem>>[vector<16xi32>, vector<16xi32>, vector<16xi32>], vector<16xf32>,
      %gather3A_1786 = tpu.vector_load_idx %arg13[%broadcast_in_dim3A_1772, %add3A_42, %broadcast_in_dim3A_1782] : memref<4x64x128xf32, #tpu.memory_space<vmem>>[vector<16xi32>, vector<16xi32>, vector<16xi32>], vector<16xf32>,
      %mul3A_1787 = arith.mulf %gather3A_1785, %gather3A_1786 : vector<16xf32>
      %add3A_1788 = arith.addf %broadcast_in_dim3A_1784, %mul3A_1787 : vector<16xf32>
      %gather3A_1789 = tpu.vector_load_idx %arg12[%broadcast_in_dim3A_1772, %add3A_45, %broadcast_in_dim3A_1777] : memref<4x64x128xf32, #tpu.memory_space<vmem>>[vector<16xi32>, vector<16xi32>, vector<16xi32>], vector<16xf32>,
      %gather3A_1790 = tpu.vector_load_idx %arg13[%broadcast_in_dim3A_1772, %add3A_45, %broadcast_in_dim3A_1782] : memref<4x64x128xf32, #tpu.memory_space<vmem>>[vector<16xi32>, vector<16xi32>, vector<16xi32>], vector<16xf32>,
      %mul3A_1791 = arith.mulf %gather3A_1789, %gather3A_1790 : vector<16xf32>
      %add3A_1792 = arith.addf %add3A_1788, %mul3A_1791 : vector<16xf32>
      %gather3A_1793 = tpu.vector_load_idx %arg12[%broadcast_in_dim3A_1772, %add3A_48, %broadcast_in_dim3A_1777] : memref<4x64x128xf32, #tpu.memory_space<vmem>>[vector<16xi32>, vector<16xi32>, vector<16xi32>], vector<16xf32>,
      %gather3A_1794 = tpu.vector_load_idx %arg13[%broadcast_in_dim3A_1772, %add3A_48, %broadcast_in_dim3A_1782] : memref<4x64x128xf32, #tpu.memory_space<vmem>>[vector<16xi32>, vector<16xi32>, vector<16xi32>], vector<16xf32>,
      %mul3A_1795 = arith.mulf %gather3A_1793, %gather3A_1794 : vector<16xf32>
      %add3A_1796 = arith.addf %add3A_1792, %mul3A_1795 : vector<16xf32>
      %gather3A_1797 = tpu.vector_load_idx %arg12[%broadcast_in_dim3A_1772, %add3A_51, %broadcast_in_dim3A_1777] : memref<4x64x128xf32, #tpu.memory_space<vmem>>[vector<16xi32>, vector<16xi32>, vector<16xi32>], vector<16xf32>,
      %gather3A_1798 = tpu.vector_load_idx %arg13[%broadcast_in_dim3A_1772, %add3A_51, %broadcast_in_dim3A_1782] : memref<4x64x128xf32, #tpu.memory_space<vmem>>[vector<16xi32>, vector<16xi32>, vector<16xi32>], vector<16xf32>,
      %mul3A_1799 = arith.mulf %gather3A_1797, %gather3A_1798 : vector<16xf32>
      %add3A_1800 = arith.addf %add3A_1796, %mul3A_1799 : vector<16xf32>
      %eq3A_1801 = arith.constant 15 : i32
      %eq3A_1802 = vector.broadcast %eq3A_1801 : i32 to vector<16xi32>
      %eq3A_1803 = arith.cmpi eq, %iota3A_39, %eq3A_1802 : vector<16xi32>
      %reduce_sum3A_1804 = arith.constant true
      %reduce_sum3A_1805 = vector.broadcast %reduce_sum3A_1804 : i1 to vector<16xi1>
      %reduce_sum3A_1806 = tpu.scan <sum>, %add3A_1800 masked %reduce_sum3A_1805 : vector<16xf32>, vector<16xi1> -> vector<16xf32>
      %reduce_sum3A_1807 = vector.extract %reduce_sum3A_1806[15] : f32 from vector<16xf32>
      %broadcast_in_dim3A_1808 = vector.broadcast %reduce_sum3A_1807 : f32 to vector<16xf32>
      %select_n3A_1809 = arith.select %eq3A_1803, %broadcast_in_dim3A_1808, %select_n3A_1740 : vector<16xi1>, vector<16xf32>
      %get3A_1810 = arith.index_cast %multiple_of3A : i32 to index
      %get3A_1811 = tpu.vector_load %arg14[%get3A_1810] {strides = array<i32>} : memref<512xf32, #tpu.memory_space<vmem>>, vector<16xf32>,
      %add3A_1812 = arith.addf %select_n3A_1809, %get3A_1811 : vector<16xf32>
      %get3A_1813 = arith.index_cast %multiple_of3A : i32 to index
      %get3A_1814 = tpu.vector_load %arg15[%get3A_1813] {strides = array<i32>} : memref<512xf32, #tpu.memory_space<vmem>>, vector<16xf32>,
      %add3A_1815 = arith.addf %add3A_1812, %get3A_1814 : vector<16xf32>
      %swap3A_1816 = arith.index_cast %multiple_of3A : i32 to index
      %swap3A_1817 = tpu.vector_load %arg16[%swap3A_1816] {strides = array<i32>} : memref<512xf32, #tpu.memory_space<vmem>>, vector<16xf32>,
      tpu.vector_store %arg16[%swap3A_1816], %add3A_1815 {strides = array<i32>} : memref<512xf32, #tpu.memory_space<vmem>>, vector<16xf32>,
    }
    %scan3A_56 = arith.constant 32 : i32
    "tpu.region"() ({
      %run_scoped3A = tpu.sem_alloc : memref<!tpu.dma_semaphore, #tpu.memory_space<semaphore_mem>>
      %dma_start3A_57 = tpu.memref_slice %arg8[%mul3A_2] : memref<16384xf32, #tpu.memory_space<hbm>> -> memref<512xf32, #tpu.memory_space<hbm>>
      %dma_start3A_58 = tpu.memref_slice %arg8[%mul3A_2] : memref<16384xf32, #tpu.memory_space<hbm>> -> memref<512xf32, #tpu.memory_space<hbm>>
      tpu.enqueue_dma source(%arg16 : memref<512xf32, #tpu.memory_space<vmem>>) target(%dma_start3A_58 : memref<512xf32, #tpu.memory_space<hbm>>) target_semaphore(%run_scoped3A : memref<!tpu.dma_semaphore, #tpu.memory_space<semaphore_mem>>)
      %dma_wait3A_59 = tpu.memref_slice %arg8[%mul3A_2] : memref<16384xf32, #tpu.memory_space<hbm>> -> memref<512xf32, #tpu.memory_space<hbm>>
      %dma_wait3A_60 = tpu.memref_slice %arg8[%mul3A_2] : memref<16384xf32, #tpu.memory_space<hbm>> -> memref<512xf32, #tpu.memory_space<hbm>>
      tpu.wait_dma2 semaphore(%run_scoped3A : memref<!tpu.dma_semaphore, #tpu.memory_space<semaphore_mem>>) src(%arg16 : memref<512xf32, #tpu.memory_space<vmem>>) dst(%dma_wait3A_60 : memref<512xf32, #tpu.memory_space<hbm>>)
      tpu.yield
    }) : () -> ()
    return
  }
}

</mosaic_0001>

<sc_bundles>
// kernel: kernel.3.cloned.1.call-start
scs
__scs_entry_jumppad:
0x0: {  	(pc) =	sbr.rel $0x88, $3  }
0x1: {  	(tag) =	ssettag $0x0;
	lr =	simm.s32 $0x1  }
0x2: {  	[smem:$0x3F9B] =	sst lr;
	_ =	strace $0xD0000000  }
0x3: {  	_ = 	snop  }
0x4: {  	_ = 	snop  }
0x5: {  	_ = 	snop  }
0x6: {  	_ = 	snop  }
0x7: {  	_ = 	snop  }
__scs_overlays_trampoline_lowered:
0x8: {  	[smem:$0x3FAA] =	sst s0  }
0x9: {  	[smem:$0x3FAB] =	sst s1  }
0xa: {  	[smem:$0x3FAC] =	sst s2  }
0xb: {  	[smem:$0x3FAD] =	sst s3  }
0xc: {  	[smem:$0x3FAE] =	sst s4  }
0xd: {  	[smem:$0x3FAF] =	sst s5  }
0xe: {  	[smem:$0x3FB0] =	sst s6  }
0xf: {  	[smem:$0x3FB1] =	sst s7  }
0x10: {  	[smem:$0x3FB2] =	sst s8  }
0x11: {  	[smem:$0x3FB3] =	sst s9;
	s0 =	simm.s32 @!p0 $0x0  }
0x12: {  	s1 =	sld [smem:$0x3F99];
	s0 =	simm.s32 @p0 $0x1  }
0x13: {  	[smem:$0x3FB4] =	sst s0;
	s0 =	simm.s32 @!p1 $0x0  }
0x14: {  	s2 =	sld [smem:$0x3F98];
	s0 =	simm.s32 @p1 $0x1  }
0x15: {  	[smem:$0x3FB5] =	sst s0;
	s0 =	simm.s32 @!p2 $0x0  }
0x16: {  	s3 =	sld [smem:$0x3FDB];
	s0 =	simm.s32 @p2 $0x1  }
0x17: {  	s4 =	simm.s32 $0x1BF5;
	[smem:$0x3FB7] =	sst s0  }
0x18: {  	s0 =	sld [smem:$0x3F9A];
	_ =	swait.ge [sflag:s4], $0x0  }
0x19: {  	s7 =	sld [smem:$0x3F9B]  }
0x1a: {  	s8 =	sadd.s32 $0xFFFFE003, lr  }
0x1b: {  	s9 =	sadd.s32 $0xFFFFFEF7, lr;
	s5 =	simm.s32 $0xFFFFFFFF;
	p2 =	slt.u32 s8, $0xFFFFF086  }
0x1c: {  	p1 =	slt.u32 s9, $0xF7A;
	s5 =	simm.s32 @!p2 $0x0  }
0x1d: {  	s5 =	simm.s32 @p1 $0x1;
	p0 =	seq.s32 s7, s2  }
0x1e: {  	s7 =	smul.u32 @!p0 $0xF7A, s2;
	p2 =	seq.s32 @!p0 s5, $0x0  }
0x1f: {  	s9 =	smul.u32 $0xF7A, s1;
	s8 =	simm.s32 @!p0 $0x1BF5;
	p2 =	por !p2, p0  }
0x20: {  	[sflag:s8] =	ssyncset.s32 @!p0 $0xFFFFF086;
	s6 =	sadd.s32 @!p0 s3, s7;
	s7 =	simm.s32 @!p0 $0x108  }
0x21: {  	s3 =	sadd.s32 s3, s9;
	s6 =	sadd.s32 @!p0 $0x88, s6;
	s7 =	simm.s32 @p2 $0x1082  }
0x22: {  	[simem:s7], [sflag:s8] =	dma.local @!p0 [hbm:s6], $0xF7A  }
0x23: {  	s9 =	sor.u32 $0xD0000000, s2;
	s6 =	simm.s32 $0x108;
	_ =	swait.ge @!p0 [sflag:s8], $0x0  }
0x24: {  	s3 =	sadd.s32 $0x88, s3;
	s6 =	simm.s32 @!p1 $0x1082;
	[sflag:s4] =	ssyncset.s32 $0xFFFFF086  }
0x25: {  	[simem:s6], [sflag:s4] =	dma.local [hbm:s3], $0xF7A  }
0x26: {  	[smem:$0x3F9B] =	sst s1;
	(tag) =	ssettag s2;
	_ =	strace s9  }
0x27: {  	s1 =	sld [smem:$0x3FAB]  }
0x28: {  	s2 =	sld [smem:$0x3FAC]  }
0x29: {  	s4 =	sld [smem:$0x3FAE]  }
0x2a: {  	p0 =	seq.s32 s5, $0x0;
	s5 =	sld [smem:$0x3FAF]  }
0x2b: {  	s6 =	sld [smem:$0x3FB0]  }
0x2c: {  	s7 =	sld [smem:$0x3FB1]  }
0x2d: {  	s3 =	simm.s32 $0x108;
	s8 =	sld [smem:$0x3FB2]  }
0x2e: {  	s3 =	simm.s32 @!p0 $0x1082;
	s9 =	sld [smem:$0x3FB3]  }
0x2f: {  	lr =	sadd.s32 s0, s3;
	s0 =	sld [smem:$0x3FAA]  }
0x30: {  	s3 =	sld [smem:$0x3FAD]  }
0x31: {  	[smem:$0x3FB6] =	sst s10  }
0x32: {  	s10 =	sld [smem:$0x3FB4];
	_ =	sdelay $0x3  }
0x33: {  	p0 =	seq.s32 s10, $0x1;
	s10 =	sld [smem:$0x3FB6];
	_ =	sdelay $0x3  }
0x34: {  	[smem:$0x3FB6] =	sst s10  }
0x35: {  	s10 =	sld [smem:$0x3FB5];
	_ =	sdelay $0x3  }
0x36: {  	p1 =	seq.s32 s10, $0x1;
	s10 =	sld [smem:$0x3FB6];
	_ =	sdelay $0x3  }
0x37: {  	[smem:$0x3FB6] =	sst s10  }
0x38: {  	s10 =	sld [smem:$0x3FB7]  }
0x39: {  	_ = 	snop;
	(pc) =	sbr.ind lr, $3  }
0x3a: {  	_ = 	snop  }
0x3b: {  	_ = 	snop  }
0x3c: {  	p2 =	seq.s32 s10, $0x1;
	s10 =	sld [smem:$0x3FB6]  }
0x3d: {  	_ =	shalt  }
0x3e: {  	_ =	shalt  }
0x3f: {  	_ =	shalt  }
0x40: {  	_ =	shalt  }
0x41: {  	_ =	shalt  }
0x42: {  	_ =	shalt  }
0x43: {  	_ =	shalt  }
0x44: {  	_ =	shalt  }
0x45: {  	_ =	shalt  }
0x46: {  	_ =	shalt  }
0x47: {  	_ =	shalt  }
0x48: {  	_ =	shalt  }
0x49: {  	_ =	shalt  }
0x4a: {  	_ =	shalt  }
0x4b: {  	_ =	shalt  }
0x4c: {  	_ =	shalt  }
0x4d: {  	_ =	shalt  }
0x4e: {  	_ =	shalt  }
0x4f: {  	_ =	shalt  }
0x50: {  	_ =	shalt  }
0x51: {  	_ =	shalt  }
0x52: {  	_ =	shalt  }
0x53: {  	_ =	shalt  }
0x54: {  	_ =	shalt  }
0x55: {  	_ =	shalt  }
0x56: {  	_ =	shalt  }
0x57: {  	_ =	shalt  }
0x58: {  	_ =	shalt  }
0x59: {  	_ =	shalt  }
0x5a: {  	_ =	shalt  }
0x5b: {  	_ =	shalt  }
0x5c: {  	_ =	shalt  }
0x5d: {  	_ =	shalt  }
0x5e: {  	_ =	shalt  }
0x5f: {  	_ =	shalt  }
0x60: {  	_ =	shalt  }
0x61: {  	_ =	shalt  }
0x62: {  	_ =	shalt  }
0x63: {  	_ =	shalt  }
0x64: {  	_ =	shalt  }
0x65: {  	_ =	shalt  }
0x66: {  	_ =	shalt  }
0x67: {  	_ =	shalt  }
0x68: {  	_ =	shalt  }
0x69: {  	_ =	shalt  }
0x6a: {  	_ =	shalt  }
0x6b: {  	_ =	shalt  }
0x6c: {  	_ =	shalt  }
0x6d: {  	_ =	shalt  }
0x6e: {  	_ =	shalt  }
0x6f: {  	_ =	shalt  }
0x70: {  	_ =	shalt  }
0x71: {  	_ =	shalt  }
0x72: {  	_ =	shalt  }
0x73: {  	_ =	shalt  }
0x74: {  	_ =	shalt  }
0x75: {  	_ =	shalt  }
0x76: {  	_ =	shalt  }
0x77: {  	_ =	shalt  }
0x78: {  	_ =	shalt  }
0x79: {  	_ =	shalt  }
0x7a: {  	_ =	shalt  }
0x7b: {  	_ =	shalt  }
0x7c: {  	_ =	shalt  }
0x7d: {  	_ =	shalt  }
0x7e: {  	_ =	shalt  }
0x7f: {  	_ =	shalt  }
0x80: {  	_ =	shalt  }
0x81: {  	_ =	shalt  }
0x82: {  	_ =	shalt  }
0x83: {  	_ =	shalt  }
0x84: {  	_ =	shalt  }
0x85: {  	_ =	shalt  }
0x86: {  	_ =	shalt  }
0x87: {  	_ =	shalt  }
.Lfunc_end0:
.L_simem_size_0:
called_computation_lowered:
.L_overlay_start_0:
0x88: {  	s2 =	sld [smem:$0x3FD9]  }
0x89: {  	s3 =	sld [smem:$0x3FFE];
	_ =	sdelay $0x1  }
0x8a: {  	s1 =	srdreg.scid  }
0x8b: {  	s0 =	sand.u32 $0x1, s1  }
0x8c: {  	s18 =	sshll.u32 s0, $0xA;
	s2 =	sadd.s32 s3, s2  }
0x8d: {  	s2 =	sadd.s32 s2, s18  }
0x8e: {  	[smem:$0x3FC2] =	sst s2  }
0x8f: {  	_ = 	snop  }
0x90: {  	s2 =	sld [smem:$0x3FC9]  }
0x91: {  	s19 =	sld [smem:$0x3FC8]  }
0x92: {  	s4 =	sld [smem:$0x3FC7]  }
0x93: {  	s5 =	sld [smem:$0x3FC6]  }
0x94: {  	s6 =	sld [smem:$0x3FC5]  }
0x95: {  	s7 =	sld [smem:$0x3FC4]  }
0x96: {  	s8 =	sld [smem:$0x3FD0];
	(tm) =	ssettm $0x1  }
0x97: {  	s9 =	sld [smem:$0x3FFB];
	_ =	sdelay $0x3  }
0x98: {  	_ =	strace s9  }
0x99: {  	s9 =	sld [smem:$0x3FFC];
	_ =	sdelay $0x3  }
0x9a: {  	_ =	strace s9  }
0x9b: {  	s9 =	sld [smem:$0x3FFD];
	_ =	sdelay $0x3  }
0x9c: {  	_ =	strace s9  }
0x9d: {  	_ =	strace $0x8FFFFFFF  }
0x9e: {  	s20 =	sld [smem:$0x3FDB];
	_ =	sdelay $0x1  }
0x9f: {  	s10 =	simm.s32 $_scs_section_size  }
0xa0: {  	s11 =	simm.s32 $_size__tile_overlayer_lowered;
	s12 =	simm.s32 $_tile_overlayer_lowered  }
0xa1: {  	s23 =	simm.s32 $0x1BFF;
	s22 =	sshll.u32 s12, $0x1;
	s9 =	sadd.s32 s10, s20  }
0xa2: {  	s13 =	simm.s32 $0x0;
	s21 =	sshll.u32 s11, $0x1;
	s11 =	sadd.s32 s22, s9  }
0xa3: {  	[timem:s13], [sflag:s23] =	dma.local [hbm:s11], s21  }
0xa4: {  	_ =	swait.ge [sflag:s23], s21  }
0xa5: {  	s10 =	ssub.s32 $0x0, s21;
	[sflag:s23] =	ssyncset.done $0x0  }
0xa6: {  	[sflag:s23] =	ssyncadd.s32 s10;
	_ =	sdelay $0x1  }
0xa7: {  	s24 =	simm.s32 $0x1B8B  }
0xa8: {  	_ =	swait.ge [sflag:s24], $0x1  }
0xa9: {  	[sflag:s24] =	ssyncset.done $0x0  }
0xaa: {  	s25 =	simm.s32 $0x1B8E;
	[sflag:s24] =	ssyncadd.s32 $0xFFFFFFFF  }
0xab: {  	s26 =	simm.s32 $execute0_lowered;
	[smem:$0x3FD2] =	sst s25  }
0xac: {  	s10 =	sshll.u32 s26, $0x1;
	_ =	strace $0x80000046;
	[dreg:$0x1] =	wrdreg $0xFFFFFFFF  }
0xad: {  	s28 =	simm.s32 $_size_execute0_lowered;
	s9 =	sadd.s32 s9, s10;
	[dreg:$0x0] =	wrdreg $0x0  }
0xae: {  	s10 =	sshll.u32 s28, $0x1;
	[dreg:$0x2] =	wrdreg s9  }
0xaf: {  	[dreg:$0x3] =	wrdreg s10  }
0xb0: {  	[dreg:$0x4] =	wrdreg $0xC0  }
0xb1: {  	_ =	task [dreg:s13], $0x5FFFF  }
0xb2: {  	[dreg:$0x1] =	wrdreg $0xFFFFFFFF  }
0xb3: {  	[dreg:$0x0] =	wrdreg $0x60  }
0xb4: {  	[dreg:$0x2] =	wrdreg s2  }
0xb5: {  	[dreg:$0x3] =	wrdreg s19  }
0xb6: {  	[dreg:$0x4] =	wrdreg s4  }
0xb7: {  	[dreg:$0x5] =	wrdreg s5  }
0xb8: {  	[dreg:$0x6] =	wrdreg s6  }
0xb9: {  	[dreg:$0x7] =	wrdreg s7  }
0xba: {  	[dreg:$0x8] =	wrdreg s8  }
0xbb: {  	[dreg:$0x9] =	wrdreg $0x9  }
0xbc: {  	_ =	task.clear_ibuf [dreg:s13], $0xAFFFF;
	_ =	strace $0x90000046  }
0xbd: {  	s29 =	simm.s32 $0x9;
	_ =	strace $0x80000048  }
0xbe: {  	_ =	swait.ge [sflag:s29], $0x1  }
0xbf: {  	[sflag:s29] =	ssyncadd.s32 $0xFFFFFFFF  }
0xc0: {  	_ =	strace $0x90000048  }
0xc1: {  	_ =	sfence  }
0xc2: {  	s30 =	sld [smem:$0x0];
	_ =	sdelay $0x2  }
0xc3: {  	s31 =	sshll.u32 s1, $0xD;
	s1 =	sshrl.u32 s1, $0x2  }
0xc4: {  	s3 =	sand.u32 $0x4000, s31;
	s1 =	sadd.s32 s1, s30  }
0xc5: {  	s0 =	sor.u32 s3, s0;
	s1 =	sshll.u32 s1, $0x11  }
0xc6: {  	s0 =	sor.u32 s1, s0  }
0xc7: {  	s0 =	sadd.s32 $0x8F2B, s0  }
0xc8: {  	[sflag:s0] =	ssyncadd.remote.s32 $0x1  }
0xc9: {  	_ =	sfence.sel $0xFFFF  }
0xca: {  	[dreg:$0x0] =	wrdreg $0xFFFFFFFF;
	(pc) =	sbr.abs _section_cstart, $3  }
0xcb: {  	[dreg:$0x1] =	wrdreg $0xFFFFFFFF  }
0xcc: {  	_ =	task.clear_ibuf [dreg:s13], $0x2FFFF;
	_ =	strace $0x9FFFFFFF  }
0xcd: {  	(tm) =	ssettm $0x7FFFFFFF  }
tec
execute0_lowered:
.L_overlay_start_1:
0x0: {  	(tag) =	ssettag $0x1  }
0x1: {  	s0 =	rddreg [dreg:$0x0]  }
0x2: {  	s3 =	rddreg [dreg:$0x1]  }
0x3: {  	s1 =	rddreg [dreg:$0x2]  }
0x4: {  	s2 =	rddreg [dreg:$0x3]  }
0x5: {  	s4 =	rddreg [dreg:$0x6]  }
0x6: {  	s5 =	srdreg.scid;
	s9 =	simm.s32 $0x0;
	s8 =	stileid.u32  }
0x7: {  	v0 =	vlaneseq.u32;
	s15 =	simm.s32 $0x400;
	vm0 =	vmmov $0x1;
	s17 =	simm.s32 $0x7A1400;
	s18 =	simm.s32 $0x480  }
0x8: {  	s19 =	simm.s32 $0x8480;
	s20 =	simm.s32 $0x2480;
	s21 =	simm.s32 $0xA480;
	vm1 =	vmmov $0x3;
	vm2 =	vmmov $0x7;
	vm3 =	vmmov $0xf  }
0x9: {  	s22 =	simm.s32 $0x4480;
	s23 =	simm.s32 $0xC480;
	vm4 =	vmmov $0x1f;
	vm5 =	vmmov $0x3f;
	s28 =	simm.s32 $0x7;
	vm6 =	vmmov $0x7f  }
0xa: {  	vm7 =	vmmov $0xff;
	vm8 =	vmmov $0x1ff;
	s29 =	simm.s32 $0x4;
	s30 =	simm.s32 $0x8;
	vm9 =	vmmov $0x3ff;
	s5 =	sand.u32 $0x1, s5  }
0xb: {  	vm10 =	vmmov $0x7ff;
	vm11 =	vmmov $0xfff;
	vm12 =	vmmov $0x1fff;
	s8 =	sshll.u32 s8, $0x7;
	s6 =	ssub.s32 $0x2, s5;
	s5 =	sshll.u32 s5, $0x6  }
0xc: {  	s31 =	simm.s32 $0x5;
	vm13 =	vmmov $0x3fff;
	vm14 =	vmmov $0x7fff;
	[smem:$0x7FF] =	sst s9;
	v1 =	vmul.u32 $0x80, v0;
	s5 =	sor.u32 s5, s8  }
0xd: {  	v2 =	vor.u32 $0x10, v0;
	v3 =	vor.u32 $0x20, v0;
	v4 =	vor.u32 $0x30, v0;
	_ =	strace $0x80000047;
	s7 =	sshrl.u32 s6, $0x1;
	s0 =	sadd.s32 s0, s5  }
0xe: {  	v5 =	vor.u32 $0x800, v1;
	v6 =	vor.u32 $0x1000, v1;
	v7 =	vor.u32 $0x1800, v1;
	s6 =	ssub.s32 s6, s7;
	s24 =	sadd.s32 s3, s5;
	[dreg:$0x8] =	wrdreg s0  }
0xf: {  	v8 =	vor.u32 $0x2000, v1;
	v9 =	vor.u32 $0x2800, v1;
	v10 =	vor.u32 $0x3000, v1;
	s25 =	sadd.s32 s4, s5;
	s5 =	simm.s32 $0x6;
	[dreg:$0x9] =	wrdreg s24  }
0x10: {  	v11 =	vor.u32 $0x3800, v1;
	v12 =	vor.u32 $0x4000, v1;
	v13 =	vor.u32 $0x4800, v1;
	s3 =	simm.s32 $0xA;
	s7 =	simm.s32 $0x0;
	[dreg:$0xa] =	wrdreg s25  }
0x11: {  	v14 =	vor.u32 $0x5000, v1;
	v15 =	vor.u32 $0x5800, v1;
	v16 =	vor.u32 $0x6000, v1;
	s26 =	smax.u32 s6, $0x1;
	s24 =	simm.s32 $0x6480;
	s25 =	simm.s32 $0xE480  }
0x12: {  	v17 =	vor.u32 $0x6800, v1;
	v18 =	vor.u32 $0x7000, v1;
	v19 =	vor.u32 $0x7800, v1;
	s0 =	simm.s32 $0x9;
	[dreg:$0xb] =	wrdreg s26;
	s26 =	simm.s32 $0x3  }
.LBB2_1:
0x13: {  	s4 =	rddreg [dreg:$0x8]  }
0x14: {  	[tilespmem:s9], [sflag:$0x1] =	stream.linear.gather [hbm4b:s4+s9], $0x200, $0x38;
	[tilespmem:$0x10A80] =	vst v63  }
0x15: {  	s10 =	rddreg [dreg:$0x9];
	s6 =	simm.s32 $0x200  }
0x16: {  	[tilespmem:s6], [sflag:$0x1] =	stream.linear.gather [hbm4b:s10+s9], $0x200, $0x38;
	[tilespmem:$0x10A80] =	vst v63  }
0x17: {  	[tilespmem:$0x400] =	vst v0  }
0x18: {  	[tilespmem:$0x410] =	vst v2  }
0x19: {  	[tilespmem:$0x420] =	vst v3  }
0x1a: {  	[dreg:$0xc] =	wrdreg s7;
	s11 =	simm.s32 $0x1;
	[tilespmem:$0x430] =	vst v4  }
0x1b: {  	_ =	swait.ge [sflag:s11], $0x200  }
0x1c: {  	[sflag:s11] =	ssyncset.done $0x0  }
0x1d: {  	[sflag:s11] =	ssyncadd.s32 $0xFFFFFE00  }
0x1e: {  	_ =	swait.ge [sflag:s11], $0x200  }
0x1f: {  	[sflag:s11] =	ssyncset.done $0x0  }
0x20: {  	[sflag:s11] =	ssyncadd.s32 $0xFFFFFE00  }
0x21: {  	s12 =	simm.s32 $0x10480;
	s4 =	rddreg [dreg:$0x4]  }
0x22: {  	[tilespmem:s12], [sflag:$0x2] =	stream.indirect.gather [hbm4b:s4+s6], $0x1, s9, s6, $0xb8;
	[tilespmem:$0x10A80] =	vst v63  }
0x23: {  	s14 =	simm.s32 $0x10680;
	s16 =	simm.s32 $0x2;
	s13 =	rddreg [dreg:$0x5]  }
0x24: {  	[tilespmem:s14], [sflag:$0x2] =	stream.indirect.gather [hbm4b:s13+s6], $0x1, s6, s6, $0xb8;
	[tilespmem:$0x10A80] =	vst v63  }
0x25: {  	_ =	swait.ge [sflag:s16], $0x200  }
0x26: {  	[sflag:s16] =	ssyncset.done $0x0  }
0x27: {  	[sflag:s16] =	ssyncadd.s32 $0xFFFFFE00  }
0x28: {  	_ =	swait.ge [sflag:s16], $0x200  }
0x29: {  	[sflag:s16] =	ssyncset.done $0x0  }
0x2a: {  	s4 =	simm.s32 $0x0;
	[sflag:s16] =	ssyncadd.s32 $0xFFFFFE00  }
.LBB2_2:
0x2b: {  	s7 =	sshra.s32 s4, $0x2  }
0x2c: {  	v23 =	vld [tilespmem:s7+$0x0];
	_ =	sdelay $0x2  }
0x2d: {  	v22 =	vld [tilespmem:s7+$0x200];
	_ =	sdelay $0x1  }
0x2e: {  	(v2sf) =	vpush v23, $0x0;
	_ =	sdelay $0x2  }
0x2f: {  	(v2sf) =	vpush v22, $0x0  }
0x30: {  	(v2sf) =	vpush v23, $0x1;
	_ =	sdelay $0x3  }
0x31: {  	(v2sf) =	vpush v22, $0x1;
	_ =	sdelay $0x1  }
0x32: {  	(v2sf) =	vpush v23, $0x2;
	_ =	sdelay $0x4  }
0x33: {  	s8 =	spop (v2sf);
	(v2sf) =	vpush v22, $0x2;
	_ =	sdelay $0x2  }
0x34: {  	s6 =	sand.u32 $0xFFFFF80, s8;
	s9 =	spop (v2sf)  }
0x35: {  	(v2sf) =	vpush v23, $0x3;
	s6 =	sadd.s32 s1, s6;
	s13 =	sand.u32 $0xFFFFF80, s9;
	s10 =	spop (v2sf)  }
0x36: {  	[tilespmem:s18], [sflag:$0x3] =	stream.strided.gather [hbm4b:s6+s15], $0x2000, s17, s15, $0x38;
	[tilespmem:$0x10A80] =	vst v63  }
0x37: {  	(v2sf) =	vpush v22, $0x3;
	s6 =	sadd.s32 s2, s13;
	s14 =	sand.u32 $0xFFFFF80, s10  }
0x38: {  	[tilespmem:s19], [sflag:$0x7] =	stream.strided.gather [hbm4b:s6+s15], $0x2000, s17, s15, $0x38;
	[tilespmem:$0x10A80] =	vst v63  }
0x39: {  	s11 =	spop (v2sf);
	s6 =	sadd.s32 s1, s14  }
0x3a: {  	[tilespmem:s20], [sflag:$0x4] =	stream.strided.gather [hbm4b:s6+s15], $0x2000, s17, s15, $0x38;
	[tilespmem:$0x10A80] =	vst v63  }
0x3b: {  	s12 =	sand.u32 $0xFFFFF80, s11;
	s6 =	spop (v2sf)  }
0x3c: {  	s12 =	sadd.s32 s2, s12;
	s16 =	sand.u32 $0xFFFFF80, s6  }
0x3d: {  	[tilespmem:s21], [sflag:$0x8] =	stream.strided.gather [hbm4b:s12+s15], $0x2000, s17, s15, $0x38;
	[tilespmem:$0x10A80] =	vst v63  }
0x3e: {  	s12 =	sadd.s32 s1, s16  }
0x3f: {  	[tilespmem:s22], [sflag:$0x5] =	stream.strided.gather [hbm4b:s12+s15], $0x2000, s17, s15, $0x38;
	[tilespmem:$0x10A80] =	vst v63  }
0x40: {  	s13 =	spop (v2sf)  }
0x41: {  	s14 =	sand.u32 $0xFFFFF80, s13  }
0x42: {  	s12 =	sadd.s32 s2, s14  }
0x43: {  	[tilespmem:s23], [sflag:$0x9] =	stream.strided.gather [hbm4b:s12+s15], $0x2000, s17, s15, $0x38;
	[tilespmem:$0x10A80] =	vst v63  }
0x44: {  	s12 =	spop (v2sf)  }
0x45: {  	s14 =	sand.u32 $0xFFFFF80, s12  }
0x46: {  	s16 =	spop (v2sf);
	s14 =	sadd.s32 s1, s14  }
0x47: {  	[tilespmem:s24], [sflag:$0x6] =	stream.strided.gather [hbm4b:s14+s15], $0x2000, s17, s15, $0x38;
	[tilespmem:$0x10A80] =	vst v63  }
0x48: {  	s14 =	sand.u32 $0xFFFFF80, s16  }
0x49: {  	s14 =	sadd.s32 s2, s14  }
0x4a: {  	[tilespmem:s25], [sflag:$0xA] =	stream.strided.gather [hbm4b:s14+s15], $0x2000, s17, s15, $0x38;
	[tilespmem:$0x10A80] =	vst v63  }
0x4b: {  	s8 =	sand.u32 $0x7F, s8;
	_ =	swait.ge [sflag:s26], $0x2000  }
0x4c: {  	s9 =	sand.u32 $0x7F, s9;
	v20 =	vor.u32 s8, v1;
	[sflag:s26] =	ssyncset.done $0x0  }
0x4d: {  	v21 =	vor.u32 s9, v1;
	[sflag:s26] =	ssyncadd.s32 $0xFFFFE000  }
0x4e: {  	v24 =	vor.u32 s8, v5;
	_ =	swait.ge [sflag:s28], $0x2000  }
0x4f: {  	v25 =	vor.u32 s9, v5;
	[sflag:s28] =	ssyncset.done $0x0  }
0x50: {  	v26 =	vor.u32 s8, v6;
	[sflag:s28] =	ssyncadd.s32 $0xFFFFE000  }
0x51: {  	v27 =	vor.u32 s9, v6;
	v20 =	vld.idx.msk [tilespmem:v20+s18+$0x0], $0xffff  }
0x52: {  	v28 =	vor.u32 s8, v7;
	v21 =	vld.idx.msk [tilespmem:v21+s19+$0x0], $0xffff  }
0x53: {  	v29 =	vor.u32 s9, v7;
	v24 =	vld.idx.msk [tilespmem:v24+s18+$0x0], $0xffff  }
0x54: {  	v25 =	vld.idx.msk [tilespmem:v25+s19+$0x0], $0xffff  }
0x55: {  	v26 =	vld.idx.msk [tilespmem:v26+s18+$0x0], $0xffff  }
0x56: {  	(v2sf) =	vpush v23, $0x4;
	v27 =	vld.idx.msk [tilespmem:v27+s19+$0x0], $0xffff  }
0x57: {  	v34 =	vld.idx.msk [tilespmem:v28+s18+$0x0], $0xffff;
	v20 =	vmul.f32 v21, v20  }
0x58: {  	(v2sf) =	vpush v22, $0x4;
	v35 =	vld.idx.msk [tilespmem:v29+s19+$0x0], $0xffff  }
0x59: {  	v24 =	vmul.f32 v25, v24;
	v20 =	vadd.f32 $0.0e+00, v20;
	_ =	sdelay $0x1  }
0x5a: {  	v36 =	vmul.f32 v27, v26;
	v20 =	vadd.f32 v24, v20;
	_ =	sdelay $0x1  }
0x5b: {  	v21 =	vmul.f32 v35, v34;
	v20 =	vadd.f32 v36, v20;
	_ =	sdelay $0x1  }
0x5c: {  	v20 =	vadd.f32 v21, v20;
	_ =	sdelay $0x1  }
0x5d: {  	(xrf2) =	vadd.scan.msk.f32 $0xffff, v20;
	_ =	sdelay $0x3  }
0x5e: {  	s8 =	spop (v2sf)  }
0x5f: {  	s14 =	sand.u32 $0xFFFFF80, s8  }
0x60: {  	s9 =	spop (v2sf);
	s14 =	sadd.s32 s1, s14  }
0x61: {  	[tilespmem:s18], [sflag:$0x3] =	stream.strided.gather [hbm4b:s14+s15], $0x2000, s17, s15, $0x38;
	[tilespmem:$0x10A80] =	vst v63  }
0x62: {  	s14 =	sand.u32 $0xFFFFF80, s9  }
0x63: {  	s14 =	sadd.s32 s2, s14  }
0x64: {  	[tilespmem:s19], [sflag:$0x7] =	stream.strided.gather [hbm4b:s14+s15], $0x2000, s17, s15, $0x38;
	v20, _, _ =	vpop (xrf2);
	[tilespmem:$0x10A80] =	vst v63  }
0x65: {  	s10 =	sand.u32 $0x7F, s10;
	_ =	swait.ge [sflag:s29], $0x2000  }
0x66: {  	s11 =	sand.u32 $0x7F, s11;
	v37 =	vor.u32 s10, v8;
	[sflag:s29] =	ssyncset.done $0x0  }
0x67: {  	v38 =	vor.u32 s11, v8;
	[sflag:s29] =	ssyncadd.s32 $0xFFFFE000  }
0x68: {  	v39 =	vor.u32 s10, v9;
	_ =	swait.ge [sflag:s30], $0x2000  }
0x69: {  	v40 =	vor.u32 s11, v9;
	[sflag:s30] =	ssyncset.done $0x0  }
0x6a: {  	v41 =	vor.u32 s10, v10;
	[sflag:s30] =	ssyncadd.s32 $0xFFFFE000  }
0x6b: {  	v42 =	vor.u32 s11, v10;
	v21 =	vld.idx.msk [tilespmem:v37+s18+$0x0], $0xffff  }
0x6c: {  	v43 =	vor.u32 s10, v11;
	v24 =	vld.idx.msk [tilespmem:v38+s19+$0x0], $0xffff  }
0x6d: {  	v30 =	vor.u32 s11, v11;
	v25 =	vld.idx.msk [tilespmem:v39+s18+$0x0], $0xffff  }
0x6e: {  	v26 =	vld.idx.msk [tilespmem:v40+s19+$0x0], $0xffff  }
0x6f: {  	v27 =	vld.idx.msk [tilespmem:v41+s18+$0x0], $0xffff  }
0x70: {  	(v2sf) =	vpush v23, $0x5;
	v28 =	vld.idx.msk [tilespmem:v42+s19+$0x0], $0xffff  }
0x71: {  	v44 =	vld.idx.msk [tilespmem:v43+s18+$0x0], $0xffff;
	v21 =	vmul.f32 v24, v21  }
0x72: {  	(v2sf) =	vpush v22, $0x5;
	v45 =	vld.idx.msk [tilespmem:v30+s19+$0x0], $0xffff  }
0x73: {  	v25 =	vmul.f32 v26, v25;
	v21 =	vadd.f32 $0.0e+00, v21;
	_ =	sdelay $0x1  }
0x74: {  	v46 =	vmul.f32 v28, v27;
	v21 =	vadd.f32 v25, v21;
	_ =	sdelay $0x1  }
0x75: {  	v24 =	vmul.f32 v45, v44;
	v21 =	vadd.f32 v46, v21;
	_ =	sdelay $0x1  }
0x76: {  	v21 =	vadd.f32 v24, v21;
	_ =	sdelay $0x1  }
0x77: {  	(xrf2) =	vadd.scan.msk.f32 $0xffff, v21;
	_ =	sdelay $0x3  }
0x78: {  	s10 =	spop (v2sf)  }
0x79: {  	s14 =	sand.u32 $0xFFFFF80, s10  }
0x7a: {  	s11 =	spop (v2sf);
	s14 =	sadd.s32 s1, s14  }
0x7b: {  	[tilespmem:s20], [sflag:$0x4] =	stream.strided.gather [hbm4b:s14+s15], $0x2000, s17, s15, $0x38;
	[tilespmem:$0x10A80] =	vst v63  }
0x7c: {  	s14 =	sand.u32 $0xFFFFF80, s11  }
0x7d: {  	s14 =	sadd.s32 s2, s14  }
0x7e: {  	[tilespmem:s21], [sflag:$0x8] =	stream.strided.gather [hbm4b:s14+s15], $0x2000, s17, s15, $0x38;
	v21, _, _ =	vpop (xrf2);
	[tilespmem:$0x10A80] =	vst v63  }
0x7f: {  	s6 =	sand.u32 $0x7F, s6;
	_ =	swait.ge [sflag:s31], $0x2000  }
0x80: {  	v47 =	vor.u32 s6, v12;
	s13 =	sand.u32 $0x7F, s13;
	[sflag:s31] =	ssyncset.done $0x0  }
0x81: {  	v48 =	vor.u32 s13, v12;
	[sflag:s31] =	ssyncadd.s32 $0xFFFFE000  }
0x82: {  	v49 =	vor.u32 s6, v13;
	_ =	swait.ge [sflag:s0], $0x2000  }
0x83: {  	v50 =	vor.u32 s13, v13;
	[sflag:s0] =	ssyncset.done $0x0  }
0x84: {  	v51 =	vor.u32 s6, v14;
	[sflag:s0] =	ssyncadd.s32 $0xFFFFE000  }
0x85: {  	v52 =	vor.u32 s13, v14;
	v24 =	vld.idx.msk [tilespmem:v47+s18+$0x0], $0xffff  }
0x86: {  	v53 =	vor.u32 s6, v15;
	v25 =	vld.idx.msk [tilespmem:v48+s19+$0x0], $0xffff  }
0x87: {  	v31 =	vor.u32 s13, v15;
	v26 =	vld.idx.msk [tilespmem:v49+s18+$0x0], $0xffff  }
0x88: {  	v27 =	vld.idx.msk [tilespmem:v50+s19+$0x0], $0xffff  }
0x89: {  	v28 =	vld.idx.msk [tilespmem:v51+s18+$0x0], $0xffff  }
0x8a: {  	(v2sf) =	vpush v23, $0x6;
	v29 =	vld.idx.msk [tilespmem:v52+s19+$0x0], $0xffff  }
0x8b: {  	v54 =	vld.idx.msk [tilespmem:v53+s18+$0x0], $0xffff;
	v24 =	vmul.f32 v25, v24  }
0x8c: {  	(v2sf) =	vpush v22, $0x6;
	v55 =	vld.idx.msk [tilespmem:v31+s19+$0x0], $0xffff  }
0x8d: {  	v26 =	vmul.f32 v27, v26;
	v24 =	vadd.f32 $0.0e+00, v24;
	_ =	sdelay $0x1  }
0x8e: {  	v56 =	vmul.f32 v29, v28;
	v24 =	vadd.f32 v26, v24;
	_ =	sdelay $0x1  }
0x8f: {  	v25 =	vmul.f32 v55, v54;
	v24 =	vadd.f32 v56, v24;
	_ =	sdelay $0x1  }
0x90: {  	v24 =	vadd.f32 v25, v24;
	_ =	sdelay $0x1  }
0x91: {  	(xrf2) =	vadd.scan.msk.f32 $0xffff, v24;
	_ =	sdelay $0x3  }
0x92: {  	s13 =	spop (v2sf)  }
0x93: {  	s14 =	sand.u32 $0xFFFFF80, s13  }
0x94: {  	s6 =	spop (v2sf);
	s14 =	sadd.s32 s1, s14  }
0x95: {  	[tilespmem:s22], [sflag:$0x5] =	stream.strided.gather [hbm4b:s14+s15], $0x2000, s17, s15, $0x38;
	[tilespmem:$0x10A80] =	vst v63  }
0x96: {  	s14 =	sand.u32 $0xFFFFF80, s6  }
0x97: {  	s14 =	sadd.s32 s2, s14  }
0x98: {  	[tilespmem:s23], [sflag:$0x9] =	stream.strided.gather [hbm4b:s14+s15], $0x2000, s17, s15, $0x38;
	v24, _, _ =	vpop (xrf2);
	[tilespmem:$0x10A80] =	vst v63  }
0x99: {  	s12 =	sand.u32 $0x7F, s12;
	_ =	swait.ge [sflag:s5], $0x2000  }
0x9a: {  	v57 =	vor.u32 s12, v16;
	s16 =	sand.u32 $0x7F, s16;
	[sflag:s5] =	ssyncset.done $0x0  }
0x9b: {  	v58 =	vor.u32 s16, v16;
	[sflag:s5] =	ssyncadd.s32 $0xFFFFE000  }
0x9c: {  	v59 =	vor.u32 s12, v17;
	_ =	swait.ge [sflag:s3], $0x2000  }
0x9d: {  	v60 =	vor.u32 s16, v17;
	[sflag:s3] =	ssyncset.done $0x0  }
0x9e: {  	v61 =	vor.u32 s12, v18;
	[sflag:s3] =	ssyncadd.s32 $0xFFFFE000  }
0x9f: {  	v62 =	vor.u32 s16, v18;
	v25 =	vld.idx.msk [tilespmem:v57+s18+$0x0], $0xffff  }
0xa0: {  	v63 =	vor.u32 s12, v19;
	v26 =	vld.idx.msk [tilespmem:v58+s19+$0x0], $0xffff  }
0xa1: {  	v32 =	vor.u32 s16, v19;
	v27 =	vld.idx.msk [tilespmem:v59+s18+$0x0], $0xffff  }
0xa2: {  	v28 =	vld.idx.msk [tilespmem:v60+s19+$0x0], $0xffff  }
0xa3: {  	v29 =	vld.idx.msk [tilespmem:v61+s18+$0x0], $0xffff  }
0xa4: {  	(v2sf) =	vpush v23, $0x7;
	v30 =	vld.idx.msk [tilespmem:v62+s19+$0x0], $0xffff  }
0xa5: {  	v35 =	vld.idx.msk [tilespmem:v63+s18+$0x0], $0xffff;
	v25 =	vmul.f32 v26, v25  }
0xa6: {  	(v2sf) =	vpush v22, $0x7;
	v36 =	vld.idx.msk [tilespmem:v32+s19+$0x0], $0xffff  }
0xa7: {  	v27 =	vmul.f32 v28, v27;
	v25 =	vadd.f32 $0.0e+00, v25;
	_ =	sdelay $0x1  }
0xa8: {  	v37 =	vmul.f32 v30, v29;
	v25 =	vadd.f32 v27, v25;
	_ =	sdelay $0x1  }
0xa9: {  	v26 =	vmul.f32 v36, v35;
	v25 =	vadd.f32 v37, v25;
	_ =	sdelay $0x1  }
0xaa: {  	v25 =	vadd.f32 v26, v25;
	_ =	sdelay $0x1  }
0xab: {  	(xrf2) =	vadd.scan.msk.f32 $0xffff, v25;
	_ =	sdelay $0x3  }
0xac: {  	s12 =	spop (v2sf)  }
0xad: {  	s14 =	sand.u32 $0xFFFFF80, s12  }
0xae: {  	s16 =	spop (v2sf);
	s14 =	sadd.s32 s1, s14  }
0xaf: {  	[tilespmem:s24], [sflag:$0x6] =	stream.strided.gather [hbm4b:s14+s15], $0x2000, s17, s15, $0x38;
	[tilespmem:$0x10A80] =	vst v63  }
0xb0: {  	s14 =	sand.u32 $0xFFFFF80, s16  }
0xb1: {  	s14 =	sadd.s32 s2, s14  }
0xb2: {  	[tilespmem:s25], [sflag:$0xA] =	stream.strided.gather [hbm4b:s14+s15], $0x2000, s17, s15, $0x38;
	v25, _, _ =	vpop (xrf2);
	[tilespmem:$0x10A80] =	vst v63  }
0xb3: {  	s8 =	sand.u32 $0x7F, s8;
	_ =	swait.ge [sflag:s26], $0x2000  }
0xb4: {  	s9 =	sand.u32 $0x7F, s9;
	v38 =	vor.u32 s8, v1;
	[sflag:s26] =	ssyncset.done $0x0  }
0xb5: {  	v39 =	vor.u32 s9, v1;
	[sflag:s26] =	ssyncadd.s32 $0xFFFFE000  }
0xb6: {  	v40 =	vor.u32 s8, v5;
	_ =	swait.ge [sflag:s28], $0x2000  }
0xb7: {  	v41 =	vor.u32 s9, v5;
	[sflag:s28] =	ssyncset.done $0x0  }
0xb8: {  	v42 =	vor.u32 s8, v6;
	[sflag:s28] =	ssyncadd.s32 $0xFFFFE000  }
0xb9: {  	v43 =	vor.u32 s9, v6;
	v26 =	vld.idx.msk [tilespmem:v38+s18+$0x0], $0xffff  }
0xba: {  	v44 =	vor.u32 s8, v7;
	v27 =	vld.idx.msk [tilespmem:v39+s19+$0x0], $0xffff  }
0xbb: {  	v33 =	vor.u32 s9, v7;
	v28 =	vld.idx.msk [tilespmem:v40+s18+$0x0], $0xffff  }
0xbc: {  	v29 =	vld.idx.msk [tilespmem:v41+s19+$0x0], $0xffff  }
0xbd: {  	v30 =	vld.idx.msk [tilespmem:v42+s18+$0x0], $0xffff  }
0xbe: {  	(v2sf) =	vpush v23, $0x8;
	v31 =	vld.idx.msk [tilespmem:v43+s19+$0x0], $0xffff  }
0xbf: {  	v45 =	vld.idx.msk [tilespmem:v44+s18+$0x0], $0xffff;
	v26 =	vmul.f32 v27, v26  }
0xc0: {  	(v2sf) =	vpush v22, $0x8;
	v46 =	vld.idx.msk [tilespmem:v33+s19+$0x0], $0xffff  }
0xc1: {  	v28 =	vmul.f32 v29, v28;
	v26 =	vadd.f32 $0.0e+00, v26;
	_ =	sdelay $0x1  }
0xc2: {  	v47 =	vmul.f32 v31, v30;
	v26 =	vadd.f32 v28, v26;
	_ =	sdelay $0x1  }
0xc3: {  	v27 =	vmul.f32 v46, v45;
	v26 =	vadd.f32 v47, v26;
	_ =	sdelay $0x1  }
0xc4: {  	v26 =	vadd.f32 v27, v26;
	_ =	sdelay $0x1  }
0xc5: {  	(xrf2) =	vadd.scan.msk.f32 $0xffff, v26;
	_ =	sdelay $0x3  }
0xc6: {  	s8 =	spop (v2sf)  }
0xc7: {  	s14 =	sand.u32 $0xFFFFF80, s8  }
0xc8: {  	s9 =	spop (v2sf);
	s14 =	sadd.s32 s1, s14  }
0xc9: {  	[tilespmem:s18], [sflag:$0x3] =	stream.strided.gather [hbm4b:s14+s15], $0x2000, s17, s15, $0x38;
	[tilespmem:$0x10A80] =	vst v63  }
0xca: {  	s14 =	sand.u32 $0xFFFFF80, s9  }
0xcb: {  	s14 =	sadd.s32 s2, s14  }
0xcc: {  	[tilespmem:s19], [sflag:$0x7] =	stream.strided.gather [hbm4b:s14+s15], $0x2000, s17, s15, $0x38;
	v26, _, _ =	vpop (xrf2);
	[tilespmem:$0x10A80] =	vst v63  }
0xcd: {  	s10 =	sand.u32 $0x7F, s10;
	_ =	swait.ge [sflag:s29], $0x2000  }
0xce: {  	s11 =	sand.u32 $0x7F, s11;
	v48 =	vor.u32 s10, v8;
	[sflag:s29] =	ssyncset.done $0x0  }
0xcf: {  	v49 =	vor.u32 s11, v8;
	[sflag:s29] =	ssyncadd.s32 $0xFFFFE000  }
0xd0: {  	v50 =	vor.u32 s10, v9;
	_ =	swait.ge [sflag:s30], $0x2000  }
0xd1: {  	v51 =	vor.u32 s11, v9;
	[sflag:s30] =	ssyncset.done $0x0  }
0xd2: {  	v52 =	vor.u32 s10, v10;
	[sflag:s30] =	ssyncadd.s32 $0xFFFFE000  }
0xd3: {  	v53 =	vor.u32 s11, v10;
	v27 =	vld.idx.msk [tilespmem:v48+s18+$0x0], $0xffff  }
0xd4: {  	v54 =	vor.u32 s10, v11;
	v28 =	vld.idx.msk [tilespmem:v49+s19+$0x0], $0xffff  }
0xd5: {  	v34 =	vor.u32 s11, v11;
	v29 =	vld.idx.msk [tilespmem:v50+s18+$0x0], $0xffff  }
0xd6: {  	v30 =	vld.idx.msk [tilespmem:v51+s19+$0x0], $0xffff  }
0xd7: {  	v31 =	vld.idx.msk [tilespmem:v52+s18+$0x0], $0xffff  }
0xd8: {  	(v2sf) =	vpush v23, $0x9;
	v32 =	vld.idx.msk [tilespmem:v53+s19+$0x0], $0xffff  }
0xd9: {  	v55 =	vld.idx.msk [tilespmem:v54+s18+$0x0], $0xffff;
	v27 =	vmul.f32 v28, v27  }
0xda: {  	(v2sf) =	vpush v22, $0x9;
	v56 =	vld.idx.msk [tilespmem:v34+s19+$0x0], $0xffff  }
0xdb: {  	v29 =	vmul.f32 v30, v29;
	v27 =	vadd.f32 $0.0e+00, v27;
	_ =	sdelay $0x1  }
0xdc: {  	v57 =	vmul.f32 v32, v31;
	v27 =	vadd.f32 v29, v27;
	_ =	sdelay $0x1  }
0xdd: {  	v28 =	vmul.f32 v56, v55;
	v27 =	vadd.f32 v57, v27;
	_ =	sdelay $0x1  }
0xde: {  	v27 =	vadd.f32 v28, v27;
	_ =	sdelay $0x1  }
0xdf: {  	(xrf2) =	vadd.scan.msk.f32 $0xffff, v27;
	_ =	sdelay $0x3  }
0xe0: {  	s10 =	spop (v2sf)  }
0xe1: {  	s14 =	sand.u32 $0xFFFFF80, s10  }
0xe2: {  	s11 =	spop (v2sf);
	s14 =	sadd.s32 s1, s14  }
0xe3: {  	[tilespmem:s20], [sflag:$0x4] =	stream.strided.gather [hbm4b:s14+s15], $0x2000, s17, s15, $0x38;
	[tilespmem:$0x10A80] =	vst v63  }
0xe4: {  	s14 =	sand.u32 $0xFFFFF80, s11  }
0xe5: {  	s14 =	sadd.s32 s2, s14  }
0xe6: {  	[tilespmem:s21], [sflag:$0x8] =	stream.strided.gather [hbm4b:s14+s15], $0x2000, s17, s15, $0x38;
	v27, _, _ =	vpop (xrf2);
	[tilespmem:$0x10A80] =	vst v63  }
0xe7: {  	s13 =	sand.u32 $0x7F, s13;
	_ =	swait.ge [sflag:s31], $0x2000  }
0xe8: {  	s6 =	sand.u32 $0x7F, s6;
	v58 =	vor.u32 s13, v12;
	[sflag:s31] =	ssyncset.done $0x0  }
0xe9: {  	v59 =	vor.u32 s6, v12;
	[sflag:s31] =	ssyncadd.s32 $0xFFFFE000  }
0xea: {  	v60 =	vor.u32 s13, v13;
	_ =	swait.ge [sflag:s0], $0x2000  }
0xeb: {  	v61 =	vor.u32 s6, v13;
	[sflag:s0] =	ssyncset.done $0x0  }
0xec: {  	v62 =	vor.u32 s13, v14;
	[sflag:s0] =	ssyncadd.s32 $0xFFFFE000  }
0xed: {  	v63 =	vor.u32 s6, v14;
	v28 =	vld.idx.msk [tilespmem:v58+s18+$0x0], $0xffff  }
0xee: {  	v36 =	vor.u32 s13, v15;
	v29 =	vld.idx.msk [tilespmem:v59+s19+$0x0], $0xffff  }
0xef: {  	v35 =	vor.u32 s6, v15;
	v30 =	vld.idx.msk [tilespmem:v60+s18+$0x0], $0xffff  }
0xf0: {  	v31 =	vld.idx.msk [tilespmem:v61+s19+$0x0], $0xffff  }
0xf1: {  	v32 =	vld.idx.msk [tilespmem:v62+s18+$0x0], $0xffff  }
0xf2: {  	(v2sf) =	vpush v23, $0xA;
	v33 =	vld.idx.msk [tilespmem:v63+s19+$0x0], $0xffff  }
0xf3: {  	v37 =	vld.idx.msk [tilespmem:v36+s18+$0x0], $0xffff;
	v28 =	vmul.f32 v29, v28  }
0xf4: {  	(v2sf) =	vpush v22, $0xA;
	v38 =	vld.idx.msk [tilespmem:v35+s19+$0x0], $0xffff  }
0xf5: {  	v30 =	vmul.f32 v31, v30;
	v28 =	vadd.f32 $0.0e+00, v28;
	_ =	sdelay $0x1  }
0xf6: {  	v39 =	vmul.f32 v33, v32;
	v28 =	vadd.f32 v30, v28;
	_ =	sdelay $0x1  }
0xf7: {  	v29 =	vmul.f32 v38, v37;
	v28 =	vadd.f32 v39, v28;
	_ =	sdelay $0x1  }
0xf8: {  	v28 =	vadd.f32 v29, v28;
	_ =	sdelay $0x1  }
0xf9: {  	(xrf2) =	vadd.scan.msk.f32 $0xffff, v28;
	_ =	sdelay $0x3  }
0xfa: {  	s6 =	spop (v2sf)  }
0xfb: {  	s14 =	sand.u32 $0xFFFFF80, s6  }
0xfc: {  	s13 =	spop (v2sf);
	s14 =	sadd.s32 s1, s14  }
0xfd: {  	[tilespmem:s22], [sflag:$0x5] =	stream.strided.gather [hbm4b:s14+s15], $0x2000, s17, s15, $0x38;
	[tilespmem:$0x10A80] =	vst v63  }
0xfe: {  	s14 =	sand.u32 $0xFFFFF80, s13  }
0xff: {  	s14 =	sadd.s32 s2, s14  }
0x100: {  	[tilespmem:s23], [sflag:$0x9] =	stream.strided.gather [hbm4b:s14+s15], $0x2000, s17, s15, $0x38;
	v28, _, _ =	vpop (xrf2);
	[tilespmem:$0x10A80] =	vst v63  }
0x101: {  	s12 =	sand.u32 $0x7F, s12;
	_ =	swait.ge [sflag:s5], $0x2000  }
0x102: {  	s16 =	sand.u32 $0x7F, s16;
	v40 =	vor.u32 s12, v16;
	[sflag:s5] =	ssyncset.done $0x0  }
0x103: {  	v41 =	vor.u32 s16, v16;
	[sflag:s5] =	ssyncadd.s32 $0xFFFFE000  }
0x104: {  	v42 =	vor.u32 s12, v17;
	_ =	swait.ge [sflag:s3], $0x2000  }
0x105: {  	v43 =	vor.u32 s16, v17;
	[sflag:s3] =	ssyncset.done $0x0  }
0x106: {  	v44 =	vor.u32 s12, v18;
	[sflag:s3] =	ssyncadd.s32 $0xFFFFE000  }
0x107: {  	v45 =	vor.u32 s16, v18;
	v29 =	vld.idx.msk [tilespmem:v40+s18+$0x0], $0xffff  }
0x108: {  	v46 =	vor.u32 s12, v19;
	v30 =	vld.idx.msk [tilespmem:v41+s19+$0x0], $0xffff  }
0x109: {  	v36 =	vor.u32 s16, v19;
	v31 =	vld.idx.msk [tilespmem:v42+s18+$0x0], $0xffff  }
0x10a: {  	v32 =	vld.idx.msk [tilespmem:v43+s19+$0x0], $0xffff  }
0x10b: {  	v33 =	vld.idx.msk [tilespmem:v44+s18+$0x0], $0xffff  }
0x10c: {  	(v2sf) =	vpush v23, $0xB;
	v34 =	vld.idx.msk [tilespmem:v45+s19+$0x0], $0xffff  }
0x10d: {  	v47 =	vld.idx.msk [tilespmem:v46+s18+$0x0], $0xffff;
	v29 =	vmul.f32 v30, v29  }
0x10e: {  	(v2sf) =	vpush v22, $0xB;
	v48 =	vld.idx.msk [tilespmem:v36+s19+$0x0], $0xffff  }
0x10f: {  	v31 =	vmul.f32 v32, v31;
	v29 =	vadd.f32 $0.0e+00, v29;
	_ =	sdelay $0x1  }
0x110: {  	v49 =	vmul.f32 v34, v33;
	v29 =	vadd.f32 v31, v29;
	_ =	sdelay $0x1  }
0x111: {  	v30 =	vmul.f32 v48, v47;
	v29 =	vadd.f32 v49, v29;
	_ =	sdelay $0x1  }
0x112: {  	v29 =	vadd.f32 v30, v29;
	_ =	sdelay $0x1  }
0x113: {  	(xrf2) =	vadd.scan.msk.f32 $0xffff, v29;
	_ =	sdelay $0x3  }
0x114: {  	s12 =	spop (v2sf)  }
0x115: {  	s14 =	sand.u32 $0xFFFFF80, s12  }
0x116: {  	s16 =	spop (v2sf);
	s14 =	sadd.s32 s1, s14  }
0x117: {  	[tilespmem:s24], [sflag:$0x6] =	stream.strided.gather [hbm4b:s14+s15], $0x2000, s17, s15, $0x38;
	[tilespmem:$0x10A80] =	vst v63  }
0x118: {  	s14 =	sand.u32 $0xFFFFF80, s16  }
0x119: {  	s14 =	sadd.s32 s2, s14  }
0x11a: {  	[tilespmem:s25], [sflag:$0xA] =	stream.strided.gather [hbm4b:s14+s15], $0x2000, s17, s15, $0x38;
	v29, _, _ =	vpop (xrf2);
	[tilespmem:$0x10A80] =	vst v63  }
0x11b: {  	s8 =	sand.u32 $0x7F, s8;
	_ =	swait.ge [sflag:s26], $0x2000  }
0x11c: {  	s9 =	sand.u32 $0x7F, s9;
	v50 =	vor.u32 s8, v1;
	[sflag:s26] =	ssyncset.done $0x0  }
0x11d: {  	v51 =	vor.u32 s9, v1;
	[sflag:s26] =	ssyncadd.s32 $0xFFFFE000  }
0x11e: {  	v52 =	vor.u32 s8, v5;
	_ =	swait.ge [sflag:s28], $0x2000  }
0x11f: {  	v53 =	vor.u32 s9, v5;
	[sflag:s28] =	ssyncset.done $0x0  }
0x120: {  	v54 =	vor.u32 s8, v6;
	[sflag:s28] =	ssyncadd.s32 $0xFFFFE000  }
0x121: {  	v55 =	vor.u32 s9, v6;
	v30 =	vld.idx.msk [tilespmem:v50+s18+$0x0], $0xffff  }
0x122: {  	v56 =	vor.u32 s8, v7;
	v31 =	vld.idx.msk [tilespmem:v51+s19+$0x0], $0xffff  }
0x123: {  	v37 =	vor.u32 s9, v7;
	v32 =	vld.idx.msk [tilespmem:v52+s18+$0x0], $0xffff  }
0x124: {  	v33 =	vld.idx.msk [tilespmem:v53+s19+$0x0], $0xffff  }
0x125: {  	v34 =	vld.idx.msk [tilespmem:v54+s18+$0x0], $0xffff  }
0x126: {  	(v2sf) =	vpush v23, $0xC;
	v35 =	vld.idx.msk [tilespmem:v55+s19+$0x0], $0xffff  }
0x127: {  	v57 =	vld.idx.msk [tilespmem:v56+s18+$0x0], $0xffff;
	v30 =	vmul.f32 v31, v30  }
0x128: {  	(v2sf) =	vpush v22, $0xC;
	v58 =	vld.idx.msk [tilespmem:v37+s19+$0x0], $0xffff  }
0x129: {  	v32 =	vmul.f32 v33, v32;
	v30 =	vadd.f32 $0.0e+00, v30;
	_ =	sdelay $0x1  }
0x12a: {  	v59 =	vmul.f32 v35, v34;
	v30 =	vadd.f32 v32, v30;
	_ =	sdelay $0x1  }
0x12b: {  	v31 =	vmul.f32 v58, v57;
	v30 =	vadd.f32 v59, v30;
	_ =	sdelay $0x1  }
0x12c: {  	v30 =	vadd.f32 v31, v30;
	_ =	sdelay $0x1  }
0x12d: {  	(xrf2) =	vadd.scan.msk.f32 $0xffff, v30;
	_ =	sdelay $0x3  }
0x12e: {  	s8 =	spop (v2sf)  }
0x12f: {  	s14 =	sand.u32 $0xFFFFF80, s8  }
0x130: {  	s9 =	spop (v2sf);
	s14 =	sadd.s32 s1, s14  }
0x131: {  	[tilespmem:s18], [sflag:$0x3] =	stream.strided.gather [hbm4b:s14+s15], $0x2000, s17, s15, $0x38;
	[tilespmem:$0x10A80] =	vst v63  }
0x132: {  	s14 =	sand.u32 $0xFFFFF80, s9  }
0x133: {  	s14 =	sadd.s32 s2, s14  }
0x134: {  	[tilespmem:s19], [sflag:$0x7] =	stream.strided.gather [hbm4b:s14+s15], $0x2000, s17, s15, $0x38;
	v30, _, _ =	vpop (xrf2);
	[tilespmem:$0x10A80] =	vst v63  }
0x135: {  	s10 =	sand.u32 $0x7F, s10;
	_ =	swait.ge [sflag:s29], $0x2000  }
0x136: {  	s11 =	sand.u32 $0x7F, s11;
	v60 =	vor.u32 s10, v8;
	[sflag:s29] =	ssyncset.done $0x0  }
0x137: {  	v61 =	vor.u32 s11, v8;
	[sflag:s29] =	ssyncadd.s32 $0xFFFFE000  }
0x138: {  	v62 =	vor.u32 s10, v9;
	_ =	swait.ge [sflag:s30], $0x2000  }
0x139: {  	v63 =	vor.u32 s11, v9;
	[sflag:s30] =	ssyncset.done $0x0  }
0x13a: {  	v40 =	vor.u32 s10, v10;
	[sflag:s30] =	ssyncadd.s32 $0xFFFFE000  }
0x13b: {  	v41 =	vor.u32 s11, v10;
	v31 =	vld.idx.msk [tilespmem:v60+s18+$0x0], $0xffff  }
0x13c: {  	v42 =	vor.u32 s10, v11;
	v32 =	vld.idx.msk [tilespmem:v61+s19+$0x0], $0xffff  }
0x13d: {  	v38 =	vor.u32 s11, v11;
	v33 =	vld.idx.msk [tilespmem:v62+s18+$0x0], $0xffff  }
0x13e: {  	v34 =	vld.idx.msk [tilespmem:v63+s19+$0x0], $0xffff  }
0x13f: {  	v35 =	vld.idx.msk [tilespmem:v40+s18+$0x0], $0xffff  }
0x140: {  	(v2sf) =	vpush v23, $0xD;
	v36 =	vld.idx.msk [tilespmem:v41+s19+$0x0], $0xffff  }
0x141: {  	v43 =	vld.idx.msk [tilespmem:v42+s18+$0x0], $0xffff;
	v31 =	vmul.f32 v32, v31  }
0x142: {  	(v2sf) =	vpush v22, $0xD;
	v44 =	vld.idx.msk [tilespmem:v38+s19+$0x0], $0xffff  }
0x143: {  	v33 =	vmul.f32 v34, v33;
	v31 =	vadd.f32 $0.0e+00, v31;
	_ =	sdelay $0x1  }
0x144: {  	v45 =	vmul.f32 v36, v35;
	v31 =	vadd.f32 v33, v31;
	_ =	sdelay $0x1  }
0x145: {  	v32 =	vmul.f32 v44, v43;
	v31 =	vadd.f32 v45, v31;
	_ =	sdelay $0x1  }
0x146: {  	v31 =	vadd.f32 v32, v31;
	_ =	sdelay $0x1  }
0x147: {  	(xrf2) =	vadd.scan.msk.f32 $0xffff, v31;
	_ =	sdelay $0x3  }
0x148: {  	s10 =	spop (v2sf)  }
0x149: {  	s14 =	sand.u32 $0xFFFFF80, s10  }
0x14a: {  	s11 =	spop (v2sf);
	s14 =	sadd.s32 s1, s14  }
0x14b: {  	[tilespmem:s20], [sflag:$0x4] =	stream.strided.gather [hbm4b:s14+s15], $0x2000, s17, s15, $0x38;
	[tilespmem:$0x10A80] =	vst v63  }
0x14c: {  	s14 =	sand.u32 $0xFFFFF80, s11  }
0x14d: {  	s14 =	sadd.s32 s2, s14  }
0x14e: {  	[tilespmem:s21], [sflag:$0x8] =	stream.strided.gather [hbm4b:s14+s15], $0x2000, s17, s15, $0x38;
	v31, _, _ =	vpop (xrf2);
	[tilespmem:$0x10A80] =	vst v63  }
0x14f: {  	s6 =	sand.u32 $0x7F, s6;
	_ =	swait.ge [sflag:s31], $0x2000  }
0x150: {  	s13 =	sand.u32 $0x7F, s13;
	v46 =	vor.u32 s6, v12;
	[sflag:s31] =	ssyncset.done $0x0  }
0x151: {  	v47 =	vor.u32 s13, v12;
	[sflag:s31] =	ssyncadd.s32 $0xFFFFE000  }
0x152: {  	v48 =	vor.u32 s6, v13;
	_ =	swait.ge [sflag:s0], $0x2000  }
0x153: {  	v49 =	vor.u32 s13, v13;
	[sflag:s0] =	ssyncset.done $0x0  }
0x154: {  	v50 =	vor.u32 s6, v14;
	[sflag:s0] =	ssyncadd.s32 $0xFFFFE000  }
0x155: {  	v51 =	vor.u32 s13, v14;
	v32 =	vld.idx.msk [tilespmem:v46+s18+$0x0], $0xffff  }
0x156: {  	v52 =	vor.u32 s6, v15;
	v33 =	vld.idx.msk [tilespmem:v47+s19+$0x0], $0xffff  }
0x157: {  	v39 =	vor.u32 s13, v15;
	v34 =	vld.idx.msk [tilespmem:v48+s18+$0x0], $0xffff  }
0x158: {  	v35 =	vld.idx.msk [tilespmem:v49+s19+$0x0], $0xffff  }
0x159: {  	v36 =	vld.idx.msk [tilespmem:v50+s18+$0x0], $0xffff  }
0x15a: {  	(v2sf) =	vpush v23, $0xE;
	v37 =	vld.idx.msk [tilespmem:v51+s19+$0x0], $0xffff  }
0x15b: {  	v53 =	vld.idx.msk [tilespmem:v52+s18+$0x0], $0xffff;
	v32 =	vmul.f32 v33, v32  }
0x15c: {  	(v2sf) =	vpush v22, $0xE;
	v54 =	vld.idx.msk [tilespmem:v39+s19+$0x0], $0xffff  }
0x15d: {  	v34 =	vmul.f32 v35, v34;
	v32 =	vadd.f32 $0.0e+00, v32;
	_ =	sdelay $0x1  }
0x15e: {  	v55 =	vmul.f32 v37, v36;
	v32 =	vadd.f32 v34, v32;
	_ =	sdelay $0x1  }
0x15f: {  	v33 =	vmul.f32 v54, v53;
	v32 =	vadd.f32 v55, v32;
	_ =	sdelay $0x1  }
0x160: {  	v32 =	vadd.f32 v33, v32;
	_ =	sdelay $0x1  }
0x161: {  	(xrf2) =	vadd.scan.msk.f32 $0xffff, v32;
	_ =	sdelay $0x3  }
0x162: {  	s6 =	spop (v2sf)  }
0x163: {  	s14 =	sand.u32 $0xFFFFF80, s6  }
0x164: {  	s13 =	spop (v2sf);
	s14 =	sadd.s32 s1, s14  }
0x165: {  	[tilespmem:s22], [sflag:$0x5] =	stream.strided.gather [hbm4b:s14+s15], $0x2000, s17, s15, $0x38;
	[tilespmem:$0x10A80] =	vst v63  }
0x166: {  	s14 =	sand.u32 $0xFFFFF80, s13  }
0x167: {  	s14 =	sadd.s32 s2, s14  }
0x168: {  	[tilespmem:s23], [sflag:$0x9] =	stream.strided.gather [hbm4b:s14+s15], $0x2000, s17, s15, $0x38;
	v32, _, _ =	vpop (xrf2);
	[tilespmem:$0x10A80] =	vst v63  }
0x169: {  	s12 =	sand.u32 $0x7F, s12;
	_ =	swait.ge [sflag:s5], $0x2000  }
0x16a: {  	s16 =	sand.u32 $0x7F, s16;
	v56 =	vor.u32 s12, v16;
	[sflag:s5] =	ssyncset.done $0x0  }
0x16b: {  	v57 =	vor.u32 s16, v16;
	[sflag:s5] =	ssyncadd.s32 $0xFFFFE000  }
0x16c: {  	v58 =	vor.u32 s12, v17;
	_ =	swait.ge [sflag:s3], $0x2000  }
0x16d: {  	v59 =	vor.u32 s16, v17;
	[sflag:s3] =	ssyncset.done $0x0  }
0x16e: {  	v60 =	vor.u32 s12, v18;
	[sflag:s3] =	ssyncadd.s32 $0xFFFFE000  }
0x16f: {  	v61 =	vor.u32 s16, v18;
	v33 =	vld.idx.msk [tilespmem:v56+s18+$0x0], $0xffff  }
0x170: {  	v62 =	vor.u32 s12, v19;
	v34 =	vld.idx.msk [tilespmem:v57+s19+$0x0], $0xffff  }
0x171: {  	v40 =	vor.u32 s16, v19;
	v35 =	vld.idx.msk [tilespmem:v58+s18+$0x0], $0xffff  }
0x172: {  	v36 =	vld.idx.msk [tilespmem:v59+s19+$0x0], $0xffff  }
0x173: {  	v37 =	vld.idx.msk [tilespmem:v60+s18+$0x0], $0xffff  }
0x174: {  	(v2sf) =	vpush v23, $0xF;
	v38 =	vld.idx.msk [tilespmem:v61+s19+$0x0], $0xffff  }
0x175: {  	v39 =	vld.idx.msk [tilespmem:v62+s18+$0x0], $0xffff;
	v63 =	vmul.f32 v34, v33  }
0x176: {  	(v2sf) =	vpush v22, $0xF;
	v40 =	vld.idx.msk [tilespmem:v40+s19+$0x0], $0xffff  }
0x177: {  	v42 =	vmul.f32 v36, v35;
	v41 =	vadd.f32 $0.0e+00, v63;
	_ =	sdelay $0x1  }
0x178: {  	v43 =	vmul.f32 v38, v37;
	v22 =	vadd.f32 v42, v41;
	_ =	sdelay $0x1  }
0x179: {  	v44 =	vmul.f32 v40, v39;
	v22 =	vadd.f32 v43, v22;
	_ =	sdelay $0x1  }
0x17a: {  	v22 =	vadd.f32 v44, v22;
	_ =	sdelay $0x1  }
0x17b: {  	(xrf2) =	vadd.scan.msk.f32 $0xffff, v22;
	_ =	sdelay $0x3  }
0x17c: {  	s12 =	spop (v2sf)  }
0x17d: {  	s14 =	sand.u32 $0xFFFFF80, s12  }
0x17e: {  	s16 =	spop (v2sf);
	s14 =	sadd.s32 s1, s14  }
0x17f: {  	[tilespmem:s24], [sflag:$0x6] =	stream.strided.gather [hbm4b:s14+s15], $0x2000, s17, s15, $0x38;
	[tilespmem:$0x10A80] =	vst v63  }
0x180: {  	s14 =	sand.u32 $0xFFFFF80, s16  }
0x181: {  	s14 =	sadd.s32 s2, s14  }
0x182: {  	[tilespmem:s25], [sflag:$0xA] =	stream.strided.gather [hbm4b:s14+s15], $0x2000, s17, s15, $0x38;
	v22, _, _ =	vpop (xrf2);
	[tilespmem:$0x10A80] =	vst v63  }
0x183: {  	s8 =	sand.u32 $0x7F, s8;
	_ =	swait.ge [sflag:s26], $0x2000  }
0x184: {  	s9 =	sand.u32 $0x7F, s9;
	v45 =	vor.u32 s8, v1;
	[sflag:s26] =	ssyncset.done $0x0  }
0x185: {  	v46 =	vor.u32 s9, v1;
	[sflag:s26] =	ssyncadd.s32 $0xFFFFE000  }
0x186: {  	v47 =	vor.u32 s8, v5;
	_ =	swait.ge [sflag:s28], $0x2000  }
0x187: {  	v48 =	vor.u32 s9, v5;
	[sflag:s28] =	ssyncset.done $0x0  }
0x188: {  	v49 =	vor.u32 s8, v6;
	[sflag:s28] =	ssyncadd.s32 $0xFFFFE000  }
0x189: {  	v50 =	vor.u32 s9, v6;
	v23 =	vld.idx.msk [tilespmem:v45+s18+$0x0], $0xffff  }
0x18a: {  	v51 =	vor.u32 s8, v7;
	v33 =	vld.idx.msk [tilespmem:v46+s19+$0x0], $0xffff  }
0x18b: {  	v52 =	vor.u32 s9, v7;
	v34 =	vld.idx.msk [tilespmem:v47+s18+$0x0], $0xffff  }
0x18c: {  	v35 =	vld.idx.msk [tilespmem:v48+s19+$0x0], $0xffff  }
0x18d: {  	v36 =	vld.idx.msk [tilespmem:v49+s18+$0x0], $0xffff  }
0x18e: {  	v37 =	vld.idx.msk [tilespmem:v50+s19+$0x0], $0xffff  }
0x18f: {  	v53 =	vld.idx.msk [tilespmem:v51+s18+$0x0], $0xffff;
	v23 =	vmul.f32 v33, v23  }
0x190: {  	v54 =	vld.idx.msk [tilespmem:v52+s19+$0x0], $0xffff  }
0x191: {  	v34 =	vmul.f32 v35, v34;
	v23 =	vadd.f32 $0.0e+00, v23;
	_ =	sdelay $0x1  }
0x192: {  	v55 =	vmul.f32 v37, v36;
	v23 =	vadd.f32 v34, v23;
	_ =	sdelay $0x1  }
0x193: {  	v33 =	vmul.f32 v54, v53;
	v23 =	vadd.f32 v55, v23;
	_ =	sdelay $0x1  }
0x194: {  	v23 =	vadd.f32 v33, v23;
	_ =	sdelay $0x1  }
0x195: {  	(xrf2) =	vadd.scan.msk.f32 $0xffff, v23;
	_ =	sdelay $0x9  }
0x196: {  	v23, _, _ =	vpop (xrf2)  }
0x197: {  	s10 =	sand.u32 $0x7F, s10;
	_ =	swait.ge [sflag:s29], $0x2000  }
0x198: {  	s11 =	sand.u32 $0x7F, s11;
	v56 =	vor.u32 s10, v8;
	[sflag:s29] =	ssyncset.done $0x0  }
0x199: {  	v57 =	vor.u32 s11, v8;
	[sflag:s29] =	ssyncadd.s32 $0xFFFFE000  }
0x19a: {  	v58 =	vor.u32 s10, v9;
	_ =	swait.ge [sflag:s30], $0x2000  }
0x19b: {  	v59 =	vor.u32 s11, v9;
	[sflag:s30] =	ssyncset.done $0x0  }
0x19c: {  	v60 =	vor.u32 s10, v10;
	[sflag:s30] =	ssyncadd.s32 $0xFFFFE000  }
0x19d: {  	v61 =	vor.u32 s11, v10;
	v33 =	vld.idx.msk [tilespmem:v56+s18+$0x0], $0xffff  }
0x19e: {  	v62 =	vor.u32 s10, v11;
	v34 =	vld.idx.msk [tilespmem:v57+s19+$0x0], $0xffff  }
0x19f: {  	v63 =	vor.u32 s11, v11;
	v35 =	vld.idx.msk [tilespmem:v58+s18+$0x0], $0xffff  }
0x1a0: {  	v36 =	vld.idx.msk [tilespmem:v59+s19+$0x0], $0xffff  }
0x1a1: {  	v37 =	vld.idx.msk [tilespmem:v60+s18+$0x0], $0xffff  }
0x1a2: {  	v38 =	vld.idx.msk [tilespmem:v61+s19+$0x0], $0xffff  }
0x1a3: {  	v44 =	vld.idx.msk [tilespmem:v62+s18+$0x0], $0xffff;
	v33 =	vmul.f32 v34, v33  }
0x1a4: {  	v45 =	vld.idx.msk [tilespmem:v63+s19+$0x0], $0xffff  }
0x1a5: {  	v35 =	vmul.f32 v36, v35;
	v33 =	vadd.f32 $0.0e+00, v33;
	_ =	sdelay $0x1  }
0x1a6: {  	v46 =	vmul.f32 v38, v37;
	v33 =	vadd.f32 v35, v33;
	_ =	sdelay $0x1  }
0x1a7: {  	v34 =	vmul.f32 v45, v44;
	v33 =	vadd.f32 v46, v33;
	_ =	sdelay $0x1  }
0x1a8: {  	v33 =	vadd.f32 v34, v33;
	_ =	sdelay $0x1  }
0x1a9: {  	(xrf2) =	vadd.scan.msk.f32 $0xffff, v33;
	_ =	sdelay $0x9  }
0x1aa: {  	v33, _, _ =	vpop (xrf2)  }
0x1ab: {  	s6 =	sand.u32 $0x7F, s6;
	_ =	swait.ge [sflag:s31], $0x2000  }
0x1ac: {  	s13 =	sand.u32 $0x7F, s13;
	v47 =	vor.u32 s6, v12;
	[sflag:s31] =	ssyncset.done $0x0  }
0x1ad: {  	v48 =	vor.u32 s13, v12;
	[sflag:s31] =	ssyncadd.s32 $0xFFFFE000  }
0x1ae: {  	v49 =	vor.u32 s6, v13;
	_ =	swait.ge [sflag:s0], $0x2000  }
0x1af: {  	v50 =	vor.u32 s13, v13;
	[sflag:s0] =	ssyncset.done $0x0  }
0x1b0: {  	v51 =	vor.u32 s6, v14;
	[sflag:s0] =	ssyncadd.s32 $0xFFFFE000  }
0x1b1: {  	v52 =	vor.u32 s13, v14;
	v34 =	vld.idx.msk [tilespmem:v47+s18+$0x0], $0xffff  }
0x1b2: {  	v53 =	vor.u32 s6, v15;
	v35 =	vld.idx.msk [tilespmem:v48+s19+$0x0], $0xffff  }
0x1b3: {  	v41 =	vor.u32 s13, v15;
	v36 =	vld.idx.msk [tilespmem:v49+s18+$0x0], $0xffff  }
0x1b4: {  	v37 =	vld.idx.msk [tilespmem:v50+s19+$0x0], $0xffff  }
0x1b5: {  	v38 =	vld.idx.msk [tilespmem:v51+s18+$0x0], $0xffff  }
0x1b6: {  	v39 =	vld.idx.msk [tilespmem:v52+s19+$0x0], $0xffff  }
0x1b7: {  	v54 =	vld.idx.msk [tilespmem:v53+s18+$0x0], $0xffff;
	v34 =	vmul.f32 v35, v34  }
0x1b8: {  	v55 =	vld.idx.msk [tilespmem:v41+s19+$0x0], $0xffff  }
0x1b9: {  	v36 =	vmul.f32 v37, v36;
	v34 =	vadd.f32 $0.0e+00, v34;
	_ =	sdelay $0x1  }
0x1ba: {  	v56 =	vmul.f32 v39, v38;
	v34 =	vadd.f32 v36, v34;
	_ =	sdelay $0x1  }
0x1bb: {  	v35 =	vmul.f32 v55, v54;
	v34 =	vadd.f32 v56, v34;
	_ =	sdelay $0x1  }
0x1bc: {  	v34 =	vadd.f32 v35, v34;
	_ =	sdelay $0x1  }
0x1bd: {  	(xrf2) =	vadd.scan.msk.f32 $0xffff, v34;
	_ =	sdelay $0x9  }
0x1be: {  	v34, _, _ =	vpop (xrf2)  }
0x1bf: {  	s14 =	sand.u32 $0x7F, s12;
	_ =	swait.ge [sflag:s5], $0x2000  }
0x1c0: {  	s16 =	sand.u32 $0x7F, s16;
	v57 =	vor.u32 s14, v16;
	[sflag:s5] =	ssyncset.done $0x0  }
0x1c1: {  	v58 =	vor.u32 s16, v16;
	[sflag:s5] =	ssyncadd.s32 $0xFFFFE000  }
0x1c2: {  	v59 =	vor.u32 s14, v17;
	_ =	swait.ge [sflag:s3], $0x2000  }
0x1c3: {  	v60 =	vor.u32 s16, v17;
	[sflag:s3] =	ssyncset.done $0x0  }
0x1c4: {  	v61 =	vor.u32 s14, v18;
	[sflag:s3] =	ssyncadd.s32 $0xFFFFE000  }
0x1c5: {  	v62 =	vor.u32 s16, v18;
	v35 =	vld.idx.msk [tilespmem:v57+s18+$0x0], $0xffff  }
0x1c6: {  	v63 =	vor.u32 s14, v19;
	v36 =	vld.idx.msk [tilespmem:v58+s19+$0x0], $0xffff  }
0x1c7: {  	v42 =	vor.u32 s16, v19;
	v37 =	vld.idx.msk [tilespmem:v59+s18+$0x0], $0xffff  }
0x1c8: {  	v38 =	vld.idx.msk [tilespmem:v60+s19+$0x0], $0xffff  }
0x1c9: {  	v39 =	vld.idx.msk [tilespmem:v61+s18+$0x0], $0xffff  }
0x1ca: {  	v40 =	vld.idx.msk [tilespmem:v62+s19+$0x0], $0xffff  }
0x1cb: {  	v45 =	vld.idx.msk [tilespmem:v63+s18+$0x0], $0xffff;
	v35 =	vmul.f32 v36, v35  }
0x1cc: {  	v46 =	vld.idx.msk [tilespmem:v42+s19+$0x0], $0xffff  }
0x1cd: {  	v37 =	vmul.f32 v38, v37;
	v35 =	vadd.f32 $0.0e+00, v35;
	_ =	sdelay $0x1  }
0x1ce: {  	v47 =	vmul.f32 v40, v39;
	v35 =	vadd.f32 v37, v35  }
0x1cf: {  	v20 =	vbroadcast v20, $0xF;
	v21 =	vbroadcast v21, $0xF  }
0x1d0: {  	v24 =	vbroadcast v24, $0xF;
	v36 =	vmul.f32 v46, v45;
	v35 =	vadd.f32 v47, v35  }
0x1d1: {  	v20 =	vsel vm0, v20, v21;
	v48 =	vbroadcast v25, $0xF  }
0x1d2: {  	v20 =	vsel vm1, v20, v24;
	v50 =	vbroadcast v26, $0xF;
	v49 =	vadd.f32 v36, v35  }
0x1d3: {  	v51 =	vbroadcast v27, $0xF;
	v20 =	vsel vm2, v20, v48  }
0x1d4: {  	v52 =	vbroadcast v28, $0xF;
	v20 =	vsel vm3, v20, v50;
	(xrf2) =	vadd.scan.msk.f32 $0xffff, v49  }
0x1d5: {  	v53 =	vbroadcast v29, $0xF;
	v20 =	vsel vm4, v20, v51  }
0x1d6: {  	v20 =	vsel vm5, v20, v52;
	v54 =	vbroadcast v30, $0xF  }
0x1d7: {  	v55 =	vbroadcast v31, $0xF;
	v20 =	vsel vm6, v20, v53  }
0x1d8: {  	v20 =	vsel vm7, v20, v54;
	v56 =	vbroadcast v32, $0xF  }
0x1d9: {  	v20 =	vsel vm8, v20, v55;
	v57 =	vbroadcast v22, $0xF  }
0x1da: {  	v20 =	vsel vm9, v20, v56;
	v58 =	vbroadcast v23, $0xF  }
0x1db: {  	v59 =	vbroadcast v33, $0xF;
	v60 =	vld [tilespmem:s7+$0x10480];
	v20 =	vsel vm10, v20, v57  }
0x1dc: {  	v61 =	vbroadcast v34, $0xF;
	v20 =	vsel vm11, v20, v58  }
0x1dd: {  	v62 =	vld [tilespmem:s7+$0x10680];
	v20 =	vsel vm12, v20, v59  }
0x1de: {  	v20 =	vsel vm13, v20, v61;
	v63, _, _ =	vpop (xrf2)  }
0x1df: {  	p0 =	sne.s32 s4, $0x7C0;
	v20 =	vsel vm14, v20, v63  }
.Ltmp0:
0x1e0: {  	v20 =	vadd.f32 v20, v60;
	(pc) =	sbr.rel @p0 .LBB2_2-.Ltmp0, $3  }
0x1e1: {  	_ = 	snop  }
0x1e2: {  	v20 =	vadd.f32 v20, v62;
	_ =	sdelay $0x1  }
0x1e3: {  	s4 =	sadd.s32 $0x40, s4;
	[tilespmem:s7+$0x10880] =	vst v20  }
0x1e4: {  	s9 =	simm.s32 $0x0  }
0x1e5: {  	s4 =	rddreg [dreg:$0xa];
	s6 =	simm.s32 $0x10880;
	s14 =	simm.s32 $0xB  }
0x1e6: {  	[hbm4b:s4+s9] =	stream.linear.scatter [tilespmem:s6], [sflag:$0xB], $0x200, $0x38;
	[tilespmem:$0x10A80] =	vst v63  }
0x1e7: {  	_ =	swait.ge [sflag:s14], $0x200  }
0x1e8: {  	s7 =	rddreg [dreg:$0xc]  }
0x1e9: {  	s16 =	rddreg [dreg:$0xb];
	s7 =	sadd.s32 $0x1, s7  }
0x1ea: {  	p0 =	sne.s32 s7, s16  }
.Ltmp1:
0x1eb: {  	_ = 	snop;
	(pc) =	sbr.rel @p0 .LBB2_1-.Ltmp1, $3  }
0x1ec: {  	_ =	sdelay $0x1  }
0x1ed: {  	[sflag:s14] =	ssyncset.done $0x0  }
0x1ee: {  	[sflag:s14] =	ssyncadd.s32 $0xFFFFFE00  }
0x1ef: {  	_ =	sfence.sel $0x180000  }
0x1f0: {  	[bflag:$0x0] =	sbarrier.arrive $0xFFFF  }
0x1f1: {  	_ =	strace $0x90000047  }
0x1f2: {  	s0 =	stileid.u32;
	[bflag:$0x2] =	sbarrier.arrive $0xFFFF  }
0x1f3: {  	p0 =	sne.s32 s0, $0x0;
	s0 =	rddreg [dreg:$0x7]  }
0x1f4: {  	s0 =	sadd.s32 @!p0 $0x100000, s0  }
0x1f5: {  	[sflag:s0] =	ssyncadd.tile.s32 @!p0 $0x1;
	_ =	shalt  }
.Lfunc_end2:
_tile_overlayer_lowered:
.L_overlay_start_2:
0x1f6: {  	(tag) =	ssettag $0x2  }
0x1f7: {  	s0 =	rddreg [dreg:$0x0];
	s2 =	stileid.u32  }
0x1f8: {  	s1 =	rddreg [dreg:$0x1];
	p0 =	sne.s32 s2, $0x0  }
0x1f9: {  	s3 =	rddreg [dreg:$0x2];
	[bflag:$0x3] =	sbarrier.arrive $0xFFFF;
	s2 =	simm.s32 @!p0 $0x1C0B  }
0x1fa: {  	[timem:s3], [sflag:s2] =	dma.local @!p0 [hbm:s0], s1  }
0x1fb: {  	s0 =	simm.s32 @!p0 $0xB  }
0x1fc: {  	_ =	swait.ge @!p0 [sflag:s0], s1  }
0x1fd: {  	s1 =	ssub.s32 @!p0 $0x0, s1;
	[sflag:s0] =	ssyncset.done @!p0 $0x0  }
0x1fe: {  	[sflag:s0] =	ssyncadd.s32 @!p0 s1  }
0x1ff: {  	[bflag:$0x3] =	sbarrier.arrive $0xFFFF  }
0x200: {  	_ =	shalt  }

</sc_bundles>
